<compile_context>
chip_gen: v7x
topology: tpu7x:2x2x1
jax: 0.10.2.dev20260603
libtpu: 0.0.44.dev20260713+nightly
codegen_flags: <defaults>
</compile_context>

<pallas_src>
import numpy as np
import jax
import jax.numpy as jnp
from jax.experimental import pallas as pl
from jax.experimental.pallas import tpu as pltpu
from jax.experimental.pallas import tpu_sc as plsc

D_MODEL = 1024
LANES = 16


def _make_pe_np(seq_len: int) -> np.ndarray:
    position = np.arange(seq_len, dtype=np.float64)[:, None]
    div_term = np.exp(
        np.arange(0, D_MODEL, 2, dtype=np.float64) * (-np.log(10000.0) / D_MODEL)
    )
    pe = np.zeros((seq_len, D_MODEL), dtype=np.float32)
    pe[:, 0::2] = np.sin(position * div_term).astype(np.float32)
    pe[:, 1::2] = np.cos(position * div_term).astype(np.float32)
    return pe


def _tc_body(xi_ref, xt_ref, pe_ref, emb_ref, oi_ref, ot_ref):
    pe = pe_ref[...]
    oi_ref[...] = xi_ref[...] + (pe + emb_ref[1, :])[None]
    ot_ref[...] = xt_ref[...] + (pe + emb_ref[2, :])[None]


def _tc_two(x_image, x_text, pe, emb_table):
    B, S, D = x_image.shape
    bs = 256
    grid = (S // bs, B)
    x_spec = pl.BlockSpec((1, bs, D), lambda s, b: (b, s, 0))
    pe_spec = pl.BlockSpec((bs, D), lambda s, b: (s, 0))
    emb_spec = pl.BlockSpec((3, D), lambda s, b: (0, 0))
    out_shape = jax.ShapeDtypeStruct((B, S, D), x_image.dtype)
    return pl.pallas_call(
        _tc_body,
        grid=grid,
        in_specs=[x_spec, x_spec, pe_spec, emb_spec],
        out_specs=[x_spec, x_spec],
        out_shape=[out_shape, out_shape],
        compiler_params=pltpu.CompilerParams(
            dimension_semantics=("arbitrary", "arbitrary"),
        ),
    )(x_image, x_text, pe, emb_table)


def _sc_one(x, pe3, emb_row):
    B, S, D = x.shape
    bs = 4
    mesh = plsc.VectorSubcoreMesh(core_axis_name="core", subcore_axis_name="subcore")

    @pl.kernel(out_type=jax.ShapeDtypeStruct((B, S, D), x.dtype), mesh=mesh)
    def sc_kernel(x_hbm, pe_hbm, emb_hbm, o_hbm):
        def body(x_v, pe_v, emb_v, o_v):
            @plsc.parallel_loop(0, D, step=LANES, unroll=4)
            def _(c):
                e = emb_v[0, pl.ds(c, LANES)]
                for r in range(bs):
                    pem = pe_v[0, r, pl.ds(c, LANES)] + e
                    for b in range(B):
                        o_v[b, r, pl.ds(c, LANES)] = x_v[b, r, pl.ds(c, LANES)] + pem

        pltpu.emit_pipeline(
            body,
            grid=(S // bs,),
            in_specs=[
                pl.BlockSpec((B, bs, D), lambda s: (0, s, 0)),
                pl.BlockSpec((1, bs, D), lambda s: (0, s, 0)),
                pl.BlockSpec((1, D), lambda s: (0, 0)),
            ],
            out_specs=[pl.BlockSpec((B, bs, D), lambda s: (0, s, 0))],
            core_axis_name=("core", "subcore"),
            dimension_semantics=(pltpu.PARALLEL,),
        )(x_hbm, pe_hbm, emb_hbm, o_hbm)

    return sc_kernel(x, pe3, emb_row)


def kernel(x_sensor, x_image, x_text, emb_table):
    B, S, D = x_sensor.shape
    pe_np = _make_pe_np(S)
    pe = jnp.asarray(pe_np)
    pe3 = jnp.asarray(pe_np[None])
    out_sensor = _sc_one(x_sensor, pe3, emb_table)
    out_image, out_text = _tc_two(x_image, x_text, pe, emb_table)
    return (out_sensor, out_image, out_text)

# --- scband reference (transcript-rebuilt; emitter-appended) ---
"""Pipeline reference for scband-pos-mod-emb-4715874091565 (READ-ONLY COPY).

The authoritative reference and input builder live on the scoring server;
editing this copy changes nothing except your own understanding.
"""

import jax, jax.numpy as jnp
import numpy as np

D_MODEL = 1024
MAX_LEN = 5000
NUM_MODALITY = 3

def make_pe(d_model=D_MODEL, max_len=MAX_LEN):
    position = np.arange(max_len, dtype=np.float64)[:, None]
    div_term = np.exp(np.arange(0, d_model, 2, dtype=np.float64) * (-np.log(10000.0) / d_model))
    pe = np.zeros((max_len, d_model), dtype=np.float32)
    pe[:, 0::2] = np.sin(position * div_term).astype(np.float32)
    pe[:, 1::2] = np.cos(position * div_term).astype(np.float32)
    return jnp.asarray(pe)

def setup_inputs(seed: int = 0) -> dict:
    key = jax.random.key(seed)
    k1, k2, k3, k4 = jax.random.split(key, 4)
    B, S, D = 4, 4096, D_MODEL
    x_sensor = jax.random.normal(k1, (B, S, D), dtype=jnp.float32)
    x_image = jax.random.normal(k2, (B, S, D), dtype=jnp.float32)
    x_text = jax.random.normal(k3, (B, S, D), dtype=jnp.float32)
    # learned modality embedding table [num_modality, d_model]
    emb_table = jax.random.normal(k4, (NUM_MODALITY, D), dtype=jnp.float32)
    return {"x_sensor": x_sensor, "x_image": x_image, "x_text": x_text, "emb_table": emb_table}

def reference(x_sensor, x_image, x_text, emb_table):
    # Eval mode: dropout is identity.
    pe = make_pe()
    outs = []
    for modality_idx, x in enumerate([x_sensor, x_image, x_text]):
        seq_len = x.shape[1]
        # PositionalEncoding: permute to [S,B,D], add pe[:S], permute back == add pe[:S] along seq axis
        data = x + pe[:seq_len][None, :, :]
        # modality indices: zeros(data.shape[1]) + modality_idx -> [seq_len]
        idx = jnp.full((seq_len,), modality_idx, dtype=jnp.int32)
        mod = jnp.take(emb_table, idx, axis=0)  # [seq_len, d_model]
        outs.append(data + mod[None, :, :])
    return tuple(outs)

if __name__ == "__main__":
    import jax
    _d = setup_inputs()
    print(jax.jit(kernel)(*tuple(_d.values())))

</pallas_src>

<mosaic_0001>
#map = affine_map<(d0, d1) -> (0, 0, 0)>
#map1 = affine_map<(d0, d1) -> (0, 0)>
module attributes {stable_mosaic.version = 14 : i64} {
  func.func @sc_kernel(%arg0: i32, %arg1: i32, %arg2: memref<4x4096x1024xf32, #tpu.memory_space<hbm>>, %arg3: memref<1x4096x1024xf32, #tpu.memory_space<hbm>>, %arg4: memref<3x1024xf32, #tpu.memory_space<hbm>>, %arg5: memref<4x4096x1024xf32, #tpu.memory_space<hbm>>) attributes {dimension_semantics = [#tpu.dimension_semantics<core_parallel>, #tpu.dimension_semantics<subcore_parallel>], iteration_bounds = array<i64: 2, 16>, scalar_prefetch = 0 : i64, scratch_operands = 0 : i64, tpu.core_type = #tpu.core_type<sc_vector_subcore>, window_params = [{transform_indices = #map}, {transform_indices = #map}, {transform_indices = #map1}, {transform_indices = #map}]} {
    %mul3A = arith.constant 1 : i32
    %mul3A_0 = arith.muli %arg1, %mul3A : i32
    %add3A = arith.constant 0 : i32
    %add3A_1 = arith.addi %add3A, %mul3A_0 : i32
    %mul3A_2 = arith.constant 16 : i32
    %mul3A_3 = arith.muli %arg0, %mul3A_2 : i32
    %add3A_4 = arith.addi %add3A_1, %mul3A_3 : i32
    %mul3A_5 = arith.constant 32 : i32
    %mul3A_6 = arith.muli %add3A_4, %mul3A_5 : i32
    "tpu.region"() ({
      %run_scoped3A = memref.alloca() : memref<2x4x4x1024xf32, #tpu.memory_space<vmem>>
      %run_scoped3A_7 = tpu.sem_alloc : memref<2x!tpu.dma_semaphore, #tpu.memory_space<semaphore_mem>>
      %run_scoped3A_8 = memref.alloca() : memref<2x1x4x1024xf32, #tpu.memory_space<vmem>>
      %run_scoped3A_9 = tpu.sem_alloc : memref<2x!tpu.dma_semaphore, #tpu.memory_space<semaphore_mem>>
      %run_scoped3A_10 = memref.alloca() : memref<2x1x1024xf32, #tpu.memory_space<vmem>>
      %run_scoped3A_11 = tpu.sem_alloc : memref<2x!tpu.dma_semaphore, #tpu.memory_space<semaphore_mem>>
      %run_scoped3A_12 = memref.alloca() : memref<2x4x4x1024xf32, #tpu.memory_space<vmem>>
      %run_scoped3A_13 = tpu.sem_alloc : memref<2x!tpu.dma_semaphore, #tpu.memory_space<semaphore_mem>>
      %add3A_14 = arith.constant 0 : i32
      %add3A_15 = arith.addi %add3A_14, %mul3A_6 : i32
      %select_n3A = arith.constant true
      %select_n3A_16 = arith.constant 0 : i32
      %select_n3A_17 = arith.constant -1 : i32
      %select_n3A_18 = arith.select %select_n3A, %select_n3A_17, %select_n3A_16 : i32
      %eq3A = arith.constant -1 : i32
      %eq3A_19 = arith.cmpi eq, %select_n3A_18, %eq3A : i32
      %select_n3A_20 = arith.constant 31 : i32
      %select_n3A_21 = arith.select %eq3A_19, %select_n3A_20, %select_n3A_18 : i32
      %add3A_22 = arith.addi %select_n3A_21, %mul3A_6 : i32
      %select_n3A_23 = arith.constant true
      %select_n3A_24 = arith.constant 0 : i32
      %select_n3A_25 = arith.constant 1 : i32
      %select_n3A_26 = arith.select %select_n3A_23, %select_n3A_25, %select_n3A_24 : i32
      %eq3A_27 = arith.constant 32 : i32
      %eq3A_28 = arith.cmpi eq, %select_n3A_26, %eq3A_27 : i32
      %select_n3A_29 = arith.constant 0 : i32
      %select_n3A_30 = arith.select %eq3A_28, %select_n3A_29, %select_n3A_26 : i32
      %add3A_31 = arith.addi %select_n3A_30, %mul3A_6 : i32
      %add3A_32 = arith.constant 1 : i32
      %add3A_33 = arith.addi %select_n3A_30, %add3A_32 : i32
      %select_n3A_34 = arith.constant true
      %select_n3A_35 = arith.select %select_n3A_34, %add3A_33, %select_n3A_30 : i32
      %eq3A_36 = arith.constant 32 : i32
      %eq3A_37 = arith.cmpi eq, %select_n3A_35, %eq3A_36 : i32
      %select_n3A_38 = arith.constant 0 : i32
      %select_n3A_39 = arith.select %eq3A_37, %select_n3A_38, %select_n3A_35 : i32
      %add3A_40 = arith.addi %select_n3A_39, %mul3A_6 : i32
      "tpu.trace_start"() <{level = 10 : i32, message = "ep_initialize_0"}> : () -> ()
      %rem3A = arith.constant 0 : i32
      %rem3A_41 = arith.constant 2 : i32
      %rem3A_42 = arith.remui %rem3A, %rem3A_41 : i32
      %mul3A_43 = arith.constant 4 : i32
      %mul3A_44 = arith.muli %mul3A_43, %add3A_15 : i32
      %dma_start3A = arith.constant 0 : i32
      %dma_start3A_45 = arith.constant 0 : i32
      %dma_start3A_46 = arith.constant 0 : i32
      %dma_start3A_47 = tpu.memref_slice %run_scoped3A[%rem3A_42, %dma_start3A, %dma_start3A_45, %dma_start3A_46] : memref<2x4x4x1024xf32, #tpu.memory_space<vmem>> -> memref<1x4x4x1024xf32, #tpu.memory_space<vmem>>
      %dma_start3A_48 = tpu.memref_squeeze %dma_start3A_47 : memref<1x4x4x1024xf32, #tpu.memory_space<vmem>> -> memref<4x4x1024xf32, #tpu.memory_space<vmem>>
      %dma_start3A_49 = arith.constant 0 : i32
      %dma_start3A_50 = arith.constant 0 : i32
      %dma_start3A_51 = tpu.memref_slice %arg2[%dma_start3A_49, %mul3A_44, %dma_start3A_50] : memref<4x4096x1024xf32, #tpu.memory_space<hbm>> -> memref<4x4x1024xf32, #tpu.memory_space<hbm>>
      %dma_start3A_52 = tpu.memref_slice %run_scoped3A_7[%rem3A_42] : memref<2x!tpu.dma_semaphore, #tpu.memory_space<semaphore_mem>> -> memref<1x!tpu.dma_semaphore, #tpu.memory_space<semaphore_mem>>
      %dma_start3A_53 = tpu.memref_squeeze %dma_start3A_52 : memref<1x!tpu.dma_semaphore, #tpu.memory_space<semaphore_mem>> -> memref<!tpu.dma_semaphore, #tpu.memory_space<semaphore_mem>>
      %dma_start3A_54 = arith.constant 0 : i32
      %dma_start3A_55 = arith.constant 0 : i32
      %dma_start3A_56 = arith.constant 0 : i32
      %dma_start3A_57 = tpu.memref_slice %run_scoped3A[%rem3A_42, %dma_start3A_54, %dma_start3A_55, %dma_start3A_56] : memref<2x4x4x1024xf32, #tpu.memory_space<vmem>> -> memref<1x4x4x1024xf32, #tpu.memory_space<vmem>>
      %dma_start3A_58 = tpu.memref_squeeze %dma_start3A_57 : memref<1x4x4x1024xf32, #tpu.memory_space<vmem>> -> memref<4x4x1024xf32, #tpu.memory_space<vmem>>
      %dma_start3A_59 = arith.constant 0 : i32
      %dma_start3A_60 = arith.constant 0 : i32
      %dma_start3A_61 = tpu.memref_slice %arg2[%dma_start3A_59, %mul3A_44, %dma_start3A_60] : memref<4x4096x1024xf32, #tpu.memory_space<hbm>> -> memref<4x4x1024xf32, #tpu.memory_space<hbm>>
      tpu.enqueue_dma source(%dma_start3A_61 : memref<4x4x1024xf32, #tpu.memory_space<hbm>>) target(%dma_start3A_58 : memref<4x4x1024xf32, #tpu.memory_space<vmem>>) target_semaphore(%dma_start3A_53 : memref<!tpu.dma_semaphore, #tpu.memory_space<semaphore_mem>>)
      %add3A_62 = arith.constant 0 : i32
      %add3A_63 = arith.constant 1 : i32
      %add3A_64 = arith.addi %add3A_62, %add3A_63 : i32
      %select_n3A_65 = arith.constant true
      %select_n3A_66 = arith.constant 0 : i32
      %select_n3A_67 = arith.select %select_n3A_65, %add3A_64, %select_n3A_66 : i32
      %rem3A_68 = arith.constant 0 : i32
      %rem3A_69 = arith.constant 2 : i32
      %rem3A_70 = arith.remui %rem3A_68, %rem3A_69 : i32
      %mul3A_71 = arith.constant 4 : i32
      %mul3A_72 = arith.muli %mul3A_71, %add3A_15 : i32
      %dma_start3A_73 = arith.constant 0 : i32
      %dma_start3A_74 = arith.constant 0 : i32
      %dma_start3A_75 = arith.constant 0 : i32
      %dma_start3A_76 = tpu.memref_slice %run_scoped3A_8[%rem3A_70, %dma_start3A_73, %dma_start3A_74, %dma_start3A_75] : memref<2x1x4x1024xf32, #tpu.memory_space<vmem>> -> memref<1x1x4x1024xf32, #tpu.memory_space<vmem>>
      %dma_start3A_77 = tpu.memref_squeeze %dma_start3A_76 : memref<1x1x4x1024xf32, #tpu.memory_space<vmem>> -> memref<1x4x1024xf32, #tpu.memory_space<vmem>>
      %dma_start3A_78 = arith.constant 0 : i32
      %dma_start3A_79 = arith.constant 0 : i32
      %dma_start3A_80 = tpu.memref_slice %arg3[%dma_start3A_78, %mul3A_72, %dma_start3A_79] : memref<1x4096x1024xf32, #tpu.memory_space<hbm>> -> memref<1x4x1024xf32, #tpu.memory_space<hbm>>
      %dma_start3A_81 = tpu.memref_slice %run_scoped3A_9[%rem3A_70] : memref<2x!tpu.dma_semaphore, #tpu.memory_space<semaphore_mem>> -> memref<1x!tpu.dma_semaphore, #tpu.memory_space<semaphore_mem>>
      %dma_start3A_82 = tpu.memref_squeeze %dma_start3A_81 : memref<1x!tpu.dma_semaphore, #tpu.memory_space<semaphore_mem>> -> memref<!tpu.dma_semaphore, #tpu.memory_space<semaphore_mem>>
      %dma_start3A_83 = arith.constant 0 : i32
      %dma_start3A_84 = arith.constant 0 : i32
      %dma_start3A_85 = arith.constant 0 : i32
      %dma_start3A_86 = tpu.memref_slice %run_scoped3A_8[%rem3A_70, %dma_start3A_83, %dma_start3A_84, %dma_start3A_85] : memref<2x1x4x1024xf32, #tpu.memory_space<vmem>> -> memref<1x1x4x1024xf32, #tpu.memory_space<vmem>>
      %dma_start3A_87 = tpu.memref_squeeze %dma_start3A_86 : memref<1x1x4x1024xf32, #tpu.memory_space<vmem>> -> memref<1x4x1024xf32, #tpu.memory_space<vmem>>
      %dma_start3A_88 = arith.constant 0 : i32
      %dma_start3A_89 = arith.constant 0 : i32
      %dma_start3A_90 = tpu.memref_slice %arg3[%dma_start3A_88, %mul3A_72, %dma_start3A_89] : memref<1x4096x1024xf32, #tpu.memory_space<hbm>> -> memref<1x4x1024xf32, #tpu.memory_space<hbm>>
      tpu.enqueue_dma source(%dma_start3A_90 : memref<1x4x1024xf32, #tpu.memory_space<hbm>>) target(%dma_start3A_87 : memref<1x4x1024xf32, #tpu.memory_space<vmem>>) target_semaphore(%dma_start3A_82 : memref<!tpu.dma_semaphore, #tpu.memory_space<semaphore_mem>>)
      %add3A_91 = arith.constant 0 : i32
      %add3A_92 = arith.constant 1 : i32
      %add3A_93 = arith.addi %add3A_91, %add3A_92 : i32
      %select_n3A_94 = arith.constant true
      %select_n3A_95 = arith.constant 0 : i32
      %select_n3A_96 = arith.select %select_n3A_94, %add3A_93, %select_n3A_95 : i32
      %rem3A_97 = arith.constant 0 : i32
      %rem3A_98 = arith.constant 2 : i32
      %rem3A_99 = arith.remui %rem3A_97, %rem3A_98 : i32
      %dma_start3A_100 = arith.constant 0 : i32
      %dma_start3A_101 = arith.constant 0 : i32
      %dma_start3A_102 = tpu.memref_slice %run_scoped3A_10[%rem3A_99, %dma_start3A_100, %dma_start3A_101] : memref<2x1x1024xf32, #tpu.memory_space<vmem>> -> memref<1x1x1024xf32, #tpu.memory_space<vmem>>
      %dma_start3A_103 = tpu.memref_squeeze %dma_start3A_102 : memref<1x1x1024xf32, #tpu.memory_space<vmem>> -> memref<1x1024xf32, #tpu.memory_space<vmem>>
      %dma_start3A_104 = arith.constant 0 : i32
      %dma_start3A_105 = arith.constant 0 : i32
      %dma_start3A_106 = tpu.memref_slice %arg4[%dma_start3A_104, %dma_start3A_105] : memref<3x1024xf32, #tpu.memory_space<hbm>> -> memref<1x1024xf32, #tpu.memory_space<hbm>>
      %dma_start3A_107 = tpu.memref_slice %run_scoped3A_11[%rem3A_99] : memref<2x!tpu.dma_semaphore, #tpu.memory_space<semaphore_mem>> -> memref<1x!tpu.dma_semaphore, #tpu.memory_space<semaphore_mem>>
      %dma_start3A_108 = tpu.memref_squeeze %dma_start3A_107 : memref<1x!tpu.dma_semaphore, #tpu.memory_space<semaphore_mem>> -> memref<!tpu.dma_semaphore, #tpu.memory_space<semaphore_mem>>
      %dma_start3A_109 = arith.constant 0 : i32
      %dma_start3A_110 = arith.constant 0 : i32
      %dma_start3A_111 = tpu.memref_slice %run_scoped3A_10[%rem3A_99, %dma_start3A_109, %dma_start3A_110] : memref<2x1x1024xf32, #tpu.memory_space<vmem>> -> memref<1x1x1024xf32, #tpu.memory_space<vmem>>
      %dma_start3A_112 = tpu.memref_squeeze %dma_start3A_111 : memref<1x1x1024xf32, #tpu.memory_space<vmem>> -> memref<1x1024xf32, #tpu.memory_space<vmem>>
      %dma_start3A_113 = arith.constant 0 : i32
      %dma_start3A_114 = arith.constant 0 : i32
      %dma_start3A_115 = tpu.memref_slice %arg4[%dma_start3A_113, %dma_start3A_114] : memref<3x1024xf32, #tpu.memory_space<hbm>> -> memref<1x1024xf32, #tpu.memory_space<hbm>>
      tpu.enqueue_dma source(%dma_start3A_115 : memref<1x1024xf32, #tpu.memory_space<hbm>>) target(%dma_start3A_112 : memref<1x1024xf32, #tpu.memory_space<vmem>>) target_semaphore(%dma_start3A_108 : memref<!tpu.dma_semaphore, #tpu.memory_space<semaphore_mem>>)
      %add3A_116 = arith.constant 0 : i32
      %add3A_117 = arith.constant 1 : i32
      %add3A_118 = arith.addi %add3A_116, %add3A_117 : i32
      %select_n3A_119 = arith.constant true
      %select_n3A_120 = arith.constant 0 : i32
      %select_n3A_121 = arith.select %select_n3A_119, %add3A_118, %select_n3A_120 : i32
      "tpu.trace_stop"() : () -> ()
      %scan3A = arith.constant 0 : i32
      %scan3A_122 = arith.constant 0 : i32
      %scan3A_123 = arith.constant 0 : i32
      %scan3A_124 = arith.constant 0 : i32
      %scan3A_125 = arith.constant 0 : i32
      %scan3A_126 = arith.constant 0 : i32
      %scan3A_127 = arith.constant 0 : i32
      %scan3A_128 = arith.constant 32 : i32
      %scan3A_129 = arith.addi %scan3A_127, %scan3A_128 : i32
      %scan3A_130 = arith.constant 1 : i32
      %scan3A_131:9 = scf.for %scan3A_189 = %scan3A_127 to %scan3A_129 step %scan3A_130 iter_args(%scan3A_190 = %select_n3A_67, %scan3A_191 = %scan3A, %scan3A_192 = %select_n3A_96, %scan3A_193 = %scan3A_122, %scan3A_194 = %select_n3A_121, %scan3A_195 = %scan3A_123, %scan3A_196 = %scan3A_124, %scan3A_197 = %scan3A_125, %scan3A_198 = %scan3A_126) -> (i32, i32, i32, i32, i32, i32, i32, i32, i32)  : i32 {
        %eq3A_199 = arith.constant 0 : i32
        %eq3A_200 = arith.cmpi eq, %scan3A_189, %eq3A_199 : i32
        %eq3A_201 = arith.constant 31 : i32
        %eq3A_202 = arith.cmpi eq, %scan3A_189, %eq3A_201 : i32
        %add3A_203 = arith.addi %scan3A_198, %mul3A_6 : i32
        %sub3A_204 = arith.constant 1 : i32
        %sub3A_205 = arith.subi %scan3A_198, %sub3A_204 : i32
        %select_n3A_206 = arith.constant true
        %select_n3A_207 = arith.select %select_n3A_206, %sub3A_205, %scan3A_198 : i32
        %eq3A_208 = arith.constant -1 : i32
        %eq3A_209 = arith.cmpi eq, %select_n3A_207, %eq3A_208 : i32
        %select_n3A_210 = arith.constant 31 : i32
        %select_n3A_211 = arith.select %eq3A_209, %select_n3A_210, %select_n3A_207 : i32
        %add3A_212 = arith.addi %select_n3A_211, %mul3A_6 : i32
        %add3A_213 = arith.constant 1 : i32
        %add3A_214 = arith.addi %scan3A_198, %add3A_213 : i32
        %select_n3A_215 = arith.constant true
        %select_n3A_216 = arith.select %select_n3A_215, %add3A_214, %scan3A_198 : i32
        %eq3A_217 = arith.constant 32 : i32
        %eq3A_218 = arith.cmpi eq, %select_n3A_216, %eq3A_217 : i32
        %select_n3A_219 = arith.constant 0 : i32
        %select_n3A_220 = arith.select %eq3A_218, %select_n3A_219, %select_n3A_216 : i32
        %add3A_221 = arith.addi %select_n3A_220, %mul3A_6 : i32
        %add3A_222 = arith.constant 1 : i32
        %add3A_223 = arith.addi %select_n3A_220, %add3A_222 : i32
        %select_n3A_224 = arith.constant true
        %select_n3A_225 = arith.select %select_n3A_224, %add3A_223, %select_n3A_220 : i32
        %eq3A_226 = arith.constant 32 : i32
        %eq3A_227 = arith.cmpi eq, %select_n3A_225, %eq3A_226 : i32
        %select_n3A_228 = arith.constant 0 : i32
        %select_n3A_229 = arith.select %eq3A_227, %select_n3A_228, %select_n3A_225 : i32
        %add3A_230 = arith.addi %select_n3A_229, %mul3A_6 : i32
        %ne3A = arith.cmpi ne, %add3A_203, %add3A_221 : i32
        %or3A = arith.constant false
        %or3A_231 = arith.ori %or3A, %ne3A : i1
        %or3A_232 = arith.constant false
        %or3A_233 = arith.ori %or3A_231, %or3A_232 : i1
        %ge3A = arith.constant 31 : i32
        %ge3A_234 = arith.cmpi sge, %scan3A_189, %ge3A : i32
        %not3A = arith.constant true
        %not3A_235 = arith.xori %ge3A_234, %not3A : i1
        %and3A = arith.andi %or3A_233, %not3A_235 : i1
        %convert_element_type3A = arith.extui %and3A : i1 to i32
        %cond3A = arith.constant 0 : i32
        %cond3A_236 = arith.cmpi ne, %convert_element_type3A, %cond3A : i32
        scf.if %cond3A_236 {
          "tpu.trace_start"() <{level = 10 : i32, message = "ep_copy_in"}> : () -> ()
          %rem3A_451 = arith.constant 2 : i32
          %rem3A_452 = arith.remui %scan3A_190, %rem3A_451 : i32
          %mul3A_453 = arith.constant 4 : i32
          %mul3A_454 = arith.muli %mul3A_453, %add3A_221 : i32
          %dma_start3A_455 = arith.constant 0 : i32
          %dma_start3A_456 = arith.constant 0 : i32
          %dma_start3A_457 = arith.constant 0 : i32
          %dma_start3A_458 = tpu.memref_slice %run_scoped3A[%rem3A_452, %dma_start3A_455, %dma_start3A_456, %dma_start3A_457] : memref<2x4x4x1024xf32, #tpu.memory_space<vmem>> -> memref<1x4x4x1024xf32, #tpu.memory_space<vmem>>
          %dma_start3A_459 = tpu.memref_squeeze %dma_start3A_458 : memref<1x4x4x1024xf32, #tpu.memory_space<vmem>> -> memref<4x4x1024xf32, #tpu.memory_space<vmem>>
          %dma_start3A_460 = arith.constant 0 : i32
          %dma_start3A_461 = arith.constant 0 : i32
          %dma_start3A_462 = tpu.memref_slice %arg2[%dma_start3A_460, %mul3A_454, %dma_start3A_461] : memref<4x4096x1024xf32, #tpu.memory_space<hbm>> -> memref<4x4x1024xf32, #tpu.memory_space<hbm>>
          %dma_start3A_463 = tpu.memref_slice %run_scoped3A_7[%rem3A_452] : memref<2x!tpu.dma_semaphore, #tpu.memory_space<semaphore_mem>> -> memref<1x!tpu.dma_semaphore, #tpu.memory_space<semaphore_mem>>
          %dma_start3A_464 = tpu.memref_squeeze %dma_start3A_463 : memref<1x!tpu.dma_semaphore, #tpu.memory_space<semaphore_mem>> -> memref<!tpu.dma_semaphore, #tpu.memory_space<semaphore_mem>>
          %dma_start3A_465 = arith.constant 0 : i32
          %dma_start3A_466 = arith.constant 0 : i32
          %dma_start3A_467 = arith.constant 0 : i32
          %dma_start3A_468 = tpu.memref_slice %run_scoped3A[%rem3A_452, %dma_start3A_465, %dma_start3A_466, %dma_start3A_467] : memref<2x4x4x1024xf32, #tpu.memory_space<vmem>> -> memref<1x4x4x1024xf32, #tpu.memory_space<vmem>>
          %dma_start3A_469 = tpu.memref_squeeze %dma_start3A_468 : memref<1x4x4x1024xf32, #tpu.memory_space<vmem>> -> memref<4x4x1024xf32, #tpu.memory_space<vmem>>
          %dma_start3A_470 = arith.constant 0 : i32
          %dma_start3A_471 = arith.constant 0 : i32
          %dma_start3A_472 = tpu.memref_slice %arg2[%dma_start3A_470, %mul3A_454, %dma_start3A_471] : memref<4x4096x1024xf32, #tpu.memory_space<hbm>> -> memref<4x4x1024xf32, #tpu.memory_space<hbm>>
          tpu.enqueue_dma source(%dma_start3A_472 : memref<4x4x1024xf32, #tpu.memory_space<hbm>>) target(%dma_start3A_469 : memref<4x4x1024xf32, #tpu.memory_space<vmem>>) target_semaphore(%dma_start3A_464 : memref<!tpu.dma_semaphore, #tpu.memory_space<semaphore_mem>>)
          "tpu.trace_stop"() : () -> ()
        } else {
        }
        %and3A_237 = arith.constant true
        %and3A_238 = arith.andi %and3A, %and3A_237 : i1
        %add3A_239 = arith.constant 1 : i32
        %add3A_240 = arith.addi %scan3A_190, %add3A_239 : i32
        %select_n3A_241 = arith.select %and3A_238, %add3A_240, %scan3A_190 : i32
        %ne3A_242 = arith.cmpi ne, %add3A_203, %add3A_221 : i32
        %or3A_243 = arith.constant false
        %or3A_244 = arith.ori %or3A_243, %ne3A_242 : i1
        %or3A_245 = arith.constant false
        %or3A_246 = arith.ori %or3A_244, %or3A_245 : i1
        %ge3A_247 = arith.constant 31 : i32
        %ge3A_248 = arith.cmpi sge, %scan3A_189, %ge3A_247 : i32
        %not3A_249 = arith.constant true
        %not3A_250 = arith.xori %ge3A_248, %not3A_249 : i1
        %and3A_251 = arith.andi %or3A_246, %not3A_250 : i1
        %convert_element_type3A_252 = arith.extui %and3A_251 : i1 to i32
        %cond3A_253 = arith.constant 0 : i32
        %cond3A_254 = arith.cmpi ne, %convert_element_type3A_252, %cond3A_253 : i32
        scf.if %cond3A_254 {
          "tpu.trace_start"() <{level = 10 : i32, message = "ep_copy_in"}> : () -> ()
          %rem3A_451 = arith.constant 2 : i32
          %rem3A_452 = arith.remui %scan3A_192, %rem3A_451 : i32
          %mul3A_453 = arith.constant 4 : i32
          %mul3A_454 = arith.muli %mul3A_453, %add3A_221 : i32
          %dma_start3A_455 = arith.constant 0 : i32
          %dma_start3A_456 = arith.constant 0 : i32
          %dma_start3A_457 = arith.constant 0 : i32
          %dma_start3A_458 = tpu.memref_slice %run_scoped3A_8[%rem3A_452, %dma_start3A_455, %dma_start3A_456, %dma_start3A_457] : memref<2x1x4x1024xf32, #tpu.memory_space<vmem>> -> memref<1x1x4x1024xf32, #tpu.memory_space<vmem>>
          %dma_start3A_459 = tpu.memref_squeeze %dma_start3A_458 : memref<1x1x4x1024xf32, #tpu.memory_space<vmem>> -> memref<1x4x1024xf32, #tpu.memory_space<vmem>>
          %dma_start3A_460 = arith.constant 0 : i32
          %dma_start3A_461 = arith.constant 0 : i32
          %dma_start3A_462 = tpu.memref_slice %arg3[%dma_start3A_460, %mul3A_454, %dma_start3A_461] : memref<1x4096x1024xf32, #tpu.memory_space<hbm>> -> memref<1x4x1024xf32, #tpu.memory_space<hbm>>
          %dma_start3A_463 = tpu.memref_slice %run_scoped3A_9[%rem3A_452] : memref<2x!tpu.dma_semaphore, #tpu.memory_space<semaphore_mem>> -> memref<1x!tpu.dma_semaphore, #tpu.memory_space<semaphore_mem>>
          %dma_start3A_464 = tpu.memref_squeeze %dma_start3A_463 : memref<1x!tpu.dma_semaphore, #tpu.memory_space<semaphore_mem>> -> memref<!tpu.dma_semaphore, #tpu.memory_space<semaphore_mem>>
          %dma_start3A_465 = arith.constant 0 : i32
          %dma_start3A_466 = arith.constant 0 : i32
          %dma_start3A_467 = arith.constant 0 : i32
          %dma_start3A_468 = tpu.memref_slice %run_scoped3A_8[%rem3A_452, %dma_start3A_465, %dma_start3A_466, %dma_start3A_467] : memref<2x1x4x1024xf32, #tpu.memory_space<vmem>> -> memref<1x1x4x1024xf32, #tpu.memory_space<vmem>>
          %dma_start3A_469 = tpu.memref_squeeze %dma_start3A_468 : memref<1x1x4x1024xf32, #tpu.memory_space<vmem>> -> memref<1x4x1024xf32, #tpu.memory_space<vmem>>
          %dma_start3A_470 = arith.constant 0 : i32
          %dma_start3A_471 = arith.constant 0 : i32
          %dma_start3A_472 = tpu.memref_slice %arg3[%dma_start3A_470, %mul3A_454, %dma_start3A_471] : memref<1x4096x1024xf32, #tpu.memory_space<hbm>> -> memref<1x4x1024xf32, #tpu.memory_space<hbm>>
          tpu.enqueue_dma source(%dma_start3A_472 : memref<1x4x1024xf32, #tpu.memory_space<hbm>>) target(%dma_start3A_469 : memref<1x4x1024xf32, #tpu.memory_space<vmem>>) target_semaphore(%dma_start3A_464 : memref<!tpu.dma_semaphore, #tpu.memory_space<semaphore_mem>>)
          "tpu.trace_stop"() : () -> ()
        } else {
        }
        %and3A_255 = arith.constant true
        %and3A_256 = arith.andi %and3A_251, %and3A_255 : i1
        %add3A_257 = arith.constant 1 : i32
        %add3A_258 = arith.addi %scan3A_192, %add3A_257 : i32
        %select_n3A_259 = arith.select %and3A_256, %add3A_258, %scan3A_192 : i32
        %ge3A_260 = arith.constant 31 : i32
        %ge3A_261 = arith.cmpi sge, %scan3A_189, %ge3A_260 : i32
        %not3A_262 = arith.constant true
        %not3A_263 = arith.xori %ge3A_261, %not3A_262 : i1
        %and3A_264 = arith.constant false
        %and3A_265 = arith.andi %and3A_264, %not3A_263 : i1
        %convert_element_type3A_266 = arith.extui %and3A_265 : i1 to i32
        %cond3A_267 = arith.constant 0 : i32
        %cond3A_268 = arith.cmpi ne, %convert_element_type3A_266, %cond3A_267 : i32
        scf.if %cond3A_268 {
          "tpu.trace_start"() <{level = 10 : i32, message = "ep_copy_in"}> : () -> ()
          %rem3A_451 = arith.constant 2 : i32
          %rem3A_452 = arith.remui %scan3A_194, %rem3A_451 : i32
          %dma_start3A_453 = arith.constant 0 : i32
          %dma_start3A_454 = arith.constant 0 : i32
          %dma_start3A_455 = tpu.memref_slice %run_scoped3A_10[%rem3A_452, %dma_start3A_453, %dma_start3A_454] : memref<2x1x1024xf32, #tpu.memory_space<vmem>> -> memref<1x1x1024xf32, #tpu.memory_space<vmem>>
          %dma_start3A_456 = tpu.memref_squeeze %dma_start3A_455 : memref<1x1x1024xf32, #tpu.memory_space<vmem>> -> memref<1x1024xf32, #tpu.memory_space<vmem>>
          %dma_start3A_457 = arith.constant 0 : i32
          %dma_start3A_458 = arith.constant 0 : i32
          %dma_start3A_459 = tpu.memref_slice %arg4[%dma_start3A_457, %dma_start3A_458] : memref<3x1024xf32, #tpu.memory_space<hbm>> -> memref<1x1024xf32, #tpu.memory_space<hbm>>
          %dma_start3A_460 = tpu.memref_slice %run_scoped3A_11[%rem3A_452] : memref<2x!tpu.dma_semaphore, #tpu.memory_space<semaphore_mem>> -> memref<1x!tpu.dma_semaphore, #tpu.memory_space<semaphore_mem>>
          %dma_start3A_461 = tpu.memref_squeeze %dma_start3A_460 : memref<1x!tpu.dma_semaphore, #tpu.memory_space<semaphore_mem>> -> memref<!tpu.dma_semaphore, #tpu.memory_space<semaphore_mem>>
          %dma_start3A_462 = arith.constant 0 : i32
          %dma_start3A_463 = arith.constant 0 : i32
          %dma_start3A_464 = tpu.memref_slice %run_scoped3A_10[%rem3A_452, %dma_start3A_462, %dma_start3A_463] : memref<2x1x1024xf32, #tpu.memory_space<vmem>> -> memref<1x1x1024xf32, #tpu.memory_space<vmem>>
          %dma_start3A_465 = tpu.memref_squeeze %dma_start3A_464 : memref<1x1x1024xf32, #tpu.memory_space<vmem>> -> memref<1x1024xf32, #tpu.memory_space<vmem>>
          %dma_start3A_466 = arith.constant 0 : i32
          %dma_start3A_467 = arith.constant 0 : i32
          %dma_start3A_468 = tpu.memref_slice %arg4[%dma_start3A_466, %dma_start3A_467] : memref<3x1024xf32, #tpu.memory_space<hbm>> -> memref<1x1024xf32, #tpu.memory_space<hbm>>
          tpu.enqueue_dma source(%dma_start3A_468 : memref<1x1024xf32, #tpu.memory_space<hbm>>) target(%dma_start3A_465 : memref<1x1024xf32, #tpu.memory_space<vmem>>) target_semaphore(%dma_start3A_461 : memref<!tpu.dma_semaphore, #tpu.memory_space<semaphore_mem>>)
          "tpu.trace_stop"() : () -> ()
        } else {
        }
        %and3A_269 = arith.constant true
        %and3A_270 = arith.andi %and3A_265, %and3A_269 : i1
        %add3A_271 = arith.constant 1 : i32
        %add3A_272 = arith.addi %scan3A_194, %add3A_271 : i32
        %select_n3A_273 = arith.select %and3A_270, %add3A_272, %scan3A_194 : i32
        %ne3A_274 = arith.cmpi ne, %add3A_203, %add3A_221 : i32
        %or3A_275 = arith.constant false
        %or3A_276 = arith.ori %or3A_275, %ne3A_274 : i1
        %or3A_277 = arith.constant false
        %or3A_278 = arith.ori %or3A_276, %or3A_277 : i1
        %ge3A_279 = arith.constant 31 : i32
        %ge3A_280 = arith.cmpi sge, %scan3A_189, %ge3A_279 : i32
        %not3A_281 = arith.constant true
        %not3A_282 = arith.xori %ge3A_280, %not3A_281 : i1
        %and3A_283 = arith.andi %or3A_278, %not3A_282 : i1
        %ne3A_284 = arith.cmpi ne, %add3A_203, %add3A_212 : i32
        %or3A_285 = arith.constant false
        %or3A_286 = arith.ori %or3A_285, %ne3A_284 : i1
        %or3A_287 = arith.constant false
        %or3A_288 = arith.ori %or3A_286, %or3A_287 : i1
        %or3A_289 = arith.ori %or3A_288, %eq3A_200 : i1
        %convert_element_type3A_290 = arith.extui %or3A_289 : i1 to i32
        %cond3A_291 = arith.constant 0 : i32
        %cond3A_292 = arith.cmpi ne, %convert_element_type3A_290, %cond3A_291 : i32
        scf.if %cond3A_292 {
          "tpu.trace_start"() <{level = 10 : i32, message = "ep_wait_in"}> : () -> ()
          %mul3A_451 = arith.constant 4 : i32
          %mul3A_452 = arith.muli %mul3A_451, %add3A_203 : i32
          %rem3A_453 = arith.constant 2 : i32
          %rem3A_454 = arith.remui %scan3A_191, %rem3A_453 : i32
          %dma_wait3A_455 = arith.constant 0 : i32
          %dma_wait3A_456 = arith.constant 0 : i32
          %dma_wait3A_457 = arith.constant 0 : i32
          %dma_wait3A_458 = tpu.memref_slice %run_scoped3A[%rem3A_454, %dma_wait3A_455, %dma_wait3A_456, %dma_wait3A_457] : memref<2x4x4x1024xf32, #tpu.memory_space<vmem>> -> memref<1x4x4x1024xf32, #tpu.memory_space<vmem>>
          %dma_wait3A_459 = tpu.memref_squeeze %dma_wait3A_458 : memref<1x4x4x1024xf32, #tpu.memory_space<vmem>> -> memref<4x4x1024xf32, #tpu.memory_space<vmem>>
          %dma_wait3A_460 = arith.constant 0 : i32
          %dma_wait3A_461 = arith.constant 0 : i32
          %dma_wait3A_462 = tpu.memref_slice %arg2[%dma_wait3A_460, %mul3A_452, %dma_wait3A_461] : memref<4x4096x1024xf32, #tpu.memory_space<hbm>> -> memref<4x4x1024xf32, #tpu.memory_space<hbm>>
          %dma_wait3A_463 = tpu.memref_slice %run_scoped3A_7[%rem3A_454] : memref<2x!tpu.dma_semaphore, #tpu.memory_space<semaphore_mem>> -> memref<1x!tpu.dma_semaphore, #tpu.memory_space<semaphore_mem>>
          %dma_wait3A_464 = tpu.memref_squeeze %dma_wait3A_463 : memref<1x!tpu.dma_semaphore, #tpu.memory_space<semaphore_mem>> -> memref<!tpu.dma_semaphore, #tpu.memory_space<semaphore_mem>>
          %dma_wait3A_465 = arith.constant 0 : i32
          %dma_wait3A_466 = arith.constant 0 : i32
          %dma_wait3A_467 = arith.constant 0 : i32
          %dma_wait3A_468 = tpu.memref_slice %run_scoped3A[%rem3A_454, %dma_wait3A_465, %dma_wait3A_466, %dma_wait3A_467] : memref<2x4x4x1024xf32, #tpu.memory_space<vmem>> -> memref<1x4x4x1024xf32, #tpu.memory_space<vmem>>
          %dma_wait3A_469 = tpu.memref_squeeze %dma_wait3A_468 : memref<1x4x4x1024xf32, #tpu.memory_space<vmem>> -> memref<4x4x1024xf32, #tpu.memory_space<vmem>>
          %dma_wait3A_470 = arith.constant 0 : i32
          %dma_wait3A_471 = arith.constant 0 : i32
          %dma_wait3A_472 = tpu.memref_slice %arg2[%dma_wait3A_470, %mul3A_452, %dma_wait3A_471] : memref<4x4096x1024xf32, #tpu.memory_space<hbm>> -> memref<4x4x1024xf32, #tpu.memory_space<hbm>>
          tpu.wait_dma2 semaphore(%dma_wait3A_464 : memref<!tpu.dma_semaphore, #tpu.memory_space<semaphore_mem>>) src(%dma_wait3A_472 : memref<4x4x1024xf32, #tpu.memory_space<hbm>>) dst(%dma_wait3A_469 : memref<4x4x1024xf32, #tpu.memory_space<vmem>>)
          "tpu.trace_stop"() : () -> ()
        } else {
        }
        %ne3A_293 = arith.cmpi ne, %add3A_203, %add3A_212 : i32
        %or3A_294 = arith.constant false
        %or3A_295 = arith.ori %or3A_294, %ne3A_293 : i1
        %or3A_296 = arith.constant false
        %or3A_297 = arith.ori %or3A_295, %or3A_296 : i1
        %or3A_298 = arith.ori %or3A_297, %eq3A_200 : i1
        %convert_element_type3A_299 = arith.extui %or3A_298 : i1 to i32
        %cond3A_300 = arith.constant 0 : i32
        %cond3A_301 = arith.cmpi ne, %convert_element_type3A_299, %cond3A_300 : i32
        scf.if %cond3A_301 {
          "tpu.trace_start"() <{level = 10 : i32, message = "ep_wait_in"}> : () -> ()
          %mul3A_451 = arith.constant 4 : i32
          %mul3A_452 = arith.muli %mul3A_451, %add3A_203 : i32
          %rem3A_453 = arith.constant 2 : i32
          %rem3A_454 = arith.remui %scan3A_193, %rem3A_453 : i32
          %dma_wait3A_455 = arith.constant 0 : i32
          %dma_wait3A_456 = arith.constant 0 : i32
          %dma_wait3A_457 = arith.constant 0 : i32
          %dma_wait3A_458 = tpu.memref_slice %run_scoped3A_8[%rem3A_454, %dma_wait3A_455, %dma_wait3A_456, %dma_wait3A_457] : memref<2x1x4x1024xf32, #tpu.memory_space<vmem>> -> memref<1x1x4x1024xf32, #tpu.memory_space<vmem>>
          %dma_wait3A_459 = tpu.memref_squeeze %dma_wait3A_458 : memref<1x1x4x1024xf32, #tpu.memory_space<vmem>> -> memref<1x4x1024xf32, #tpu.memory_space<vmem>>
          %dma_wait3A_460 = arith.constant 0 : i32
          %dma_wait3A_461 = arith.constant 0 : i32
          %dma_wait3A_462 = tpu.memref_slice %arg3[%dma_wait3A_460, %mul3A_452, %dma_wait3A_461] : memref<1x4096x1024xf32, #tpu.memory_space<hbm>> -> memref<1x4x1024xf32, #tpu.memory_space<hbm>>
          %dma_wait3A_463 = tpu.memref_slice %run_scoped3A_9[%rem3A_454] : memref<2x!tpu.dma_semaphore, #tpu.memory_space<semaphore_mem>> -> memref<1x!tpu.dma_semaphore, #tpu.memory_space<semaphore_mem>>
          %dma_wait3A_464 = tpu.memref_squeeze %dma_wait3A_463 : memref<1x!tpu.dma_semaphore, #tpu.memory_space<semaphore_mem>> -> memref<!tpu.dma_semaphore, #tpu.memory_space<semaphore_mem>>
          %dma_wait3A_465 = arith.constant 0 : i32
          %dma_wait3A_466 = arith.constant 0 : i32
          %dma_wait3A_467 = arith.constant 0 : i32
          %dma_wait3A_468 = tpu.memref_slice %run_scoped3A_8[%rem3A_454, %dma_wait3A_465, %dma_wait3A_466, %dma_wait3A_467] : memref<2x1x4x1024xf32, #tpu.memory_space<vmem>> -> memref<1x1x4x1024xf32, #tpu.memory_space<vmem>>
          %dma_wait3A_469 = tpu.memref_squeeze %dma_wait3A_468 : memref<1x1x4x1024xf32, #tpu.memory_space<vmem>> -> memref<1x4x1024xf32, #tpu.memory_space<vmem>>
          %dma_wait3A_470 = arith.constant 0 : i32
          %dma_wait3A_471 = arith.constant 0 : i32
          %dma_wait3A_472 = tpu.memref_slice %arg3[%dma_wait3A_470, %mul3A_452, %dma_wait3A_471] : memref<1x4096x1024xf32, #tpu.memory_space<hbm>> -> memref<1x4x1024xf32, #tpu.memory_space<hbm>>
          tpu.wait_dma2 semaphore(%dma_wait3A_464 : memref<!tpu.dma_semaphore, #tpu.memory_space<semaphore_mem>>) src(%dma_wait3A_472 : memref<1x4x1024xf32, #tpu.memory_space<hbm>>) dst(%dma_wait3A_469 : memref<1x4x1024xf32, #tpu.memory_space<vmem>>)
          "tpu.trace_stop"() : () -> ()
        } else {
        }
        %or3A_302 = arith.constant false
        %or3A_303 = arith.ori %or3A_302, %eq3A_200 : i1
        %convert_element_type3A_304 = arith.extui %or3A_303 : i1 to i32
        %cond3A_305 = arith.constant 0 : i32
        %cond3A_306 = arith.cmpi ne, %convert_element_type3A_304, %cond3A_305 : i32
        scf.if %cond3A_306 {
          "tpu.trace_start"() <{level = 10 : i32, message = "ep_wait_in"}> : () -> ()
          %rem3A_451 = arith.constant 2 : i32
          %rem3A_452 = arith.remui %scan3A_195, %rem3A_451 : i32
          %dma_wait3A_453 = arith.constant 0 : i32
          %dma_wait3A_454 = arith.constant 0 : i32
          %dma_wait3A_455 = tpu.memref_slice %run_scoped3A_10[%rem3A_452, %dma_wait3A_453, %dma_wait3A_454] : memref<2x1x1024xf32, #tpu.memory_space<vmem>> -> memref<1x1x1024xf32, #tpu.memory_space<vmem>>
          %dma_wait3A_456 = tpu.memref_squeeze %dma_wait3A_455 : memref<1x1x1024xf32, #tpu.memory_space<vmem>> -> memref<1x1024xf32, #tpu.memory_space<vmem>>
          %dma_wait3A_457 = arith.constant 0 : i32
          %dma_wait3A_458 = arith.constant 0 : i32
          %dma_wait3A_459 = tpu.memref_slice %arg4[%dma_wait3A_457, %dma_wait3A_458] : memref<3x1024xf32, #tpu.memory_space<hbm>> -> memref<1x1024xf32, #tpu.memory_space<hbm>>
          %dma_wait3A_460 = tpu.memref_slice %run_scoped3A_11[%rem3A_452] : memref<2x!tpu.dma_semaphore, #tpu.memory_space<semaphore_mem>> -> memref<1x!tpu.dma_semaphore, #tpu.memory_space<semaphore_mem>>
          %dma_wait3A_461 = tpu.memref_squeeze %dma_wait3A_460 : memref<1x!tpu.dma_semaphore, #tpu.memory_space<semaphore_mem>> -> memref<!tpu.dma_semaphore, #tpu.memory_space<semaphore_mem>>
          %dma_wait3A_462 = arith.constant 0 : i32
          %dma_wait3A_463 = arith.constant 0 : i32
          %dma_wait3A_464 = tpu.memref_slice %run_scoped3A_10[%rem3A_452, %dma_wait3A_462, %dma_wait3A_463] : memref<2x1x1024xf32, #tpu.memory_space<vmem>> -> memref<1x1x1024xf32, #tpu.memory_space<vmem>>
          %dma_wait3A_465 = tpu.memref_squeeze %dma_wait3A_464 : memref<1x1x1024xf32, #tpu.memory_space<vmem>> -> memref<1x1024xf32, #tpu.memory_space<vmem>>
          %dma_wait3A_466 = arith.constant 0 : i32
          %dma_wait3A_467 = arith.constant 0 : i32
          %dma_wait3A_468 = tpu.memref_slice %arg4[%dma_wait3A_466, %dma_wait3A_467] : memref<3x1024xf32, #tpu.memory_space<hbm>> -> memref<1x1024xf32, #tpu.memory_space<hbm>>
          tpu.wait_dma2 semaphore(%dma_wait3A_461 : memref<!tpu.dma_semaphore, #tpu.memory_space<semaphore_mem>>) src(%dma_wait3A_468 : memref<1x1024xf32, #tpu.memory_space<hbm>>) dst(%dma_wait3A_465 : memref<1x1024xf32, #tpu.memory_space<vmem>>)
          "tpu.trace_stop"() : () -> ()
        } else {
        }
        %ne3A_307 = arith.cmpi ne, %add3A_203, %add3A_212 : i32
        %or3A_308 = arith.constant false
        %or3A_309 = arith.ori %or3A_308, %ne3A_307 : i1
        %or3A_310 = arith.constant false
        %or3A_311 = arith.ori %or3A_309, %or3A_310 : i1
        %or3A_312 = arith.ori %or3A_311, %eq3A_200 : i1
        %convert_element_type3A_313 = arith.extui %or3A_312 : i1 to i32
        %cond3A_314 = arith.constant 0 : i32
        %cond3A_315 = arith.cmpi ne, %convert_element_type3A_313, %cond3A_314 : i32
        scf.if %cond3A_315 {
        } else {
        }
        %rem3A_316 = arith.constant 2 : i32
        %rem3A_317 = arith.remui %scan3A_191, %rem3A_316 : i32
        %rem3A_318 = arith.constant 2 : i32
        %rem3A_319 = arith.remui %scan3A_193, %rem3A_318 : i32
        %rem3A_320 = arith.constant 2 : i32
        %rem3A_321 = arith.remui %scan3A_195, %rem3A_320 : i32
        %rem3A_322 = arith.constant 2 : i32
        %rem3A_323 = arith.remui %scan3A_196, %rem3A_322 : i32
        %parallel_loop3A = arith.constant 0 : i32
        %parallel_loop3A_324 = arith.constant 1024 : i32
        %parallel_loop3A_325 = arith.constant 16 : i32
        "tpu.trace_start"() <{level = 10 : i32, message = "ep_run_kernel"}> : () -> ()
        scf.for %parallel_loop3A_451 = %parallel_loop3A to %parallel_loop3A_324 step %parallel_loop3A_325  : i32 {
          %parallel_loop3A_452 = arith.constant 0 : i32
          %parallel_loop3A_453 = arith.constant 0 : i32
          %parallel_loop3A_454 = arith.constant 0 : i32
          %parallel_loop3A_455 = tpu.memref_slice %run_scoped3A_10[%rem3A_321, %parallel_loop3A_453, %parallel_loop3A_454] : memref<2x1x1024xf32, #tpu.memory_space<vmem>> -> memref<1x1x1024xf32, #tpu.memory_space<vmem>>
          %parallel_loop3A_456 = tpu.memref_squeeze %parallel_loop3A_455 : memref<1x1x1024xf32, #tpu.memory_space<vmem>> -> memref<1x1024xf32, #tpu.memory_space<vmem>>
          %parallel_loop3A_457 = arith.index_cast %parallel_loop3A_452 : i32 to index
          %parallel_loop3A_458 = arith.index_cast %parallel_loop3A_451 : i32 to index
          %parallel_loop3A_459 = tpu.vector_load %parallel_loop3A_456[%parallel_loop3A_457, %parallel_loop3A_458] {strides = array<i32>} : memref<1x1024xf32, #tpu.memory_space<vmem>>, vector<1x16xf32>,
          %parallel_loop3A_460 = vector.shape_cast %parallel_loop3A_459 : vector<1x16xf32> to vector<16xf32>
          %parallel_loop3A_461 = arith.constant 0 : i32
          %parallel_loop3A_462 = arith.constant 0 : i32
          %parallel_loop3A_463 = arith.constant 0 : i32
          %parallel_loop3A_464 = arith.constant 0 : i32
          %parallel_loop3A_465 = arith.constant 0 : i32
          %parallel_loop3A_466 = tpu.memref_slice %run_scoped3A_8[%rem3A_319, %parallel_loop3A_463, %parallel_loop3A_464, %parallel_loop3A_465] : memref<2x1x4x1024xf32, #tpu.memory_space<vmem>> -> memref<1x1x4x1024xf32, #tpu.memory_space<vmem>>
          %parallel_loop3A_467 = tpu.memref_squeeze %parallel_loop3A_466 : memref<1x1x4x1024xf32, #tpu.memory_space<vmem>> -> memref<1x4x1024xf32, #tpu.memory_space<vmem>>
          %parallel_loop3A_468 = arith.index_cast %parallel_loop3A_461 : i32 to index
          %parallel_loop3A_469 = arith.index_cast %parallel_loop3A_462 : i32 to index
          %parallel_loop3A_470 = arith.index_cast %parallel_loop3A_451 : i32 to index
          %parallel_loop3A_471 = tpu.vector_load %parallel_loop3A_467[%parallel_loop3A_468, %parallel_loop3A_469, %parallel_loop3A_470] {strides = array<i32>} : memref<1x4x1024xf32, #tpu.memory_space<vmem>>, vector<1x1x16xf32>,
          %parallel_loop3A_472 = vector.shape_cast %parallel_loop3A_471 : vector<1x1x16xf32> to vector<16xf32>
          %parallel_loop3A_473 = arith.addf %parallel_loop3A_472, %parallel_loop3A_460 : vector<16xf32>
          %parallel_loop3A_474 = arith.constant 0 : i32
          %parallel_loop3A_475 = arith.constant 0 : i32
          %parallel_loop3A_476 = arith.constant 0 : i32
          %parallel_loop3A_477 = arith.constant 0 : i32
          %parallel_loop3A_478 = arith.constant 0 : i32
          %parallel_loop3A_479 = tpu.memref_slice %run_scoped3A[%rem3A_317, %parallel_loop3A_476, %parallel_loop3A_477, %parallel_loop3A_478] : memref<2x4x4x1024xf32, #tpu.memory_space<vmem>> -> memref<1x4x4x1024xf32, #tpu.memory_space<vmem>>
          %parallel_loop3A_480 = tpu.memref_squeeze %parallel_loop3A_479 : memref<1x4x4x1024xf32, #tpu.memory_space<vmem>> -> memref<4x4x1024xf32, #tpu.memory_space<vmem>>
          %parallel_loop3A_481 = arith.index_cast %parallel_loop3A_474 : i32 to index
          %parallel_loop3A_482 = arith.index_cast %parallel_loop3A_475 : i32 to index
          %parallel_loop3A_483 = arith.index_cast %parallel_loop3A_451 : i32 to index
          %parallel_loop3A_484 = tpu.vector_load %parallel_loop3A_480[%parallel_loop3A_481, %parallel_loop3A_482, %parallel_loop3A_483] {strides = array<i32>} : memref<4x4x1024xf32, #tpu.memory_space<vmem>>, vector<1x1x16xf32>,
          %parallel_loop3A_485 = vector.shape_cast %parallel_loop3A_484 : vector<1x1x16xf32> to vector<16xf32>
          %parallel_loop3A_486 = arith.addf %parallel_loop3A_485, %parallel_loop3A_473 : vector<16xf32>
          %parallel_loop3A_487 = arith.constant 0 : i32
          %parallel_loop3A_488 = arith.constant 0 : i32
          %parallel_loop3A_489 = arith.constant 0 : i32
          %parallel_loop3A_490 = arith.constant 0 : i32
          %parallel_loop3A_491 = arith.constant 0 : i32
          %parallel_loop3A_492 = tpu.memref_slice %run_scoped3A_12[%rem3A_323, %parallel_loop3A_489, %parallel_loop3A_490, %parallel_loop3A_491] : memref<2x4x4x1024xf32, #tpu.memory_space<vmem>> -> memref<1x4x4x1024xf32, #tpu.memory_space<vmem>>
          %parallel_loop3A_493 = tpu.memref_squeeze %parallel_loop3A_492 : memref<1x4x4x1024xf32, #tpu.memory_space<vmem>> -> memref<4x4x1024xf32, #tpu.memory_space<vmem>>
          %parallel_loop3A_494 = arith.index_cast %parallel_loop3A_487 : i32 to index
          %parallel_loop3A_495 = arith.index_cast %parallel_loop3A_488 : i32 to index
          %parallel_loop3A_496 = arith.index_cast %parallel_loop3A_451 : i32 to index
          %parallel_loop3A_497 = tpu.vector_load %parallel_loop3A_493[%parallel_loop3A_494, %parallel_loop3A_495, %parallel_loop3A_496] {strides = array<i32>} : memref<4x4x1024xf32, #tpu.memory_space<vmem>>, vector<1x1x16xf32>,
          %parallel_loop3A_498 = vector.shape_cast %parallel_loop3A_497 : vector<1x1x16xf32> to vector<16xf32>
          %parallel_loop3A_499 = vector.shape_cast %parallel_loop3A_486 : vector<16xf32> to vector<1x1x16xf32>
          tpu.vector_store %parallel_loop3A_493[%parallel_loop3A_494, %parallel_loop3A_495, %parallel_loop3A_496], %parallel_loop3A_499 {strides = array<i32>} : memref<4x4x1024xf32, #tpu.memory_space<vmem>>, vector<1x1x16xf32>,
          %parallel_loop3A_500 = arith.constant 1 : i32
          %parallel_loop3A_501 = arith.constant 0 : i32
          %parallel_loop3A_502 = arith.constant 0 : i32
          %parallel_loop3A_503 = arith.constant 0 : i32
          %parallel_loop3A_504 = arith.constant 0 : i32
          %parallel_loop3A_505 = tpu.memref_slice %run_scoped3A[%rem3A_317, %parallel_loop3A_502, %parallel_loop3A_503, %parallel_loop3A_504] : memref<2x4x4x1024xf32, #tpu.memory_space<vmem>> -> memref<1x4x4x1024xf32, #tpu.memory_space<vmem>>
          %parallel_loop3A_506 = tpu.memref_squeeze %parallel_loop3A_505 : memref<1x4x4x1024xf32, #tpu.memory_space<vmem>> -> memref<4x4x1024xf32, #tpu.memory_space<vmem>>
          %parallel_loop3A_507 = arith.index_cast %parallel_loop3A_500 : i32 to index
          %parallel_loop3A_508 = arith.index_cast %parallel_loop3A_501 : i32 to index
          %parallel_loop3A_509 = arith.index_cast %parallel_loop3A_451 : i32 to index
          %parallel_loop3A_510 = tpu.vector_load %parallel_loop3A_506[%parallel_loop3A_507, %parallel_loop3A_508, %parallel_loop3A_509] {strides = array<i32>} : memref<4x4x1024xf32, #tpu.memory_space<vmem>>, vector<1x1x16xf32>,
          %parallel_loop3A_511 = vector.shape_cast %parallel_loop3A_510 : vector<1x1x16xf32> to vector<16xf32>
          %parallel_loop3A_512 = arith.addf %parallel_loop3A_511, %parallel_loop3A_473 : vector<16xf32>
          %parallel_loop3A_513 = arith.constant 1 : i32
          %parallel_loop3A_514 = arith.constant 0 : i32
          %parallel_loop3A_515 = arith.constant 0 : i32
          %parallel_loop3A_516 = arith.constant 0 : i32
          %parallel_loop3A_517 = arith.constant 0 : i32
          %parallel_loop3A_518 = tpu.memref_slice %run_scoped3A_12[%rem3A_323, %parallel_loop3A_515, %parallel_loop3A_516, %parallel_loop3A_517] : memref<2x4x4x1024xf32, #tpu.memory_space<vmem>> -> memref<1x4x4x1024xf32, #tpu.memory_space<vmem>>
          %parallel_loop3A_519 = tpu.memref_squeeze %parallel_loop3A_518 : memref<1x4x4x1024xf32, #tpu.memory_space<vmem>> -> memref<4x4x1024xf32, #tpu.memory_space<vmem>>
          %parallel_loop3A_520 = arith.index_cast %parallel_loop3A_513 : i32 to index
          %parallel_loop3A_521 = arith.index_cast %parallel_loop3A_514 : i32 to index
          %parallel_loop3A_522 = arith.index_cast %parallel_loop3A_451 : i32 to index
          %parallel_loop3A_523 = tpu.vector_load %parallel_loop3A_519[%parallel_loop3A_520, %parallel_loop3A_521, %parallel_loop3A_522] {strides = array<i32>} : memref<4x4x1024xf32, #tpu.memory_space<vmem>>, vector<1x1x16xf32>,
          %parallel_loop3A_524 = vector.shape_cast %parallel_loop3A_523 : vector<1x1x16xf32> to vector<16xf32>
          %parallel_loop3A_525 = vector.shape_cast %parallel_loop3A_512 : vector<16xf32> to vector<1x1x16xf32>
          tpu.vector_store %parallel_loop3A_519[%parallel_loop3A_520, %parallel_loop3A_521, %parallel_loop3A_522], %parallel_loop3A_525 {strides = array<i32>} : memref<4x4x1024xf32, #tpu.memory_space<vmem>>, vector<1x1x16xf32>,
          %parallel_loop3A_526 = arith.constant 2 : i32
          %parallel_loop3A_527 = arith.constant 0 : i32
          %parallel_loop3A_528 = arith.constant 0 : i32
          %parallel_loop3A_529 = arith.constant 0 : i32
          %parallel_loop3A_530 = arith.constant 0 : i32
          %parallel_loop3A_531 = tpu.memref_slice %run_scoped3A[%rem3A_317, %parallel_loop3A_528, %parallel_loop3A_529, %parallel_loop3A_530] : memref<2x4x4x1024xf32, #tpu.memory_space<vmem>> -> memref<1x4x4x1024xf32, #tpu.memory_space<vmem>>
          %parallel_loop3A_532 = tpu.memref_squeeze %parallel_loop3A_531 : memref<1x4x4x1024xf32, #tpu.memory_space<vmem>> -> memref<4x4x1024xf32, #tpu.memory_space<vmem>>
          %parallel_loop3A_533 = arith.index_cast %parallel_loop3A_526 : i32 to index
          %parallel_loop3A_534 = arith.index_cast %parallel_loop3A_527 : i32 to index
          %parallel_loop3A_535 = arith.index_cast %parallel_loop3A_451 : i32 to index
          %parallel_loop3A_536 = tpu.vector_load %parallel_loop3A_532[%parallel_loop3A_533, %parallel_loop3A_534, %parallel_loop3A_535] {strides = array<i32>} : memref<4x4x1024xf32, #tpu.memory_space<vmem>>, vector<1x1x16xf32>,
          %parallel_loop3A_537 = vector.shape_cast %parallel_loop3A_536 : vector<1x1x16xf32> to vector<16xf32>
          %parallel_loop3A_538 = arith.addf %parallel_loop3A_537, %parallel_loop3A_473 : vector<16xf32>
          %parallel_loop3A_539 = arith.constant 2 : i32
          %parallel_loop3A_540 = arith.constant 0 : i32
          %parallel_loop3A_541 = arith.constant 0 : i32
          %parallel_loop3A_542 = arith.constant 0 : i32
          %parallel_loop3A_543 = arith.constant 0 : i32
          %parallel_loop3A_544 = tpu.memref_slice %run_scoped3A_12[%rem3A_323, %parallel_loop3A_541, %parallel_loop3A_542, %parallel_loop3A_543] : memref<2x4x4x1024xf32, #tpu.memory_space<vmem>> -> memref<1x4x4x1024xf32, #tpu.memory_space<vmem>>
          %parallel_loop3A_545 = tpu.memref_squeeze %parallel_loop3A_544 : memref<1x4x4x1024xf32, #tpu.memory_space<vmem>> -> memref<4x4x1024xf32, #tpu.memory_space<vmem>>
          %parallel_loop3A_546 = arith.index_cast %parallel_loop3A_539 : i32 to index
          %parallel_loop3A_547 = arith.index_cast %parallel_loop3A_540 : i32 to index
          %parallel_loop3A_548 = arith.index_cast %parallel_loop3A_451 : i32 to index
          %parallel_loop3A_549 = tpu.vector_load %parallel_loop3A_545[%parallel_loop3A_546, %parallel_loop3A_547, %parallel_loop3A_548] {strides = array<i32>} : memref<4x4x1024xf32, #tpu.memory_space<vmem>>, vector<1x1x16xf32>,
          %parallel_loop3A_550 = vector.shape_cast %parallel_loop3A_549 : vector<1x1x16xf32> to vector<16xf32>
          %parallel_loop3A_551 = vector.shape_cast %parallel_loop3A_538 : vector<16xf32> to vector<1x1x16xf32>
          tpu.vector_store %parallel_loop3A_545[%parallel_loop3A_546, %parallel_loop3A_547, %parallel_loop3A_548], %parallel_loop3A_551 {strides = array<i32>} : memref<4x4x1024xf32, #tpu.memory_space<vmem>>, vector<1x1x16xf32>,
          %parallel_loop3A_552 = arith.constant 3 : i32
          %parallel_loop3A_553 = arith.constant 0 : i32
          %parallel_loop3A_554 = arith.constant 0 : i32
          %parallel_loop3A_555 = arith.constant 0 : i32
          %parallel_loop3A_556 = arith.constant 0 : i32
          %parallel_loop3A_557 = tpu.memref_slice %run_scoped3A[%rem3A_317, %parallel_loop3A_554, %parallel_loop3A_555, %parallel_loop3A_556] : memref<2x4x4x1024xf32, #tpu.memory_space<vmem>> -> memref<1x4x4x1024xf32, #tpu.memory_space<vmem>>
          %parallel_loop3A_558 = tpu.memref_squeeze %parallel_loop3A_557 : memref<1x4x4x1024xf32, #tpu.memory_space<vmem>> -> memref<4x4x1024xf32, #tpu.memory_space<vmem>>
          %parallel_loop3A_559 = arith.index_cast %parallel_loop3A_552 : i32 to index
          %parallel_loop3A_560 = arith.index_cast %parallel_loop3A_553 : i32 to index
          %parallel_loop3A_561 = arith.index_cast %parallel_loop3A_451 : i32 to index
          %parallel_loop3A_562 = tpu.vector_load %parallel_loop3A_558[%parallel_loop3A_559, %parallel_loop3A_560, %parallel_loop3A_561] {strides = array<i32>} : memref<4x4x1024xf32, #tpu.memory_space<vmem>>, vector<1x1x16xf32>,
          %parallel_loop3A_563 = vector.shape_cast %parallel_loop3A_562 : vector<1x1x16xf32> to vector<16xf32>
          %parallel_loop3A_564 = arith.addf %parallel_loop3A_563, %parallel_loop3A_473 : vector<16xf32>
          %parallel_loop3A_565 = arith.constant 3 : i32
          %parallel_loop3A_566 = arith.constant 0 : i32
          %parallel_loop3A_567 = arith.constant 0 : i32
          %parallel_loop3A_568 = arith.constant 0 : i32
          %parallel_loop3A_569 = arith.constant 0 : i32
          %parallel_loop3A_570 = tpu.memref_slice %run_scoped3A_12[%rem3A_323, %parallel_loop3A_567, %parallel_loop3A_568, %parallel_loop3A_569] : memref<2x4x4x1024xf32, #tpu.memory_space<vmem>> -> memref<1x4x4x1024xf32, #tpu.memory_space<vmem>>
          %parallel_loop3A_571 = tpu.memref_squeeze %parallel_loop3A_570 : memref<1x4x4x1024xf32, #tpu.memory_space<vmem>> -> memref<4x4x1024xf32, #tpu.memory_space<vmem>>
          %parallel_loop3A_572 = arith.index_cast %parallel_loop3A_565 : i32 to index
          %parallel_loop3A_573 = arith.index_cast %parallel_loop3A_566 : i32 to index
          %parallel_loop3A_574 = arith.index_cast %parallel_loop3A_451 : i32 to index
          %parallel_loop3A_575 = tpu.vector_load %parallel_loop3A_571[%parallel_loop3A_572, %parallel_loop3A_573, %parallel_loop3A_574] {strides = array<i32>} : memref<4x4x1024xf32, #tpu.memory_space<vmem>>, vector<1x1x16xf32>,
          %parallel_loop3A_576 = vector.shape_cast %parallel_loop3A_575 : vector<1x1x16xf32> to vector<16xf32>
          %parallel_loop3A_577 = vector.shape_cast %parallel_loop3A_564 : vector<16xf32> to vector<1x1x16xf32>
          tpu.vector_store %parallel_loop3A_571[%parallel_loop3A_572, %parallel_loop3A_573, %parallel_loop3A_574], %parallel_loop3A_577 {strides = array<i32>} : memref<4x4x1024xf32, #tpu.memory_space<vmem>>, vector<1x1x16xf32>,
          %parallel_loop3A_578 = arith.constant 0 : i32
          %parallel_loop3A_579 = arith.constant 1 : i32
          %parallel_loop3A_580 = arith.constant 0 : i32
          %parallel_loop3A_581 = arith.constant 0 : i32
          %parallel_loop3A_582 = arith.constant 0 : i32
          %parallel_loop3A_583 = tpu.memref_slice %run_scoped3A_8[%rem3A_319, %parallel_loop3A_580, %parallel_loop3A_581, %parallel_loop3A_582] : memref<2x1x4x1024xf32, #tpu.memory_space<vmem>> -> memref<1x1x4x1024xf32, #tpu.memory_space<vmem>>
          %parallel_loop3A_584 = tpu.memref_squeeze %parallel_loop3A_583 : memref<1x1x4x1024xf32, #tpu.memory_space<vmem>> -> memref<1x4x1024xf32, #tpu.memory_space<vmem>>
          %parallel_loop3A_585 = arith.index_cast %parallel_loop3A_578 : i32 to index
          %parallel_loop3A_586 = arith.index_cast %parallel_loop3A_579 : i32 to index
          %parallel_loop3A_587 = arith.index_cast %parallel_loop3A_451 : i32 to index
          %parallel_loop3A_588 = tpu.vector_load %parallel_loop3A_584[%parallel_loop3A_585, %parallel_loop3A_586, %parallel_loop3A_587] {strides = array<i32>} : memref<1x4x1024xf32, #tpu.memory_space<vmem>>, vector<1x1x16xf32>,
          %parallel_loop3A_589 = vector.shape_cast %parallel_loop3A_588 : vector<1x1x16xf32> to vector<16xf32>
          %parallel_loop3A_590 = arith.addf %parallel_loop3A_589, %parallel_loop3A_460 : vector<16xf32>
          %parallel_loop3A_591 = arith.constant 0 : i32
          %parallel_loop3A_592 = arith.constant 1 : i32
          %parallel_loop3A_593 = arith.constant 0 : i32
          %parallel_loop3A_594 = arith.constant 0 : i32
          %parallel_loop3A_595 = arith.constant 0 : i32
          %parallel_loop3A_596 = tpu.memref_slice %run_scoped3A[%rem3A_317, %parallel_loop3A_593, %parallel_loop3A_594, %parallel_loop3A_595] : memref<2x4x4x1024xf32, #tpu.memory_space<vmem>> -> memref<1x4x4x1024xf32, #tpu.memory_space<vmem>>
          %parallel_loop3A_597 = tpu.memref_squeeze %parallel_loop3A_596 : memref<1x4x4x1024xf32, #tpu.memory_space<vmem>> -> memref<4x4x1024xf32, #tpu.memory_space<vmem>>
          %parallel_loop3A_598 = arith.index_cast %parallel_loop3A_591 : i32 to index
          %parallel_loop3A_599 = arith.index_cast %parallel_loop3A_592 : i32 to index
          %parallel_loop3A_600 = arith.index_cast %parallel_loop3A_451 : i32 to index
          %parallel_loop3A_601 = tpu.vector_load %parallel_loop3A_597[%parallel_loop3A_598, %parallel_loop3A_599, %parallel_loop3A_600] {strides = array<i32>} : memref<4x4x1024xf32, #tpu.memory_space<vmem>>, vector<1x1x16xf32>,
          %parallel_loop3A_602 = vector.shape_cast %parallel_loop3A_601 : vector<1x1x16xf32> to vector<16xf32>
          %parallel_loop3A_603 = arith.addf %parallel_loop3A_602, %parallel_loop3A_590 : vector<16xf32>
          %parallel_loop3A_604 = arith.constant 0 : i32
          %parallel_loop3A_605 = arith.constant 1 : i32
          %parallel_loop3A_606 = arith.constant 0 : i32
          %parallel_loop3A_607 = arith.constant 0 : i32
          %parallel_loop3A_608 = arith.constant 0 : i32
          %parallel_loop3A_609 = tpu.memref_slice %run_scoped3A_12[%rem3A_323, %parallel_loop3A_606, %parallel_loop3A_607, %parallel_loop3A_608] : memref<2x4x4x1024xf32, #tpu.memory_space<vmem>> -> memref<1x4x4x1024xf32, #tpu.memory_space<vmem>>
          %parallel_loop3A_610 = tpu.memref_squeeze %parallel_loop3A_609 : memref<1x4x4x1024xf32, #tpu.memory_space<vmem>> -> memref<4x4x1024xf32, #tpu.memory_space<vmem>>
          %parallel_loop3A_611 = arith.index_cast %parallel_loop3A_604 : i32 to index
          %parallel_loop3A_612 = arith.index_cast %parallel_loop3A_605 : i32 to index
          %parallel_loop3A_613 = arith.index_cast %parallel_loop3A_451 : i32 to index
          %parallel_loop3A_614 = tpu.vector_load %parallel_loop3A_610[%parallel_loop3A_611, %parallel_loop3A_612, %parallel_loop3A_613] {strides = array<i32>} : memref<4x4x1024xf32, #tpu.memory_space<vmem>>, vector<1x1x16xf32>,
          %parallel_loop3A_615 = vector.shape_cast %parallel_loop3A_614 : vector<1x1x16xf32> to vector<16xf32>
          %parallel_loop3A_616 = vector.shape_cast %parallel_loop3A_603 : vector<16xf32> to vector<1x1x16xf32>
          tpu.vector_store %parallel_loop3A_610[%parallel_loop3A_611, %parallel_loop3A_612, %parallel_loop3A_613], %parallel_loop3A_616 {strides = array<i32>} : memref<4x4x1024xf32, #tpu.memory_space<vmem>>, vector<1x1x16xf32>,
          %parallel_loop3A_617 = arith.constant 1 : i32
          %parallel_loop3A_618 = arith.constant 1 : i32
          %parallel_loop3A_619 = arith.constant 0 : i32
          %parallel_loop3A_620 = arith.constant 0 : i32
          %parallel_loop3A_621 = arith.constant 0 : i32
          %parallel_loop3A_622 = tpu.memref_slice %run_scoped3A[%rem3A_317, %parallel_loop3A_619, %parallel_loop3A_620, %parallel_loop3A_621] : memref<2x4x4x1024xf32, #tpu.memory_space<vmem>> -> memref<1x4x4x1024xf32, #tpu.memory_space<vmem>>
          %parallel_loop3A_623 = tpu.memref_squeeze %parallel_loop3A_622 : memref<1x4x4x1024xf32, #tpu.memory_space<vmem>> -> memref<4x4x1024xf32, #tpu.memory_space<vmem>>
          %parallel_loop3A_624 = arith.index_cast %parallel_loop3A_617 : i32 to index
          %parallel_loop3A_625 = arith.index_cast %parallel_loop3A_618 : i32 to index
          %parallel_loop3A_626 = arith.index_cast %parallel_loop3A_451 : i32 to index
          %parallel_loop3A_627 = tpu.vector_load %parallel_loop3A_623[%parallel_loop3A_624, %parallel_loop3A_625, %parallel_loop3A_626] {strides = array<i32>} : memref<4x4x1024xf32, #tpu.memory_space<vmem>>, vector<1x1x16xf32>,
          %parallel_loop3A_628 = vector.shape_cast %parallel_loop3A_627 : vector<1x1x16xf32> to vector<16xf32>
          %parallel_loop3A_629 = arith.addf %parallel_loop3A_628, %parallel_loop3A_590 : vector<16xf32>
          %parallel_loop3A_630 = arith.constant 1 : i32
          %parallel_loop3A_631 = arith.constant 1 : i32
          %parallel_loop3A_632 = arith.constant 0 : i32
          %parallel_loop3A_633 = arith.constant 0 : i32
          %parallel_loop3A_634 = arith.constant 0 : i32
          %parallel_loop3A_635 = tpu.memref_slice %run_scoped3A_12[%rem3A_323, %parallel_loop3A_632, %parallel_loop3A_633, %parallel_loop3A_634] : memref<2x4x4x1024xf32, #tpu.memory_space<vmem>> -> memref<1x4x4x1024xf32, #tpu.memory_space<vmem>>
          %parallel_loop3A_636 = tpu.memref_squeeze %parallel_loop3A_635 : memref<1x4x4x1024xf32, #tpu.memory_space<vmem>> -> memref<4x4x1024xf32, #tpu.memory_space<vmem>>
          %parallel_loop3A_637 = arith.index_cast %parallel_loop3A_630 : i32 to index
          %parallel_loop3A_638 = arith.index_cast %parallel_loop3A_631 : i32 to index
          %parallel_loop3A_639 = arith.index_cast %parallel_loop3A_451 : i32 to index
          %parallel_loop3A_640 = tpu.vector_load %parallel_loop3A_636[%parallel_loop3A_637, %parallel_loop3A_638, %parallel_loop3A_639] {strides = array<i32>} : memref<4x4x1024xf32, #tpu.memory_space<vmem>>, vector<1x1x16xf32>,
          %parallel_loop3A_641 = vector.shape_cast %parallel_loop3A_640 : vector<1x1x16xf32> to vector<16xf32>
          %parallel_loop3A_642 = vector.shape_cast %parallel_loop3A_629 : vector<16xf32> to vector<1x1x16xf32>
          tpu.vector_store %parallel_loop3A_636[%parallel_loop3A_637, %parallel_loop3A_638, %parallel_loop3A_639], %parallel_loop3A_642 {strides = array<i32>} : memref<4x4x1024xf32, #tpu.memory_space<vmem>>, vector<1x1x16xf32>,
          %parallel_loop3A_643 = arith.constant 2 : i32
          %parallel_loop3A_644 = arith.constant 1 : i32
          %parallel_loop3A_645 = arith.constant 0 : i32
          %parallel_loop3A_646 = arith.constant 0 : i32
          %parallel_loop3A_647 = arith.constant 0 : i32
          %parallel_loop3A_648 = tpu.memref_slice %run_scoped3A[%rem3A_317, %parallel_loop3A_645, %parallel_loop3A_646, %parallel_loop3A_647] : memref<2x4x4x1024xf32, #tpu.memory_space<vmem>> -> memref<1x4x4x1024xf32, #tpu.memory_space<vmem>>
          %parallel_loop3A_649 = tpu.memref_squeeze %parallel_loop3A_648 : memref<1x4x4x1024xf32, #tpu.memory_space<vmem>> -> memref<4x4x1024xf32, #tpu.memory_space<vmem>>
          %parallel_loop3A_650 = arith.index_cast %parallel_loop3A_643 : i32 to index
          %parallel_loop3A_651 = arith.index_cast %parallel_loop3A_644 : i32 to index
          %parallel_loop3A_652 = arith.index_cast %parallel_loop3A_451 : i32 to index
          %parallel_loop3A_653 = tpu.vector_load %parallel_loop3A_649[%parallel_loop3A_650, %parallel_loop3A_651, %parallel_loop3A_652] {strides = array<i32>} : memref<4x4x1024xf32, #tpu.memory_space<vmem>>, vector<1x1x16xf32>,
          %parallel_loop3A_654 = vector.shape_cast %parallel_loop3A_653 : vector<1x1x16xf32> to vector<16xf32>
          %parallel_loop3A_655 = arith.addf %parallel_loop3A_654, %parallel_loop3A_590 : vector<16xf32>
          %parallel_loop3A_656 = arith.constant 2 : i32
          %parallel_loop3A_657 = arith.constant 1 : i32
          %parallel_loop3A_658 = arith.constant 0 : i32
          %parallel_loop3A_659 = arith.constant 0 : i32
          %parallel_loop3A_660 = arith.constant 0 : i32
          %parallel_loop3A_661 = tpu.memref_slice %run_scoped3A_12[%rem3A_323, %parallel_loop3A_658, %parallel_loop3A_659, %parallel_loop3A_660] : memref<2x4x4x1024xf32, #tpu.memory_space<vmem>> -> memref<1x4x4x1024xf32, #tpu.memory_space<vmem>>
          %parallel_loop3A_662 = tpu.memref_squeeze %parallel_loop3A_661 : memref<1x4x4x1024xf32, #tpu.memory_space<vmem>> -> memref<4x4x1024xf32, #tpu.memory_space<vmem>>
          %parallel_loop3A_663 = arith.index_cast %parallel_loop3A_656 : i32 to index
          %parallel_loop3A_664 = arith.index_cast %parallel_loop3A_657 : i32 to index
          %parallel_loop3A_665 = arith.index_cast %parallel_loop3A_451 : i32 to index
          %parallel_loop3A_666 = tpu.vector_load %parallel_loop3A_662[%parallel_loop3A_663, %parallel_loop3A_664, %parallel_loop3A_665] {strides = array<i32>} : memref<4x4x1024xf32, #tpu.memory_space<vmem>>, vector<1x1x16xf32>,
          %parallel_loop3A_667 = vector.shape_cast %parallel_loop3A_666 : vector<1x1x16xf32> to vector<16xf32>
          %parallel_loop3A_668 = vector.shape_cast %parallel_loop3A_655 : vector<16xf32> to vector<1x1x16xf32>
          tpu.vector_store %parallel_loop3A_662[%parallel_loop3A_663, %parallel_loop3A_664, %parallel_loop3A_665], %parallel_loop3A_668 {strides = array<i32>} : memref<4x4x1024xf32, #tpu.memory_space<vmem>>, vector<1x1x16xf32>,
          %parallel_loop3A_669 = arith.constant 3 : i32
          %parallel_loop3A_670 = arith.constant 1 : i32
          %parallel_loop3A_671 = arith.constant 0 : i32
          %parallel_loop3A_672 = arith.constant 0 : i32
          %parallel_loop3A_673 = arith.constant 0 : i32
          %parallel_loop3A_674 = tpu.memref_slice %run_scoped3A[%rem3A_317, %parallel_loop3A_671, %parallel_loop3A_672, %parallel_loop3A_673] : memref<2x4x4x1024xf32, #tpu.memory_space<vmem>> -> memref<1x4x4x1024xf32, #tpu.memory_space<vmem>>
          %parallel_loop3A_675 = tpu.memref_squeeze %parallel_loop3A_674 : memref<1x4x4x1024xf32, #tpu.memory_space<vmem>> -> memref<4x4x1024xf32, #tpu.memory_space<vmem>>
          %parallel_loop3A_676 = arith.index_cast %parallel_loop3A_669 : i32 to index
          %parallel_loop3A_677 = arith.index_cast %parallel_loop3A_670 : i32 to index
          %parallel_loop3A_678 = arith.index_cast %parallel_loop3A_451 : i32 to index
          %parallel_loop3A_679 = tpu.vector_load %parallel_loop3A_675[%parallel_loop3A_676, %parallel_loop3A_677, %parallel_loop3A_678] {strides = array<i32>} : memref<4x4x1024xf32, #tpu.memory_space<vmem>>, vector<1x1x16xf32>,
          %parallel_loop3A_680 = vector.shape_cast %parallel_loop3A_679 : vector<1x1x16xf32> to vector<16xf32>
          %parallel_loop3A_681 = arith.addf %parallel_loop3A_680, %parallel_loop3A_590 : vector<16xf32>
          %parallel_loop3A_682 = arith.constant 3 : i32
          %parallel_loop3A_683 = arith.constant 1 : i32
          %parallel_loop3A_684 = arith.constant 0 : i32
          %parallel_loop3A_685 = arith.constant 0 : i32
          %parallel_loop3A_686 = arith.constant 0 : i32
          %parallel_loop3A_687 = tpu.memref_slice %run_scoped3A_12[%rem3A_323, %parallel_loop3A_684, %parallel_loop3A_685, %parallel_loop3A_686] : memref<2x4x4x1024xf32, #tpu.memory_space<vmem>> -> memref<1x4x4x1024xf32, #tpu.memory_space<vmem>>
          %parallel_loop3A_688 = tpu.memref_squeeze %parallel_loop3A_687 : memref<1x4x4x1024xf32, #tpu.memory_space<vmem>> -> memref<4x4x1024xf32, #tpu.memory_space<vmem>>
          %parallel_loop3A_689 = arith.index_cast %parallel_loop3A_682 : i32 to index
          %parallel_loop3A_690 = arith.index_cast %parallel_loop3A_683 : i32 to index
          %parallel_loop3A_691 = arith.index_cast %parallel_loop3A_451 : i32 to index
          %parallel_loop3A_692 = tpu.vector_load %parallel_loop3A_688[%parallel_loop3A_689, %parallel_loop3A_690, %parallel_loop3A_691] {strides = array<i32>} : memref<4x4x1024xf32, #tpu.memory_space<vmem>>, vector<1x1x16xf32>,
          %parallel_loop3A_693 = vector.shape_cast %parallel_loop3A_692 : vector<1x1x16xf32> to vector<16xf32>
          %parallel_loop3A_694 = vector.shape_cast %parallel_loop3A_681 : vector<16xf32> to vector<1x1x16xf32>
          tpu.vector_store %parallel_loop3A_688[%parallel_loop3A_689, %parallel_loop3A_690, %parallel_loop3A_691], %parallel_loop3A_694 {strides = array<i32>} : memref<4x4x1024xf32, #tpu.memory_space<vmem>>, vector<1x1x16xf32>,
          %parallel_loop3A_695 = arith.constant 0 : i32
          %parallel_loop3A_696 = arith.constant 2 : i32
          %parallel_loop3A_697 = arith.constant 0 : i32
          %parallel_loop3A_698 = arith.constant 0 : i32
          %parallel_loop3A_699 = arith.constant 0 : i32
          %parallel_loop3A_700 = tpu.memref_slice %run_scoped3A_8[%rem3A_319, %parallel_loop3A_697, %parallel_loop3A_698, %parallel_loop3A_699] : memref<2x1x4x1024xf32, #tpu.memory_space<vmem>> -> memref<1x1x4x1024xf32, #tpu.memory_space<vmem>>
          %parallel_loop3A_701 = tpu.memref_squeeze %parallel_loop3A_700 : memref<1x1x4x1024xf32, #tpu.memory_space<vmem>> -> memref<1x4x1024xf32, #tpu.memory_space<vmem>>
          %parallel_loop3A_702 = arith.index_cast %parallel_loop3A_695 : i32 to index
          %parallel_loop3A_703 = arith.index_cast %parallel_loop3A_696 : i32 to index
          %parallel_loop3A_704 = arith.index_cast %parallel_loop3A_451 : i32 to index
          %parallel_loop3A_705 = tpu.vector_load %parallel_loop3A_701[%parallel_loop3A_702, %parallel_loop3A_703, %parallel_loop3A_704] {strides = array<i32>} : memref<1x4x1024xf32, #tpu.memory_space<vmem>>, vector<1x1x16xf32>,
          %parallel_loop3A_706 = vector.shape_cast %parallel_loop3A_705 : vector<1x1x16xf32> to vector<16xf32>
          %parallel_loop3A_707 = arith.addf %parallel_loop3A_706, %parallel_loop3A_460 : vector<16xf32>
          %parallel_loop3A_708 = arith.constant 0 : i32
          %parallel_loop3A_709 = arith.constant 2 : i32
          %parallel_loop3A_710 = arith.constant 0 : i32
          %parallel_loop3A_711 = arith.constant 0 : i32
          %parallel_loop3A_712 = arith.constant 0 : i32
          %parallel_loop3A_713 = tpu.memref_slice %run_scoped3A[%rem3A_317, %parallel_loop3A_710, %parallel_loop3A_711, %parallel_loop3A_712] : memref<2x4x4x1024xf32, #tpu.memory_space<vmem>> -> memref<1x4x4x1024xf32, #tpu.memory_space<vmem>>
          %parallel_loop3A_714 = tpu.memref_squeeze %parallel_loop3A_713 : memref<1x4x4x1024xf32, #tpu.memory_space<vmem>> -> memref<4x4x1024xf32, #tpu.memory_space<vmem>>
          %parallel_loop3A_715 = arith.index_cast %parallel_loop3A_708 : i32 to index
          %parallel_loop3A_716 = arith.index_cast %parallel_loop3A_709 : i32 to index
          %parallel_loop3A_717 = arith.index_cast %parallel_loop3A_451 : i32 to index
          %parallel_loop3A_718 = tpu.vector_load %parallel_loop3A_714[%parallel_loop3A_715, %parallel_loop3A_716, %parallel_loop3A_717] {strides = array<i32>} : memref<4x4x1024xf32, #tpu.memory_space<vmem>>, vector<1x1x16xf32>,
          %parallel_loop3A_719 = vector.shape_cast %parallel_loop3A_718 : vector<1x1x16xf32> to vector<16xf32>
          %parallel_loop3A_720 = arith.addf %parallel_loop3A_719, %parallel_loop3A_707 : vector<16xf32>
          %parallel_loop3A_721 = arith.constant 0 : i32
          %parallel_loop3A_722 = arith.constant 2 : i32
          %parallel_loop3A_723 = arith.constant 0 : i32
          %parallel_loop3A_724 = arith.constant 0 : i32
          %parallel_loop3A_725 = arith.constant 0 : i32
          %parallel_loop3A_726 = tpu.memref_slice %run_scoped3A_12[%rem3A_323, %parallel_loop3A_723, %parallel_loop3A_724, %parallel_loop3A_725] : memref<2x4x4x1024xf32, #tpu.memory_space<vmem>> -> memref<1x4x4x1024xf32, #tpu.memory_space<vmem>>
          %parallel_loop3A_727 = tpu.memref_squeeze %parallel_loop3A_726 : memref<1x4x4x1024xf32, #tpu.memory_space<vmem>> -> memref<4x4x1024xf32, #tpu.memory_space<vmem>>
          %parallel_loop3A_728 = arith.index_cast %parallel_loop3A_721 : i32 to index
          %parallel_loop3A_729 = arith.index_cast %parallel_loop3A_722 : i32 to index
          %parallel_loop3A_730 = arith.index_cast %parallel_loop3A_451 : i32 to index
          %parallel_loop3A_731 = tpu.vector_load %parallel_loop3A_727[%parallel_loop3A_728, %parallel_loop3A_729, %parallel_loop3A_730] {strides = array<i32>} : memref<4x4x1024xf32, #tpu.memory_space<vmem>>, vector<1x1x16xf32>,
          %parallel_loop3A_732 = vector.shape_cast %parallel_loop3A_731 : vector<1x1x16xf32> to vector<16xf32>
          %parallel_loop3A_733 = vector.shape_cast %parallel_loop3A_720 : vector<16xf32> to vector<1x1x16xf32>
          tpu.vector_store %parallel_loop3A_727[%parallel_loop3A_728, %parallel_loop3A_729, %parallel_loop3A_730], %parallel_loop3A_733 {strides = array<i32>} : memref<4x4x1024xf32, #tpu.memory_space<vmem>>, vector<1x1x16xf32>,
          %parallel_loop3A_734 = arith.constant 1 : i32
          %parallel_loop3A_735 = arith.constant 2 : i32
          %parallel_loop3A_736 = arith.constant 0 : i32
          %parallel_loop3A_737 = arith.constant 0 : i32
          %parallel_loop3A_738 = arith.constant 0 : i32
          %parallel_loop3A_739 = tpu.memref_slice %run_scoped3A[%rem3A_317, %parallel_loop3A_736, %parallel_loop3A_737, %parallel_loop3A_738] : memref<2x4x4x1024xf32, #tpu.memory_space<vmem>> -> memref<1x4x4x1024xf32, #tpu.memory_space<vmem>>
          %parallel_loop3A_740 = tpu.memref_squeeze %parallel_loop3A_739 : memref<1x4x4x1024xf32, #tpu.memory_space<vmem>> -> memref<4x4x1024xf32, #tpu.memory_space<vmem>>
          %parallel_loop3A_741 = arith.index_cast %parallel_loop3A_734 : i32 to index
          %parallel_loop3A_742 = arith.index_cast %parallel_loop3A_735 : i32 to index
          %parallel_loop3A_743 = arith.index_cast %parallel_loop3A_451 : i32 to index
          %parallel_loop3A_744 = tpu.vector_load %parallel_loop3A_740[%parallel_loop3A_741, %parallel_loop3A_742, %parallel_loop3A_743] {strides = array<i32>} : memref<4x4x1024xf32, #tpu.memory_space<vmem>>, vector<1x1x16xf32>,
          %parallel_loop3A_745 = vector.shape_cast %parallel_loop3A_744 : vector<1x1x16xf32> to vector<16xf32>
          %parallel_loop3A_746 = arith.addf %parallel_loop3A_745, %parallel_loop3A_707 : vector<16xf32>
          %parallel_loop3A_747 = arith.constant 1 : i32
          %parallel_loop3A_748 = arith.constant 2 : i32
          %parallel_loop3A_749 = arith.constant 0 : i32
          %parallel_loop3A_750 = arith.constant 0 : i32
          %parallel_loop3A_751 = arith.constant 0 : i32
          %parallel_loop3A_752 = tpu.memref_slice %run_scoped3A_12[%rem3A_323, %parallel_loop3A_749, %parallel_loop3A_750, %parallel_loop3A_751] : memref<2x4x4x1024xf32, #tpu.memory_space<vmem>> -> memref<1x4x4x1024xf32, #tpu.memory_space<vmem>>
          %parallel_loop3A_753 = tpu.memref_squeeze %parallel_loop3A_752 : memref<1x4x4x1024xf32, #tpu.memory_space<vmem>> -> memref<4x4x1024xf32, #tpu.memory_space<vmem>>
          %parallel_loop3A_754 = arith.index_cast %parallel_loop3A_747 : i32 to index
          %parallel_loop3A_755 = arith.index_cast %parallel_loop3A_748 : i32 to index
          %parallel_loop3A_756 = arith.index_cast %parallel_loop3A_451 : i32 to index
          %parallel_loop3A_757 = tpu.vector_load %parallel_loop3A_753[%parallel_loop3A_754, %parallel_loop3A_755, %parallel_loop3A_756] {strides = array<i32>} : memref<4x4x1024xf32, #tpu.memory_space<vmem>>, vector<1x1x16xf32>,
          %parallel_loop3A_758 = vector.shape_cast %parallel_loop3A_757 : vector<1x1x16xf32> to vector<16xf32>
          %parallel_loop3A_759 = vector.shape_cast %parallel_loop3A_746 : vector<16xf32> to vector<1x1x16xf32>
          tpu.vector_store %parallel_loop3A_753[%parallel_loop3A_754, %parallel_loop3A_755, %parallel_loop3A_756], %parallel_loop3A_759 {strides = array<i32>} : memref<4x4x1024xf32, #tpu.memory_space<vmem>>, vector<1x1x16xf32>,
          %parallel_loop3A_760 = arith.constant 2 : i32
          %parallel_loop3A_761 = arith.constant 2 : i32
          %parallel_loop3A_762 = arith.constant 0 : i32
          %parallel_loop3A_763 = arith.constant 0 : i32
          %parallel_loop3A_764 = arith.constant 0 : i32
          %parallel_loop3A_765 = tpu.memref_slice %run_scoped3A[%rem3A_317, %parallel_loop3A_762, %parallel_loop3A_763, %parallel_loop3A_764] : memref<2x4x4x1024xf32, #tpu.memory_space<vmem>> -> memref<1x4x4x1024xf32, #tpu.memory_space<vmem>>
          %parallel_loop3A_766 = tpu.memref_squeeze %parallel_loop3A_765 : memref<1x4x4x1024xf32, #tpu.memory_space<vmem>> -> memref<4x4x1024xf32, #tpu.memory_space<vmem>>
          %parallel_loop3A_767 = arith.index_cast %parallel_loop3A_760 : i32 to index
          %parallel_loop3A_768 = arith.index_cast %parallel_loop3A_761 : i32 to index
          %parallel_loop3A_769 = arith.index_cast %parallel_loop3A_451 : i32 to index
          %parallel_loop3A_770 = tpu.vector_load %parallel_loop3A_766[%parallel_loop3A_767, %parallel_loop3A_768, %parallel_loop3A_769] {strides = array<i32>} : memref<4x4x1024xf32, #tpu.memory_space<vmem>>, vector<1x1x16xf32>,
          %parallel_loop3A_771 = vector.shape_cast %parallel_loop3A_770 : vector<1x1x16xf32> to vector<16xf32>
          %parallel_loop3A_772 = arith.addf %parallel_loop3A_771, %parallel_loop3A_707 : vector<16xf32>
          %parallel_loop3A_773 = arith.constant 2 : i32
          %parallel_loop3A_774 = arith.constant 2 : i32
          %parallel_loop3A_775 = arith.constant 0 : i32
          %parallel_loop3A_776 = arith.constant 0 : i32
          %parallel_loop3A_777 = arith.constant 0 : i32
          %parallel_loop3A_778 = tpu.memref_slice %run_scoped3A_12[%rem3A_323, %parallel_loop3A_775, %parallel_loop3A_776, %parallel_loop3A_777] : memref<2x4x4x1024xf32, #tpu.memory_space<vmem>> -> memref<1x4x4x1024xf32, #tpu.memory_space<vmem>>
          %parallel_loop3A_779 = tpu.memref_squeeze %parallel_loop3A_778 : memref<1x4x4x1024xf32, #tpu.memory_space<vmem>> -> memref<4x4x1024xf32, #tpu.memory_space<vmem>>
          %parallel_loop3A_780 = arith.index_cast %parallel_loop3A_773 : i32 to index
          %parallel_loop3A_781 = arith.index_cast %parallel_loop3A_774 : i32 to index
          %parallel_loop3A_782 = arith.index_cast %parallel_loop3A_451 : i32 to index
          %parallel_loop3A_783 = tpu.vector_load %parallel_loop3A_779[%parallel_loop3A_780, %parallel_loop3A_781, %parallel_loop3A_782] {strides = array<i32>} : memref<4x4x1024xf32, #tpu.memory_space<vmem>>, vector<1x1x16xf32>,
          %parallel_loop3A_784 = vector.shape_cast %parallel_loop3A_783 : vector<1x1x16xf32> to vector<16xf32>
          %parallel_loop3A_785 = vector.shape_cast %parallel_loop3A_772 : vector<16xf32> to vector<1x1x16xf32>
          tpu.vector_store %parallel_loop3A_779[%parallel_loop3A_780, %parallel_loop3A_781, %parallel_loop3A_782], %parallel_loop3A_785 {strides = array<i32>} : memref<4x4x1024xf32, #tpu.memory_space<vmem>>, vector<1x1x16xf32>,
          %parallel_loop3A_786 = arith.constant 3 : i32
          %parallel_loop3A_787 = arith.constant 2 : i32
          %parallel_loop3A_788 = arith.constant 0 : i32
          %parallel_loop3A_789 = arith.constant 0 : i32
          %parallel_loop3A_790 = arith.constant 0 : i32
          %parallel_loop3A_791 = tpu.memref_slice %run_scoped3A[%rem3A_317, %parallel_loop3A_788, %parallel_loop3A_789, %parallel_loop3A_790] : memref<2x4x4x1024xf32, #tpu.memory_space<vmem>> -> memref<1x4x4x1024xf32, #tpu.memory_space<vmem>>
          %parallel_loop3A_792 = tpu.memref_squeeze %parallel_loop3A_791 : memref<1x4x4x1024xf32, #tpu.memory_space<vmem>> -> memref<4x4x1024xf32, #tpu.memory_space<vmem>>
          %parallel_loop3A_793 = arith.index_cast %parallel_loop3A_786 : i32 to index
          %parallel_loop3A_794 = arith.index_cast %parallel_loop3A_787 : i32 to index
          %parallel_loop3A_795 = arith.index_cast %parallel_loop3A_451 : i32 to index
          %parallel_loop3A_796 = tpu.vector_load %parallel_loop3A_792[%parallel_loop3A_793, %parallel_loop3A_794, %parallel_loop3A_795] {strides = array<i32>} : memref<4x4x1024xf32, #tpu.memory_space<vmem>>, vector<1x1x16xf32>,
          %parallel_loop3A_797 = vector.shape_cast %parallel_loop3A_796 : vector<1x1x16xf32> to vector<16xf32>
          %parallel_loop3A_798 = arith.addf %parallel_loop3A_797, %parallel_loop3A_707 : vector<16xf32>
          %parallel_loop3A_799 = arith.constant 3 : i32
          %parallel_loop3A_800 = arith.constant 2 : i32
          %parallel_loop3A_801 = arith.constant 0 : i32
          %parallel_loop3A_802 = arith.constant 0 : i32
          %parallel_loop3A_803 = arith.constant 0 : i32
          %parallel_loop3A_804 = tpu.memref_slice %run_scoped3A_12[%rem3A_323, %parallel_loop3A_801, %parallel_loop3A_802, %parallel_loop3A_803] : memref<2x4x4x1024xf32, #tpu.memory_space<vmem>> -> memref<1x4x4x1024xf32, #tpu.memory_space<vmem>>
          %parallel_loop3A_805 = tpu.memref_squeeze %parallel_loop3A_804 : memref<1x4x4x1024xf32, #tpu.memory_space<vmem>> -> memref<4x4x1024xf32, #tpu.memory_space<vmem>>
          %parallel_loop3A_806 = arith.index_cast %parallel_loop3A_799 : i32 to index
          %parallel_loop3A_807 = arith.index_cast %parallel_loop3A_800 : i32 to index
          %parallel_loop3A_808 = arith.index_cast %parallel_loop3A_451 : i32 to index
          %parallel_loop3A_809 = tpu.vector_load %parallel_loop3A_805[%parallel_loop3A_806, %parallel_loop3A_807, %parallel_loop3A_808] {strides = array<i32>} : memref<4x4x1024xf32, #tpu.memory_space<vmem>>, vector<1x1x16xf32>,
          %parallel_loop3A_810 = vector.shape_cast %parallel_loop3A_809 : vector<1x1x16xf32> to vector<16xf32>
          %parallel_loop3A_811 = vector.shape_cast %parallel_loop3A_798 : vector<16xf32> to vector<1x1x16xf32>
          tpu.vector_store %parallel_loop3A_805[%parallel_loop3A_806, %parallel_loop3A_807, %parallel_loop3A_808], %parallel_loop3A_811 {strides = array<i32>} : memref<4x4x1024xf32, #tpu.memory_space<vmem>>, vector<1x1x16xf32>,
          %parallel_loop3A_812 = arith.constant 0 : i32
          %parallel_loop3A_813 = arith.constant 3 : i32
          %parallel_loop3A_814 = arith.constant 0 : i32
          %parallel_loop3A_815 = arith.constant 0 : i32
          %parallel_loop3A_816 = arith.constant 0 : i32
          %parallel_loop3A_817 = tpu.memref_slice %run_scoped3A_8[%rem3A_319, %parallel_loop3A_814, %parallel_loop3A_815, %parallel_loop3A_816] : memref<2x1x4x1024xf32, #tpu.memory_space<vmem>> -> memref<1x1x4x1024xf32, #tpu.memory_space<vmem>>
          %parallel_loop3A_818 = tpu.memref_squeeze %parallel_loop3A_817 : memref<1x1x4x1024xf32, #tpu.memory_space<vmem>> -> memref<1x4x1024xf32, #tpu.memory_space<vmem>>
          %parallel_loop3A_819 = arith.index_cast %parallel_loop3A_812 : i32 to index
          %parallel_loop3A_820 = arith.index_cast %parallel_loop3A_813 : i32 to index
          %parallel_loop3A_821 = arith.index_cast %parallel_loop3A_451 : i32 to index
          %parallel_loop3A_822 = tpu.vector_load %parallel_loop3A_818[%parallel_loop3A_819, %parallel_loop3A_820, %parallel_loop3A_821] {strides = array<i32>} : memref<1x4x1024xf32, #tpu.memory_space<vmem>>, vector<1x1x16xf32>,
          %parallel_loop3A_823 = vector.shape_cast %parallel_loop3A_822 : vector<1x1x16xf32> to vector<16xf32>
          %parallel_loop3A_824 = arith.addf %parallel_loop3A_823, %parallel_loop3A_460 : vector<16xf32>
          %parallel_loop3A_825 = arith.constant 0 : i32
          %parallel_loop3A_826 = arith.constant 3 : i32
          %parallel_loop3A_827 = arith.constant 0 : i32
          %parallel_loop3A_828 = arith.constant 0 : i32
          %parallel_loop3A_829 = arith.constant 0 : i32
          %parallel_loop3A_830 = tpu.memref_slice %run_scoped3A[%rem3A_317, %parallel_loop3A_827, %parallel_loop3A_828, %parallel_loop3A_829] : memref<2x4x4x1024xf32, #tpu.memory_space<vmem>> -> memref<1x4x4x1024xf32, #tpu.memory_space<vmem>>
          %parallel_loop3A_831 = tpu.memref_squeeze %parallel_loop3A_830 : memref<1x4x4x1024xf32, #tpu.memory_space<vmem>> -> memref<4x4x1024xf32, #tpu.memory_space<vmem>>
          %parallel_loop3A_832 = arith.index_cast %parallel_loop3A_825 : i32 to index
          %parallel_loop3A_833 = arith.index_cast %parallel_loop3A_826 : i32 to index
          %parallel_loop3A_834 = arith.index_cast %parallel_loop3A_451 : i32 to index
          %parallel_loop3A_835 = tpu.vector_load %parallel_loop3A_831[%parallel_loop3A_832, %parallel_loop3A_833, %parallel_loop3A_834] {strides = array<i32>} : memref<4x4x1024xf32, #tpu.memory_space<vmem>>, vector<1x1x16xf32>,
          %parallel_loop3A_836 = vector.shape_cast %parallel_loop3A_835 : vector<1x1x16xf32> to vector<16xf32>
          %parallel_loop3A_837 = arith.addf %parallel_loop3A_836, %parallel_loop3A_824 : vector<16xf32>
          %parallel_loop3A_838 = arith.constant 0 : i32
          %parallel_loop3A_839 = arith.constant 3 : i32
          %parallel_loop3A_840 = arith.constant 0 : i32
          %parallel_loop3A_841 = arith.constant 0 : i32
          %parallel_loop3A_842 = arith.constant 0 : i32
          %parallel_loop3A_843 = tpu.memref_slice %run_scoped3A_12[%rem3A_323, %parallel_loop3A_840, %parallel_loop3A_841, %parallel_loop3A_842] : memref<2x4x4x1024xf32, #tpu.memory_space<vmem>> -> memref<1x4x4x1024xf32, #tpu.memory_space<vmem>>
          %parallel_loop3A_844 = tpu.memref_squeeze %parallel_loop3A_843 : memref<1x4x4x1024xf32, #tpu.memory_space<vmem>> -> memref<4x4x1024xf32, #tpu.memory_space<vmem>>
          %parallel_loop3A_845 = arith.index_cast %parallel_loop3A_838 : i32 to index
          %parallel_loop3A_846 = arith.index_cast %parallel_loop3A_839 : i32 to index
          %parallel_loop3A_847 = arith.index_cast %parallel_loop3A_451 : i32 to index
          %parallel_loop3A_848 = tpu.vector_load %parallel_loop3A_844[%parallel_loop3A_845, %parallel_loop3A_846, %parallel_loop3A_847] {strides = array<i32>} : memref<4x4x1024xf32, #tpu.memory_space<vmem>>, vector<1x1x16xf32>,
          %parallel_loop3A_849 = vector.shape_cast %parallel_loop3A_848 : vector<1x1x16xf32> to vector<16xf32>
          %parallel_loop3A_850 = vector.shape_cast %parallel_loop3A_837 : vector<16xf32> to vector<1x1x16xf32>
          tpu.vector_store %parallel_loop3A_844[%parallel_loop3A_845, %parallel_loop3A_846, %parallel_loop3A_847], %parallel_loop3A_850 {strides = array<i32>} : memref<4x4x1024xf32, #tpu.memory_space<vmem>>, vector<1x1x16xf32>,
          %parallel_loop3A_851 = arith.constant 1 : i32
          %parallel_loop3A_852 = arith.constant 3 : i32
          %parallel_loop3A_853 = arith.constant 0 : i32
          %parallel_loop3A_854 = arith.constant 0 : i32
          %parallel_loop3A_855 = arith.constant 0 : i32
          %parallel_loop3A_856 = tpu.memref_slice %run_scoped3A[%rem3A_317, %parallel_loop3A_853, %parallel_loop3A_854, %parallel_loop3A_855] : memref<2x4x4x1024xf32, #tpu.memory_space<vmem>> -> memref<1x4x4x1024xf32, #tpu.memory_space<vmem>>
          %parallel_loop3A_857 = tpu.memref_squeeze %parallel_loop3A_856 : memref<1x4x4x1024xf32, #tpu.memory_space<vmem>> -> memref<4x4x1024xf32, #tpu.memory_space<vmem>>
          %parallel_loop3A_858 = arith.index_cast %parallel_loop3A_851 : i32 to index
          %parallel_loop3A_859 = arith.index_cast %parallel_loop3A_852 : i32 to index
          %parallel_loop3A_860 = arith.index_cast %parallel_loop3A_451 : i32 to index
          %parallel_loop3A_861 = tpu.vector_load %parallel_loop3A_857[%parallel_loop3A_858, %parallel_loop3A_859, %parallel_loop3A_860] {strides = array<i32>} : memref<4x4x1024xf32, #tpu.memory_space<vmem>>, vector<1x1x16xf32>,
          %parallel_loop3A_862 = vector.shape_cast %parallel_loop3A_861 : vector<1x1x16xf32> to vector<16xf32>
          %parallel_loop3A_863 = arith.addf %parallel_loop3A_862, %parallel_loop3A_824 : vector<16xf32>
          %parallel_loop3A_864 = arith.constant 1 : i32
          %parallel_loop3A_865 = arith.constant 3 : i32
          %parallel_loop3A_866 = arith.constant 0 : i32
          %parallel_loop3A_867 = arith.constant 0 : i32
          %parallel_loop3A_868 = arith.constant 0 : i32
          %parallel_loop3A_869 = tpu.memref_slice %run_scoped3A_12[%rem3A_323, %parallel_loop3A_866, %parallel_loop3A_867, %parallel_loop3A_868] : memref<2x4x4x1024xf32, #tpu.memory_space<vmem>> -> memref<1x4x4x1024xf32, #tpu.memory_space<vmem>>
          %parallel_loop3A_870 = tpu.memref_squeeze %parallel_loop3A_869 : memref<1x4x4x1024xf32, #tpu.memory_space<vmem>> -> memref<4x4x1024xf32, #tpu.memory_space<vmem>>
          %parallel_loop3A_871 = arith.index_cast %parallel_loop3A_864 : i32 to index
          %parallel_loop3A_872 = arith.index_cast %parallel_loop3A_865 : i32 to index
          %parallel_loop3A_873 = arith.index_cast %parallel_loop3A_451 : i32 to index
          %parallel_loop3A_874 = tpu.vector_load %parallel_loop3A_870[%parallel_loop3A_871, %parallel_loop3A_872, %parallel_loop3A_873] {strides = array<i32>} : memref<4x4x1024xf32, #tpu.memory_space<vmem>>, vector<1x1x16xf32>,
          %parallel_loop3A_875 = vector.shape_cast %parallel_loop3A_874 : vector<1x1x16xf32> to vector<16xf32>
          %parallel_loop3A_876 = vector.shape_cast %parallel_loop3A_863 : vector<16xf32> to vector<1x1x16xf32>
          tpu.vector_store %parallel_loop3A_870[%parallel_loop3A_871, %parallel_loop3A_872, %parallel_loop3A_873], %parallel_loop3A_876 {strides = array<i32>} : memref<4x4x1024xf32, #tpu.memory_space<vmem>>, vector<1x1x16xf32>,
          %parallel_loop3A_877 = arith.constant 2 : i32
          %parallel_loop3A_878 = arith.constant 3 : i32
          %parallel_loop3A_879 = arith.constant 0 : i32
          %parallel_loop3A_880 = arith.constant 0 : i32
          %parallel_loop3A_881 = arith.constant 0 : i32
          %parallel_loop3A_882 = tpu.memref_slice %run_scoped3A[%rem3A_317, %parallel_loop3A_879, %parallel_loop3A_880, %parallel_loop3A_881] : memref<2x4x4x1024xf32, #tpu.memory_space<vmem>> -> memref<1x4x4x1024xf32, #tpu.memory_space<vmem>>
          %parallel_loop3A_883 = tpu.memref_squeeze %parallel_loop3A_882 : memref<1x4x4x1024xf32, #tpu.memory_space<vmem>> -> memref<4x4x1024xf32, #tpu.memory_space<vmem>>
          %parallel_loop3A_884 = arith.index_cast %parallel_loop3A_877 : i32 to index
          %parallel_loop3A_885 = arith.index_cast %parallel_loop3A_878 : i32 to index
          %parallel_loop3A_886 = arith.index_cast %parallel_loop3A_451 : i32 to index
          %parallel_loop3A_887 = tpu.vector_load %parallel_loop3A_883[%parallel_loop3A_884, %parallel_loop3A_885, %parallel_loop3A_886] {strides = array<i32>} : memref<4x4x1024xf32, #tpu.memory_space<vmem>>, vector<1x1x16xf32>,
          %parallel_loop3A_888 = vector.shape_cast %parallel_loop3A_887 : vector<1x1x16xf32> to vector<16xf32>
          %parallel_loop3A_889 = arith.addf %parallel_loop3A_888, %parallel_loop3A_824 : vector<16xf32>
          %parallel_loop3A_890 = arith.constant 2 : i32
          %parallel_loop3A_891 = arith.constant 3 : i32
          %parallel_loop3A_892 = arith.constant 0 : i32
          %parallel_loop3A_893 = arith.constant 0 : i32
          %parallel_loop3A_894 = arith.constant 0 : i32
          %parallel_loop3A_895 = tpu.memref_slice %run_scoped3A_12[%rem3A_323, %parallel_loop3A_892, %parallel_loop3A_893, %parallel_loop3A_894] : memref<2x4x4x1024xf32, #tpu.memory_space<vmem>> -> memref<1x4x4x1024xf32, #tpu.memory_space<vmem>>
          %parallel_loop3A_896 = tpu.memref_squeeze %parallel_loop3A_895 : memref<1x4x4x1024xf32, #tpu.memory_space<vmem>> -> memref<4x4x1024xf32, #tpu.memory_space<vmem>>
          %parallel_loop3A_897 = arith.index_cast %parallel_loop3A_890 : i32 to index
          %parallel_loop3A_898 = arith.index_cast %parallel_loop3A_891 : i32 to index
          %parallel_loop3A_899 = arith.index_cast %parallel_loop3A_451 : i32 to index
          %parallel_loop3A_900 = tpu.vector_load %parallel_loop3A_896[%parallel_loop3A_897, %parallel_loop3A_898, %parallel_loop3A_899] {strides = array<i32>} : memref<4x4x1024xf32, #tpu.memory_space<vmem>>, vector<1x1x16xf32>,
          %parallel_loop3A_901 = vector.shape_cast %parallel_loop3A_900 : vector<1x1x16xf32> to vector<16xf32>
          %parallel_loop3A_902 = vector.shape_cast %parallel_loop3A_889 : vector<16xf32> to vector<1x1x16xf32>
          tpu.vector_store %parallel_loop3A_896[%parallel_loop3A_897, %parallel_loop3A_898, %parallel_loop3A_899], %parallel_loop3A_902 {strides = array<i32>} : memref<4x4x1024xf32, #tpu.memory_space<vmem>>, vector<1x1x16xf32>,
          %parallel_loop3A_903 = arith.constant 3 : i32
          %parallel_loop3A_904 = arith.constant 3 : i32
          %parallel_loop3A_905 = arith.constant 0 : i32
          %parallel_loop3A_906 = arith.constant 0 : i32
          %parallel_loop3A_907 = arith.constant 0 : i32
          %parallel_loop3A_908 = tpu.memref_slice %run_scoped3A[%rem3A_317, %parallel_loop3A_905, %parallel_loop3A_906, %parallel_loop3A_907] : memref<2x4x4x1024xf32, #tpu.memory_space<vmem>> -> memref<1x4x4x1024xf32, #tpu.memory_space<vmem>>
          %parallel_loop3A_909 = tpu.memref_squeeze %parallel_loop3A_908 : memref<1x4x4x1024xf32, #tpu.memory_space<vmem>> -> memref<4x4x1024xf32, #tpu.memory_space<vmem>>
          %parallel_loop3A_910 = arith.index_cast %parallel_loop3A_903 : i32 to index
          %parallel_loop3A_911 = arith.index_cast %parallel_loop3A_904 : i32 to index
          %parallel_loop3A_912 = arith.index_cast %parallel_loop3A_451 : i32 to index
          %parallel_loop3A_913 = tpu.vector_load %parallel_loop3A_909[%parallel_loop3A_910, %parallel_loop3A_911, %parallel_loop3A_912] {strides = array<i32>} : memref<4x4x1024xf32, #tpu.memory_space<vmem>>, vector<1x1x16xf32>,
          %parallel_loop3A_914 = vector.shape_cast %parallel_loop3A_913 : vector<1x1x16xf32> to vector<16xf32>
          %parallel_loop3A_915 = arith.addf %parallel_loop3A_914, %parallel_loop3A_824 : vector<16xf32>
          %parallel_loop3A_916 = arith.constant 3 : i32
          %parallel_loop3A_917 = arith.constant 3 : i32
          %parallel_loop3A_918 = arith.constant 0 : i32
          %parallel_loop3A_919 = arith.constant 0 : i32
          %parallel_loop3A_920 = arith.constant 0 : i32
          %parallel_loop3A_921 = tpu.memref_slice %run_scoped3A_12[%rem3A_323, %parallel_loop3A_918, %parallel_loop3A_919, %parallel_loop3A_920] : memref<2x4x4x1024xf32, #tpu.memory_space<vmem>> -> memref<1x4x4x1024xf32, #tpu.memory_space<vmem>>
          %parallel_loop3A_922 = tpu.memref_squeeze %parallel_loop3A_921 : memref<1x4x4x1024xf32, #tpu.memory_space<vmem>> -> memref<4x4x1024xf32, #tpu.memory_space<vmem>>
          %parallel_loop3A_923 = arith.index_cast %parallel_loop3A_916 : i32 to index
          %parallel_loop3A_924 = arith.index_cast %parallel_loop3A_917 : i32 to index
          %parallel_loop3A_925 = arith.index_cast %parallel_loop3A_451 : i32 to index
          %parallel_loop3A_926 = tpu.vector_load %parallel_loop3A_922[%parallel_loop3A_923, %parallel_loop3A_924, %parallel_loop3A_925] {strides = array<i32>} : memref<4x4x1024xf32, #tpu.memory_space<vmem>>, vector<1x1x16xf32>,
          %parallel_loop3A_927 = vector.shape_cast %parallel_loop3A_926 : vector<1x1x16xf32> to vector<16xf32>
          %parallel_loop3A_928 = vector.shape_cast %parallel_loop3A_915 : vector<16xf32> to vector<1x1x16xf32>
          tpu.vector_store %parallel_loop3A_922[%parallel_loop3A_923, %parallel_loop3A_924, %parallel_loop3A_925], %parallel_loop3A_928 {strides = array<i32>} : memref<4x4x1024xf32, #tpu.memory_space<vmem>>, vector<1x1x16xf32>,
        } {sc.loop_unroll_factor = 4 : i64, sc.parallel_access}
        "tpu.trace_stop"() : () -> ()
        %ne3A_326 = arith.cmpi ne, %add3A_203, %add3A_221 : i32
        %or3A_327 = arith.constant false
        %or3A_328 = arith.ori %or3A_327, %ne3A_326 : i1
        %or3A_329 = arith.constant false
        %or3A_330 = arith.ori %or3A_328, %or3A_329 : i1
        %or3A_331 = arith.ori %or3A_330, %eq3A_202 : i1
        %convert_element_type3A_332 = arith.extui %or3A_331 : i1 to i32
        %cond3A_333 = arith.constant 0 : i32
        %cond3A_334 = arith.cmpi ne, %convert_element_type3A_332, %cond3A_333 : i32
        scf.if %cond3A_334 {
        } else {
        }
        %and3A_335 = arith.constant false
        %and3A_336 = arith.andi %or3A_331, %and3A_335 : i1
        %ne3A_337 = arith.cmpi ne, %add3A_203, %add3A_221 : i32
        %or3A_338 = arith.constant false
        %or3A_339 = arith.ori %or3A_338, %ne3A_337 : i1
        %or3A_340 = arith.constant false
        %or3A_341 = arith.ori %or3A_339, %or3A_340 : i1
        %or3A_342 = arith.ori %or3A_341, %eq3A_202 : i1
        %convert_element_type3A_343 = arith.extui %or3A_342 : i1 to i32
        %cond3A_344 = arith.constant 0 : i32
        %cond3A_345 = arith.cmpi ne, %convert_element_type3A_343, %cond3A_344 : i32
        scf.if %cond3A_345 {
        } else {
        }
        %and3A_346 = arith.constant false
        %and3A_347 = arith.andi %or3A_342, %and3A_346 : i1
        %or3A_348 = arith.constant false
        %or3A_349 = arith.ori %or3A_348, %eq3A_202 : i1
        %convert_element_type3A_350 = arith.extui %or3A_349 : i1 to i32
        %cond3A_351 = arith.constant 0 : i32
        %cond3A_352 = arith.cmpi ne, %convert_element_type3A_350, %cond3A_351 : i32
        scf.if %cond3A_352 {
        } else {
        }
        %and3A_353 = arith.constant false
        %and3A_354 = arith.andi %or3A_349, %and3A_353 : i1
        %ne3A_355 = arith.cmpi ne, %add3A_203, %add3A_221 : i32
        %or3A_356 = arith.constant false
        %or3A_357 = arith.ori %or3A_356, %ne3A_355 : i1
        %or3A_358 = arith.constant false
        %or3A_359 = arith.ori %or3A_357, %or3A_358 : i1
        %or3A_360 = arith.ori %or3A_359, %eq3A_202 : i1
        %convert_element_type3A_361 = arith.extui %or3A_360 : i1 to i32
        %cond3A_362 = arith.constant 0 : i32
        %cond3A_363 = arith.cmpi ne, %convert_element_type3A_361, %cond3A_362 : i32
        scf.if %cond3A_363 {
          "tpu.trace_start"() <{level = 10 : i32, message = "ep_copy_out"}> : () -> ()
          %rem3A_451 = arith.constant 2 : i32
          %rem3A_452 = arith.remui %scan3A_196, %rem3A_451 : i32
          %mul3A_453 = arith.constant 4 : i32
          %mul3A_454 = arith.muli %mul3A_453, %add3A_203 : i32
          %dma_start3A_455 = arith.constant 0 : i32
          %dma_start3A_456 = arith.constant 0 : i32
          %dma_start3A_457 = arith.constant 0 : i32
          %dma_start3A_458 = tpu.memref_slice %run_scoped3A_12[%rem3A_452, %dma_start3A_455, %dma_start3A_456, %dma_start3A_457] : memref<2x4x4x1024xf32, #tpu.memory_space<vmem>> -> memref<1x4x4x1024xf32, #tpu.memory_space<vmem>>
          %dma_start3A_459 = tpu.memref_squeeze %dma_start3A_458 : memref<1x4x4x1024xf32, #tpu.memory_space<vmem>> -> memref<4x4x1024xf32, #tpu.memory_space<vmem>>
          %dma_start3A_460 = arith.constant 0 : i32
          %dma_start3A_461 = arith.constant 0 : i32
          %dma_start3A_462 = tpu.memref_slice %arg5[%dma_start3A_460, %mul3A_454, %dma_start3A_461] : memref<4x4096x1024xf32, #tpu.memory_space<hbm>> -> memref<4x4x1024xf32, #tpu.memory_space<hbm>>
          %dma_start3A_463 = tpu.memref_slice %run_scoped3A_13[%rem3A_452] : memref<2x!tpu.dma_semaphore, #tpu.memory_space<semaphore_mem>> -> memref<1x!tpu.dma_semaphore, #tpu.memory_space<semaphore_mem>>
          %dma_start3A_464 = tpu.memref_squeeze %dma_start3A_463 : memref<1x!tpu.dma_semaphore, #tpu.memory_space<semaphore_mem>> -> memref<!tpu.dma_semaphore, #tpu.memory_space<semaphore_mem>>
          %dma_start3A_465 = arith.constant 0 : i32
          %dma_start3A_466 = arith.constant 0 : i32
          %dma_start3A_467 = tpu.memref_slice %arg5[%dma_start3A_465, %mul3A_454, %dma_start3A_466] : memref<4x4096x1024xf32, #tpu.memory_space<hbm>> -> memref<4x4x1024xf32, #tpu.memory_space<hbm>>
          %dma_start3A_468 = arith.constant 0 : i32
          %dma_start3A_469 = arith.constant 0 : i32
          %dma_start3A_470 = arith.constant 0 : i32
          %dma_start3A_471 = tpu.memref_slice %run_scoped3A_12[%rem3A_452, %dma_start3A_468, %dma_start3A_469, %dma_start3A_470] : memref<2x4x4x1024xf32, #tpu.memory_space<vmem>> -> memref<1x4x4x1024xf32, #tpu.memory_space<vmem>>
          %dma_start3A_472 = tpu.memref_squeeze %dma_start3A_471 : memref<1x4x4x1024xf32, #tpu.memory_space<vmem>> -> memref<4x4x1024xf32, #tpu.memory_space<vmem>>
          tpu.enqueue_dma source(%dma_start3A_472 : memref<4x4x1024xf32, #tpu.memory_space<vmem>>) target(%dma_start3A_467 : memref<4x4x1024xf32, #tpu.memory_space<hbm>>) target_semaphore(%dma_start3A_464 : memref<!tpu.dma_semaphore, #tpu.memory_space<semaphore_mem>>)
          "tpu.trace_stop"() : () -> ()
        } else {
        }
        %and3A_364 = arith.constant true
        %and3A_365 = arith.andi %or3A_360, %and3A_364 : i1
        %add3A_366 = arith.constant 1 : i32
        %add3A_367 = arith.addi %scan3A_196, %add3A_366 : i32
        %select_n3A_368 = arith.select %and3A_365, %add3A_367, %scan3A_196 : i32
        %ne3A_369 = arith.cmpi ne, %add3A_203, %add3A_212 : i32
        %or3A_370 = arith.constant false
        %or3A_371 = arith.ori %or3A_370, %ne3A_369 : i1
        %or3A_372 = arith.constant false
        %or3A_373 = arith.ori %or3A_371, %or3A_372 : i1
        %not3A_374 = arith.constant true
        %not3A_375 = arith.xori %eq3A_200, %not3A_374 : i1
        %and3A_376 = arith.andi %or3A_373, %not3A_375 : i1
        %convert_element_type3A_377 = arith.extui %and3A_376 : i1 to i32
        %cond3A_378 = arith.constant 0 : i32
        %cond3A_379 = arith.cmpi ne, %convert_element_type3A_377, %cond3A_378 : i32
        scf.if %cond3A_379 {
        } else {
        }
        %and3A_380 = arith.constant false
        %and3A_381 = arith.andi %and3A_376, %and3A_380 : i1
        %ne3A_382 = arith.cmpi ne, %add3A_203, %add3A_212 : i32
        %or3A_383 = arith.constant false
        %or3A_384 = arith.ori %or3A_383, %ne3A_382 : i1
        %or3A_385 = arith.constant false
        %or3A_386 = arith.ori %or3A_384, %or3A_385 : i1
        %not3A_387 = arith.constant true
        %not3A_388 = arith.xori %eq3A_200, %not3A_387 : i1
        %and3A_389 = arith.andi %or3A_386, %not3A_388 : i1
        %convert_element_type3A_390 = arith.extui %and3A_389 : i1 to i32
        %cond3A_391 = arith.constant 0 : i32
        %cond3A_392 = arith.cmpi ne, %convert_element_type3A_390, %cond3A_391 : i32
        scf.if %cond3A_392 {
        } else {
        }
        %and3A_393 = arith.constant false
        %and3A_394 = arith.andi %and3A_389, %and3A_393 : i1
        %not3A_395 = arith.constant true
        %not3A_396 = arith.xori %eq3A_200, %not3A_395 : i1
        %and3A_397 = arith.constant false
        %and3A_398 = arith.andi %and3A_397, %not3A_396 : i1
        %convert_element_type3A_399 = arith.extui %and3A_398 : i1 to i32
        %cond3A_400 = arith.constant 0 : i32
        %cond3A_401 = arith.cmpi ne, %convert_element_type3A_399, %cond3A_400 : i32
        scf.if %cond3A_401 {
        } else {
        }
        %and3A_402 = arith.constant false
        %and3A_403 = arith.andi %and3A_398, %and3A_402 : i1
        %ne3A_404 = arith.cmpi ne, %add3A_203, %add3A_212 : i32
        %or3A_405 = arith.constant false
        %or3A_406 = arith.ori %or3A_405, %ne3A_404 : i1
        %or3A_407 = arith.constant false
        %or3A_408 = arith.ori %or3A_406, %or3A_407 : i1
        %not3A_409 = arith.constant true
        %not3A_410 = arith.xori %eq3A_200, %not3A_409 : i1
        %and3A_411 = arith.andi %or3A_408, %not3A_410 : i1
        %convert_element_type3A_412 = arith.extui %and3A_411 : i1 to i32
        %cond3A_413 = arith.constant 0 : i32
        %cond3A_414 = arith.cmpi ne, %convert_element_type3A_412, %cond3A_413 : i32
        scf.if %cond3A_414 {
          "tpu.trace_start"() <{level = 10 : i32, message = "ep_wait_out"}> : () -> ()
          %rem3A_451 = arith.constant 2 : i32
          %rem3A_452 = arith.remui %scan3A_197, %rem3A_451 : i32
          %mul3A_453 = arith.constant 4 : i32
          %mul3A_454 = arith.muli %mul3A_453, %add3A_212 : i32
          %dma_wait3A_455 = arith.constant 0 : i32
          %dma_wait3A_456 = arith.constant 0 : i32
          %dma_wait3A_457 = arith.constant 0 : i32
          %dma_wait3A_458 = tpu.memref_slice %run_scoped3A_12[%rem3A_452, %dma_wait3A_455, %dma_wait3A_456, %dma_wait3A_457] : memref<2x4x4x1024xf32, #tpu.memory_space<vmem>> -> memref<1x4x4x1024xf32, #tpu.memory_space<vmem>>
          %dma_wait3A_459 = tpu.memref_squeeze %dma_wait3A_458 : memref<1x4x4x1024xf32, #tpu.memory_space<vmem>> -> memref<4x4x1024xf32, #tpu.memory_space<vmem>>
          %dma_wait3A_460 = arith.constant 0 : i32
          %dma_wait3A_461 = arith.constant 0 : i32
          %dma_wait3A_462 = tpu.memref_slice %arg5[%dma_wait3A_460, %mul3A_454, %dma_wait3A_461] : memref<4x4096x1024xf32, #tpu.memory_space<hbm>> -> memref<4x4x1024xf32, #tpu.memory_space<hbm>>
          %dma_wait3A_463 = tpu.memref_slice %run_scoped3A_13[%rem3A_452] : memref<2x!tpu.dma_semaphore, #tpu.memory_space<semaphore_mem>> -> memref<1x!tpu.dma_semaphore, #tpu.memory_space<semaphore_mem>>
          %dma_wait3A_464 = tpu.memref_squeeze %dma_wait3A_463 : memref<1x!tpu.dma_semaphore, #tpu.memory_space<semaphore_mem>> -> memref<!tpu.dma_semaphore, #tpu.memory_space<semaphore_mem>>
          %dma_wait3A_465 = arith.constant 0 : i32
          %dma_wait3A_466 = arith.constant 0 : i32
          %dma_wait3A_467 = tpu.memref_slice %arg5[%dma_wait3A_465, %mul3A_454, %dma_wait3A_466] : memref<4x4096x1024xf32, #tpu.memory_space<hbm>> -> memref<4x4x1024xf32, #tpu.memory_space<hbm>>
          %dma_wait3A_468 = arith.constant 0 : i32
          %dma_wait3A_469 = arith.constant 0 : i32
          %dma_wait3A_470 = arith.constant 0 : i32
          %dma_wait3A_471 = tpu.memref_slice %run_scoped3A_12[%rem3A_452, %dma_wait3A_468, %dma_wait3A_469, %dma_wait3A_470] : memref<2x4x4x1024xf32, #tpu.memory_space<vmem>> -> memref<1x4x4x1024xf32, #tpu.memory_space<vmem>>
          %dma_wait3A_472 = tpu.memref_squeeze %dma_wait3A_471 : memref<1x4x4x1024xf32, #tpu.memory_space<vmem>> -> memref<4x4x1024xf32, #tpu.memory_space<vmem>>
          tpu.wait_dma2 semaphore(%dma_wait3A_464 : memref<!tpu.dma_semaphore, #tpu.memory_space<semaphore_mem>>) src(%dma_wait3A_472 : memref<4x4x1024xf32, #tpu.memory_space<vmem>>) dst(%dma_wait3A_467 : memref<4x4x1024xf32, #tpu.memory_space<hbm>>)
          "tpu.trace_stop"() : () -> ()
        } else {
        }
        %and3A_415 = arith.constant true
        %and3A_416 = arith.andi %and3A_411, %and3A_415 : i1
        %add3A_417 = arith.constant 1 : i32
        %add3A_418 = arith.addi %scan3A_197, %add3A_417 : i32
        %select_n3A_419 = arith.select %and3A_416, %add3A_418, %scan3A_197 : i32
        %ne3A_420 = arith.cmpi ne, %add3A_203, %add3A_221 : i32
        %or3A_421 = arith.constant false
        %or3A_422 = arith.ori %or3A_421, %ne3A_420 : i1
        %or3A_423 = arith.constant false
        %or3A_424 = arith.ori %or3A_422, %or3A_423 : i1
        %or3A_425 = arith.ori %or3A_424, %eq3A_202 : i1
        %add3A_426 = arith.constant 1 : i32
        %add3A_427 = arith.addi %scan3A_191, %add3A_426 : i32
        %select_n3A_428 = arith.select %or3A_425, %add3A_427, %scan3A_191 : i32
        %ne3A_429 = arith.cmpi ne, %add3A_203, %add3A_221 : i32
        %or3A_430 = arith.constant false
        %or3A_431 = arith.ori %or3A_430, %ne3A_429 : i1
        %or3A_432 = arith.constant false
        %or3A_433 = arith.ori %or3A_431, %or3A_432 : i1
        %or3A_434 = arith.ori %or3A_433, %eq3A_202 : i1
        %add3A_435 = arith.constant 1 : i32
        %add3A_436 = arith.addi %scan3A_193, %add3A_435 : i32
        %select_n3A_437 = arith.select %or3A_434, %add3A_436, %scan3A_193 : i32
        %or3A_438 = arith.constant false
        %or3A_439 = arith.ori %or3A_438, %eq3A_202 : i1
        %add3A_440 = arith.constant 1 : i32
        %add3A_441 = arith.addi %scan3A_195, %add3A_440 : i32
        %select_n3A_442 = arith.select %or3A_439, %add3A_441, %scan3A_195 : i32
        %add3A_443 = arith.constant 1 : i32
        %add3A_444 = arith.addi %scan3A_198, %add3A_443 : i32
        %select_n3A_445 = arith.constant true
        %select_n3A_446 = arith.select %select_n3A_445, %add3A_444, %scan3A_198 : i32
        %eq3A_447 = arith.constant 32 : i32
        %eq3A_448 = arith.cmpi eq, %select_n3A_446, %eq3A_447 : i32
        %select_n3A_449 = arith.constant 0 : i32
        %select_n3A_450 = arith.select %eq3A_448, %select_n3A_449, %select_n3A_446 : i32
        scf.yield %select_n3A_241, %select_n3A_428, %select_n3A_259, %select_n3A_437, %select_n3A_273, %select_n3A_442, %select_n3A_368, %select_n3A_419, %select_n3A_450 : i32, i32, i32, i32, i32, i32, i32, i32, i32
      }
      %scan3A_132 = arith.constant 32 : i32
      %sub3A = arith.constant 1 : i32
      %sub3A_133 = arith.subi %scan3A_131#8, %sub3A : i32
      %select_n3A_134 = arith.constant true
      %select_n3A_135 = arith.select %select_n3A_134, %sub3A_133, %scan3A_131#8 : i32
      %eq3A_136 = arith.constant -1 : i32
      %eq3A_137 = arith.cmpi eq, %select_n3A_135, %eq3A_136 : i32
      %select_n3A_138 = arith.constant 31 : i32
      %select_n3A_139 = arith.select %eq3A_137, %select_n3A_138, %select_n3A_135 : i32
      %add3A_140 = arith.addi %select_n3A_139, %mul3A_6 : i32
      %sub3A_141 = arith.constant 1 : i32
      %sub3A_142 = arith.subi %select_n3A_139, %sub3A_141 : i32
      %select_n3A_143 = arith.constant true
      %select_n3A_144 = arith.select %select_n3A_143, %sub3A_142, %select_n3A_139 : i32
      %eq3A_145 = arith.constant -1 : i32
      %eq3A_146 = arith.cmpi eq, %select_n3A_144, %eq3A_145 : i32
      %select_n3A_147 = arith.constant 31 : i32
      %select_n3A_148 = arith.select %eq3A_146, %select_n3A_147, %select_n3A_144 : i32
      %add3A_149 = arith.addi %select_n3A_148, %mul3A_6 : i32
      %add3A_150 = arith.constant 1 : i32
      %add3A_151 = arith.addi %select_n3A_139, %add3A_150 : i32
      %select_n3A_152 = arith.constant true
      %select_n3A_153 = arith.select %select_n3A_152, %add3A_151, %select_n3A_139 : i32
      %eq3A_154 = arith.constant 32 : i32
      %eq3A_155 = arith.cmpi eq, %select_n3A_153, %eq3A_154 : i32
      %select_n3A_156 = arith.constant 0 : i32
      %select_n3A_157 = arith.select %eq3A_155, %select_n3A_156, %select_n3A_153 : i32
      %add3A_158 = arith.addi %select_n3A_157, %mul3A_6 : i32
      %add3A_159 = arith.constant 1 : i32
      %add3A_160 = arith.addi %select_n3A_157, %add3A_159 : i32
      %select_n3A_161 = arith.constant true
      %select_n3A_162 = arith.select %select_n3A_161, %add3A_160, %select_n3A_157 : i32
      %eq3A_163 = arith.constant 32 : i32
      %eq3A_164 = arith.cmpi eq, %select_n3A_162, %eq3A_163 : i32
      %select_n3A_165 = arith.constant 0 : i32
      %select_n3A_166 = arith.select %eq3A_164, %select_n3A_165, %select_n3A_162 : i32
      %add3A_167 = arith.addi %select_n3A_166, %mul3A_6 : i32
      "tpu.trace_start"() <{level = 10 : i32, message = "ep_finalize"}> : () -> ()
      %rem3A_168 = arith.constant 2 : i32
      %rem3A_169 = arith.remui %scan3A_131#7, %rem3A_168 : i32
      %mul3A_170 = arith.constant 4 : i32
      %mul3A_171 = arith.muli %mul3A_170, %add3A_140 : i32
      %dma_wait3A = arith.constant 0 : i32
      %dma_wait3A_172 = arith.constant 0 : i32
      %dma_wait3A_173 = arith.constant 0 : i32
      %dma_wait3A_174 = tpu.memref_slice %run_scoped3A_12[%rem3A_169, %dma_wait3A, %dma_wait3A_172, %dma_wait3A_173] : memref<2x4x4x1024xf32, #tpu.memory_space<vmem>> -> memref<1x4x4x1024xf32, #tpu.memory_space<vmem>>
      %dma_wait3A_175 = tpu.memref_squeeze %dma_wait3A_174 : memref<1x4x4x1024xf32, #tpu.memory_space<vmem>> -> memref<4x4x1024xf32, #tpu.memory_space<vmem>>
      %dma_wait3A_176 = arith.constant 0 : i32
      %dma_wait3A_177 = arith.constant 0 : i32
      %dma_wait3A_178 = tpu.memref_slice %arg5[%dma_wait3A_176, %mul3A_171, %dma_wait3A_177] : memref<4x4096x1024xf32, #tpu.memory_space<hbm>> -> memref<4x4x1024xf32, #tpu.memory_space<hbm>>
      %dma_wait3A_179 = tpu.memref_slice %run_scoped3A_13[%rem3A_169] : memref<2x!tpu.dma_semaphore, #tpu.memory_space<semaphore_mem>> -> memref<1x!tpu.dma_semaphore, #tpu.memory_space<semaphore_mem>>
      %dma_wait3A_180 = tpu.memref_squeeze %dma_wait3A_179 : memref<1x!tpu.dma_semaphore, #tpu.memory_space<semaphore_mem>> -> memref<!tpu.dma_semaphore, #tpu.memory_space<semaphore_mem>>
      %dma_wait3A_181 = arith.constant 0 : i32
      %dma_wait3A_182 = arith.constant 0 : i32
      %dma_wait3A_183 = tpu.memref_slice %arg5[%dma_wait3A_181, %mul3A_171, %dma_wait3A_182] : memref<4x4096x1024xf32, #tpu.memory_space<hbm>> -> memref<4x4x1024xf32, #tpu.memory_space<hbm>>
      %dma_wait3A_184 = arith.constant 0 : i32
      %dma_wait3A_185 = arith.constant 0 : i32
      %dma_wait3A_186 = arith.constant 0 : i32
      %dma_wait3A_187 = tpu.memref_slice %run_scoped3A_12[%rem3A_169, %dma_wait3A_184, %dma_wait3A_185, %dma_wait3A_186] : memref<2x4x4x1024xf32, #tpu.memory_space<vmem>> -> memref<1x4x4x1024xf32, #tpu.memory_space<vmem>>
      %dma_wait3A_188 = tpu.memref_squeeze %dma_wait3A_187 : memref<1x4x4x1024xf32, #tpu.memory_space<vmem>> -> memref<4x4x1024xf32, #tpu.memory_space<vmem>>
      tpu.wait_dma2 semaphore(%dma_wait3A_180 : memref<!tpu.dma_semaphore, #tpu.memory_space<semaphore_mem>>) src(%dma_wait3A_188 : memref<4x4x1024xf32, #tpu.memory_space<vmem>>) dst(%dma_wait3A_183 : memref<4x4x1024xf32, #tpu.memory_space<hbm>>)
      "tpu.trace_stop"() : () -> ()
      tpu.yield
    }) : () -> ()
    return
  }
}

module attributes {stable_mosaic.version = 14 : i64} {
  func.func @_tc_body(%arg0: i32, %arg1: i32, %arg2: memref<1x256x1024xf32, #tpu.memory_space<vmem>>, %arg3: memref<1x256x1024xf32, #tpu.memory_space<vmem>>, %arg4: memref<256x1024xf32, #tpu.memory_space<vmem>>, %arg5: memref<3x1024xf32, #tpu.memory_space<vmem>>, %arg6: memref<1x256x1024xf32, #tpu.memory_space<vmem>>, %arg7: memref<1x256x1024xf32, #tpu.memory_space<vmem>>) attributes {dimension_semantics = [#tpu.dimension_semantics<arbitrary>, #tpu.dimension_semantics<arbitrary>], iteration_bounds = array<i64: 16, 4>, scalar_prefetch = 0 : i64, scratch_operands = 0 : i64, tpu.core_type = #tpu.core_type<tc>, window_params = [{transform_indices = @transform_0, window_bounds = array<i64: 1, 256, 1024>}, {transform_indices = @transform_1, window_bounds = array<i64: 1, 256, 1024>}, {transform_indices = @transform_2, window_bounds = array<i64: 256, 1024>}, {pipeline_mode = #tpu.pipeline_mode<synchronous>, transform_indices = @transform_3, window_bounds = array<i64: 3, 1024>}, {transform_indices = @transform_4, window_bounds = array<i64: 1, 256, 1024>}, {transform_indices = @transform_5, window_bounds = array<i64: 1, 256, 1024>}]} {
    %get3A = arith.constant 0 : index
    %get3A_0 = arith.constant 0 : index
    %get3A_1 = vector.load %arg4[%get3A, %get3A_0] : memref<256x1024xf32, #tpu.memory_space<vmem>>, vector<256x1024xf32>
    %get3A_2 = arith.constant 0 : index
    %get3A_3 = arith.constant 0 : index
    %get3A_4 = arith.constant 0 : index
    %get3A_5 = vector.load %arg2[%get3A_2, %get3A_3, %get3A_4] : memref<1x256x1024xf32, #tpu.memory_space<vmem>>, vector<1x256x1024xf32>
    %get3A_6 = arith.constant 1 : index
    %get3A_7 = arith.constant 0 : index
    %get3A_8 = vector.load %arg5[%get3A_6, %get3A_7] : memref<3x1024xf32, #tpu.memory_space<vmem>>, vector<1x1024xf32>
    %get3A_9 = vector.shape_cast %get3A_8 : vector<1x1024xf32> to vector<1024xf32>
    %broadcast_in_dim3A = vector.shape_cast %get3A_9 : vector<1024xf32> to vector<1x1024xf32>
    %add3A = vector.broadcast %broadcast_in_dim3A : vector<1x1024xf32> to vector<256x1024xf32>
    %add3A_10 = arith.addf %get3A_1, %add3A : vector<256x1024xf32>
    %broadcast_in_dim3A_11 = vector.shape_cast %add3A_10 : vector<256x1024xf32> to vector<1x256x1024xf32>
    %add3A_12 = arith.addf %get3A_5, %broadcast_in_dim3A_11 : vector<1x256x1024xf32>
    %swap3A = arith.constant 0 : index
    %swap3A_13 = arith.constant 0 : index
    %swap3A_14 = arith.constant 0 : index
    %swap3A_15 = vector.load %arg6[%swap3A, %swap3A_13, %swap3A_14] : memref<1x256x1024xf32, #tpu.memory_space<vmem>>, vector<1x256x1024xf32>
    tpu.vector_store %arg6[%swap3A, %swap3A_13, %swap3A_14], %add3A_12 {strides = array<i32>} : memref<1x256x1024xf32, #tpu.memory_space<vmem>>, vector<1x256x1024xf32>,
    %get3A_16 = arith.constant 0 : index
    %get3A_17 = arith.constant 0 : index
    %get3A_18 = arith.constant 0 : index
    %get3A_19 = vector.load %arg3[%get3A_16, %get3A_17, %get3A_18] : memref<1x256x1024xf32, #tpu.memory_space<vmem>>, vector<1x256x1024xf32>
    %get3A_20 = arith.constant 2 : index
    %get3A_21 = arith.constant 0 : index
    %get3A_22 = vector.load %arg5[%get3A_20, %get3A_21] : memref<3x1024xf32, #tpu.memory_space<vmem>>, vector<1x1024xf32>
    %get3A_23 = vector.shape_cast %get3A_22 : vector<1x1024xf32> to vector<1024xf32>
    %broadcast_in_dim3A_24 = vector.shape_cast %get3A_23 : vector<1024xf32> to vector<1x1024xf32>
    %add3A_25 = vector.broadcast %broadcast_in_dim3A_24 : vector<1x1024xf32> to vector<256x1024xf32>
    %add3A_26 = arith.addf %get3A_1, %add3A_25 : vector<256x1024xf32>
    %broadcast_in_dim3A_27 = vector.shape_cast %add3A_26 : vector<256x1024xf32> to vector<1x256x1024xf32>
    %add3A_28 = arith.addf %get3A_19, %broadcast_in_dim3A_27 : vector<1x256x1024xf32>
    %swap3A_29 = arith.constant 0 : index
    %swap3A_30 = arith.constant 0 : index
    %swap3A_31 = arith.constant 0 : index
    %swap3A_32 = vector.load %arg7[%swap3A_29, %swap3A_30, %swap3A_31] : memref<1x256x1024xf32, #tpu.memory_space<vmem>>, vector<1x256x1024xf32>
    tpu.vector_store %arg7[%swap3A_29, %swap3A_30, %swap3A_31], %add3A_28 {strides = array<i32>} : memref<1x256x1024xf32, #tpu.memory_space<vmem>>, vector<1x256x1024xf32>,
    return
  }
  func.func @transform_0(%arg0: i32, %arg1: i32) -> (i32, i32, i32) {
    %c0_i32 = arith.constant 0 : i32
    %c0_i32_0 = arith.constant 0 : i32
    return %arg1, %arg0, %c0_i32 : i32, i32, i32
  }
  func.func @transform_1(%arg0: i32, %arg1: i32) -> (i32, i32, i32) {
    %c0_i32 = arith.constant 0 : i32
    %c0_i32_0 = arith.constant 0 : i32
    return %arg1, %arg0, %c0_i32 : i32, i32, i32
  }
  func.func @transform_2(%arg0: i32, %arg1: i32) -> (i32, i32) {
    %c0_i32 = arith.constant 0 : i32
    %c0_i32_0 = arith.constant 0 : i32
    return %arg0, %c0_i32 : i32, i32
  }
  func.func @transform_3(%arg0: i32, %arg1: i32) -> (i32, i32) {
    %c0_i32 = arith.constant 0 : i32
    %c0_i32_0 = arith.constant 0 : i32
    %c0_i32_1 = arith.constant 0 : i32
    return %c0_i32, %c0_i32_0 : i32, i32
  }
  func.func @transform_4(%arg0: i32, %arg1: i32) -> (i32, i32, i32) {
    %c0_i32 = arith.constant 0 : i32
    %c0_i32_0 = arith.constant 0 : i32
    return %arg1, %arg0, %c0_i32 : i32, i32, i32
  }
  func.func @transform_5(%arg0: i32, %arg1: i32) -> (i32, i32, i32) {
    %c0_i32 = arith.constant 0 : i32
    %c0_i32_0 = arith.constant 0 : i32
    return %arg1, %arg0, %c0_i32 : i32, i32, i32
  }
}

</mosaic_0001>

<sc_bundles>
// kernel: kernel.4.cloned.1.call-start
scs
__scs_entry_jumppad:
0x0: {  	(pc) =	sbr.rel $0x88, $3  }
0x1: {  	(tag) =	ssettag $0x0;
	lr =	simm.s32 $0x1  }
0x2: {  	[smem:$0x3F9D] =	sst lr;
	_ =	strace $0xD0000000  }
0x3: {  	_ = 	snop  }
0x4: {  	_ = 	snop  }
0x5: {  	_ = 	snop  }
0x6: {  	_ = 	snop  }
0x7: {  	_ = 	snop  }
__scs_overlays_trampoline_lowered:
0x8: {  	[smem:$0x3FAC] =	sst s0  }
0x9: {  	[smem:$0x3FAD] =	sst s1  }
0xa: {  	[smem:$0x3FAE] =	sst s2  }
0xb: {  	[smem:$0x3FAF] =	sst s3  }
0xc: {  	[smem:$0x3FB0] =	sst s4  }
0xd: {  	[smem:$0x3FB1] =	sst s5  }
0xe: {  	[smem:$0x3FB2] =	sst s6  }
0xf: {  	[smem:$0x3FB3] =	sst s7  }
0x10: {  	[smem:$0x3FB4] =	sst s8  }
0x11: {  	[smem:$0x3FB5] =	sst s9;
	s0 =	simm.s32 @!p0 $0x0  }
0x12: {  	s1 =	sld [smem:$0x3F9B];
	s0 =	simm.s32 @p0 $0x1  }
0x13: {  	[smem:$0x3FB6] =	sst s0;
	s0 =	simm.s32 @!p1 $0x0  }
0x14: {  	s2 =	sld [smem:$0x3F9A];
	s0 =	simm.s32 @p1 $0x1  }
0x15: {  	[smem:$0x3FB7] =	sst s0;
	s0 =	simm.s32 @!p2 $0x0  }
0x16: {  	s3 =	sld [smem:$0x3FDB];
	s0 =	simm.s32 @p2 $0x1  }
0x17: {  	s4 =	simm.s32 $0x1BF5;
	[smem:$0x3FB9] =	sst s0  }
0x18: {  	s0 =	sld [smem:$0x3F9C];
	_ =	swait.ge [sflag:s4], $0x0  }
0x19: {  	s7 =	sld [smem:$0x3F9D]  }
0x1a: {  	s8 =	sadd.s32 $0xFFFFE003, lr  }
0x1b: {  	s9 =	sadd.s32 $0xFFFFFEF7, lr;
	s5 =	simm.s32 $0xFFFFFFFF;
	p2 =	slt.u32 s8, $0xFFFFF086  }
0x1c: {  	p1 =	slt.u32 s9, $0xF7A;
	s5 =	simm.s32 @!p2 $0x0  }
0x1d: {  	s5 =	simm.s32 @p1 $0x1;
	p0 =	seq.s32 s7, s2  }
0x1e: {  	s7 =	smul.u32 @!p0 $0xF7A, s2;
	p2 =	seq.s32 @!p0 s5, $0x0  }
0x1f: {  	s9 =	smul.u32 $0xF7A, s1;
	s8 =	simm.s32 @!p0 $0x1BF5;
	p2 =	por !p2, p0  }
0x20: {  	[sflag:s8] =	ssyncset.s32 @!p0 $0xFFFFF086;
	s6 =	sadd.s32 @!p0 s3, s7;
	s7 =	simm.s32 @!p0 $0x108  }
0x21: {  	s3 =	sadd.s32 s3, s9;
	s6 =	sadd.s32 @!p0 $0x88, s6;
	s7 =	simm.s32 @p2 $0x1082  }
0x22: {  	[simem:s7], [sflag:s8] =	dma.local @!p0 [hbm:s6], $0xF7A  }
0x23: {  	s9 =	sor.u32 $0xD0000000, s2;
	s6 =	simm.s32 $0x108;
	_ =	swait.ge @!p0 [sflag:s8], $0x0  }
0x24: {  	s3 =	sadd.s32 $0x88, s3;
	s6 =	simm.s32 @!p1 $0x1082;
	[sflag:s4] =	ssyncset.s32 $0xFFFFF086  }
0x25: {  	[simem:s6], [sflag:s4] =	dma.local [hbm:s3], $0xF7A  }
0x26: {  	[smem:$0x3F9D] =	sst s1;
	(tag) =	ssettag s2;
	_ =	strace s9  }
0x27: {  	s1 =	sld [smem:$0x3FAD]  }
0x28: {  	s2 =	sld [smem:$0x3FAE]  }
0x29: {  	s4 =	sld [smem:$0x3FB0]  }
0x2a: {  	p0 =	seq.s32 s5, $0x0;
	s5 =	sld [smem:$0x3FB1]  }
0x2b: {  	s6 =	sld [smem:$0x3FB2]  }
0x2c: {  	s7 =	sld [smem:$0x3FB3]  }
0x2d: {  	s3 =	simm.s32 $0x108;
	s8 =	sld [smem:$0x3FB4]  }
0x2e: {  	s3 =	simm.s32 @!p0 $0x1082;
	s9 =	sld [smem:$0x3FB5]  }
0x2f: {  	lr =	sadd.s32 s0, s3;
	s0 =	sld [smem:$0x3FAC]  }
0x30: {  	s3 =	sld [smem:$0x3FAF]  }
0x31: {  	[smem:$0x3FB8] =	sst s10  }
0x32: {  	s10 =	sld [smem:$0x3FB6];
	_ =	sdelay $0x3  }
0x33: {  	p0 =	seq.s32 s10, $0x1;
	s10 =	sld [smem:$0x3FB8];
	_ =	sdelay $0x3  }
0x34: {  	[smem:$0x3FB8] =	sst s10  }
0x35: {  	s10 =	sld [smem:$0x3FB7];
	_ =	sdelay $0x3  }
0x36: {  	p1 =	seq.s32 s10, $0x1;
	s10 =	sld [smem:$0x3FB8];
	_ =	sdelay $0x3  }
0x37: {  	[smem:$0x3FB8] =	sst s10  }
0x38: {  	s10 =	sld [smem:$0x3FB9]  }
0x39: {  	_ = 	snop;
	(pc) =	sbr.ind lr, $3  }
0x3a: {  	_ = 	snop  }
0x3b: {  	_ = 	snop  }
0x3c: {  	p2 =	seq.s32 s10, $0x1;
	s10 =	sld [smem:$0x3FB8]  }
0x3d: {  	_ =	shalt  }
0x3e: {  	_ =	shalt  }
0x3f: {  	_ =	shalt  }
0x40: {  	_ =	shalt  }
0x41: {  	_ =	shalt  }
0x42: {  	_ =	shalt  }
0x43: {  	_ =	shalt  }
0x44: {  	_ =	shalt  }
0x45: {  	_ =	shalt  }
0x46: {  	_ =	shalt  }
0x47: {  	_ =	shalt  }
0x48: {  	_ =	shalt  }
0x49: {  	_ =	shalt  }
0x4a: {  	_ =	shalt  }
0x4b: {  	_ =	shalt  }
0x4c: {  	_ =	shalt  }
0x4d: {  	_ =	shalt  }
0x4e: {  	_ =	shalt  }
0x4f: {  	_ =	shalt  }
0x50: {  	_ =	shalt  }
0x51: {  	_ =	shalt  }
0x52: {  	_ =	shalt  }
0x53: {  	_ =	shalt  }
0x54: {  	_ =	shalt  }
0x55: {  	_ =	shalt  }
0x56: {  	_ =	shalt  }
0x57: {  	_ =	shalt  }
0x58: {  	_ =	shalt  }
0x59: {  	_ =	shalt  }
0x5a: {  	_ =	shalt  }
0x5b: {  	_ =	shalt  }
0x5c: {  	_ =	shalt  }
0x5d: {  	_ =	shalt  }
0x5e: {  	_ =	shalt  }
0x5f: {  	_ =	shalt  }
0x60: {  	_ =	shalt  }
0x61: {  	_ =	shalt  }
0x62: {  	_ =	shalt  }
0x63: {  	_ =	shalt  }
0x64: {  	_ =	shalt  }
0x65: {  	_ =	shalt  }
0x66: {  	_ =	shalt  }
0x67: {  	_ =	shalt  }
0x68: {  	_ =	shalt  }
0x69: {  	_ =	shalt  }
0x6a: {  	_ =	shalt  }
0x6b: {  	_ =	shalt  }
0x6c: {  	_ =	shalt  }
0x6d: {  	_ =	shalt  }
0x6e: {  	_ =	shalt  }
0x6f: {  	_ =	shalt  }
0x70: {  	_ =	shalt  }
0x71: {  	_ =	shalt  }
0x72: {  	_ =	shalt  }
0x73: {  	_ =	shalt  }
0x74: {  	_ =	shalt  }
0x75: {  	_ =	shalt  }
0x76: {  	_ =	shalt  }
0x77: {  	_ =	shalt  }
0x78: {  	_ =	shalt  }
0x79: {  	_ =	shalt  }
0x7a: {  	_ =	shalt  }
0x7b: {  	_ =	shalt  }
0x7c: {  	_ =	shalt  }
0x7d: {  	_ =	shalt  }
0x7e: {  	_ =	shalt  }
0x7f: {  	_ =	shalt  }
0x80: {  	_ =	shalt  }
0x81: {  	_ =	shalt  }
0x82: {  	_ =	shalt  }
0x83: {  	_ =	shalt  }
0x84: {  	_ =	shalt  }
0x85: {  	_ =	shalt  }
0x86: {  	_ =	shalt  }
0x87: {  	_ =	shalt  }
.Lfunc_end0:
.L_simem_size_0:
called_computation_lowered:
.L_overlay_start_0:
0x88: {  	s2 =	sld [smem:$0x3FD9]  }
0x89: {  	s3 =	sld [smem:$0x3FFE];
	_ =	sdelay $0x1  }
0x8a: {  	s1 =	srdreg.scid  }
0x8b: {  	s0 =	sand.u32 $0x1, s1  }
0x8c: {  	s14 =	sshll.u32 s0, $0xA;
	s2 =	sadd.s32 s3, s2  }
0x8d: {  	s2 =	sadd.s32 s2, s14  }
0x8e: {  	[smem:$0x3FC4] =	sst s2  }
0x8f: {  	_ = 	snop  }
0x90: {  	s2 =	sld [smem:$0x3FD0];
	_ =	sdelay $0x1  }
0x91: {  	s15 =	sld [smem:$0x3FC9]  }
0x92: {  	s5 =	simm.s32 $0xA;
	s6 =	simm.s32 $0x10;
	s4 =	sld [smem:$0x3FC6]  }
0x93: {  	[smem:s6], [sflag:s5] =	dma.local [hbm:s2], $0x1  }
0x94: {  	_ =	swait.eq [sflag:s5], $0x1  }
0x95: {  	[sflag:s5] =	ssyncset.done $0x0  }
0x96: {  	[sflag:s5] =	ssyncadd.s32 $0xFFFFFFFF  }
0x97: {  	s16 =	sld [smem:$0x10];
	(tm) =	ssettm $0x1  }
0x98: {  	s17 =	sld [smem:$0x3FFB];
	_ =	sdelay $0x3  }
0x99: {  	_ =	strace s17  }
0x9a: {  	s5 =	sld [smem:$0x3FFC];
	_ =	sdelay $0x3  }
0x9b: {  	_ =	strace s5  }
0x9c: {  	s5 =	sld [smem:$0x3FFD];
	_ =	sdelay $0x3  }
0x9d: {  	_ =	strace s5  }
0x9e: {  	_ =	strace $0x8FFFFFFF  }
0x9f: {  	s18 =	sld [smem:$0x3FDB];
	_ =	sdelay $0x1  }
0xa0: {  	s19 =	simm.s32 $_scs_section_size  }
0xa1: {  	s7 =	simm.s32 $_size__tile_overlayer_lowered;
	s8 =	simm.s32 $_tile_overlayer_lowered  }
0xa2: {  	s22 =	simm.s32 $0x1BFF;
	s21 =	sshll.u32 s8, $0x1;
	s5 =	sadd.s32 s19, s18  }
0xa3: {  	s9 =	simm.s32 $0x0;
	s20 =	sshll.u32 s7, $0x1;
	s7 =	sadd.s32 s21, s5  }
0xa4: {  	[timem:s9], [sflag:s22] =	dma.local [hbm:s7], s20  }
0xa5: {  	_ =	swait.ge [sflag:s22], s20  }
0xa6: {  	s6 =	ssub.s32 $0x0, s20;
	[sflag:s22] =	ssyncset.done $0x0  }
0xa7: {  	[sflag:s22] =	ssyncadd.s32 s6;
	_ =	sdelay $0x1  }
0xa8: {  	s23 =	simm.s32 $0x1B8B  }
0xa9: {  	_ =	swait.ge [sflag:s23], $0x1  }
0xaa: {  	[sflag:s23] =	ssyncset.done $0x0  }
0xab: {  	s25 =	simm.s32 $0x1B8E;
	s24 =	sld [smem:$0x3FFE];
	[sflag:s23] =	ssyncadd.s32 $0xFFFFFFFF  }
0xac: {  	s26 =	simm.s32 $execute0_lowered;
	[smem:$0x3FD2] =	sst s25  }
0xad: {  	s7 =	sshll.u32 s26, $0x1;
	_ =	strace $0x80000046;
	[dreg:$0x1] =	wrdreg $0xFFFFFFFF  }
0xae: {  	s28 =	simm.s32 $_size_execute0_lowered;
	s5 =	sadd.s32 s5, s7;
	[dreg:$0x0] =	wrdreg $0x0  }
0xaf: {  	s7 =	sshll.u32 s28, $0x1;
	[dreg:$0x2] =	wrdreg s5  }
0xb0: {  	[dreg:$0x3] =	wrdreg s7  }
0xb1: {  	[dreg:$0x4] =	wrdreg $0xC0  }
0xb2: {  	_ =	task [dreg:s9], $0x5FFFF  }
0xb3: {  	[dreg:$0x1] =	wrdreg $0xFFFFFFFF  }
0xb4: {  	[dreg:$0x0] =	wrdreg $0x60  }
0xb5: {  	[dreg:$0x2] =	wrdreg s15  }
0xb6: {  	[dreg:$0x3] =	wrdreg s24  }
0xb7: {  	[dreg:$0x4] =	wrdreg s4  }
0xb8: {  	[dreg:$0x5] =	wrdreg s16  }
0xb9: {  	[dreg:$0x6] =	wrdreg $0x9  }
0xba: {  	_ =	task.clear_ibuf [dreg:s9], $0x7FFFF;
	_ =	strace $0x90000046  }
0xbb: {  	s29 =	simm.s32 $0x9;
	_ =	strace $0x80000052  }
0xbc: {  	_ =	swait.ge [sflag:s29], $0x1  }
0xbd: {  	[sflag:s29] =	ssyncadd.s32 $0xFFFFFFFF  }
0xbe: {  	_ =	strace $0x90000052  }
0xbf: {  	_ =	sfence  }
0xc0: {  	s30 =	sld [smem:$0x0];
	_ =	sdelay $0x2  }
0xc1: {  	s31 =	sshll.u32 s1, $0xD;
	s1 =	sshrl.u32 s1, $0x2  }
0xc2: {  	s3 =	sand.u32 $0x4000, s31;
	s1 =	sadd.s32 s1, s30  }
0xc3: {  	s0 =	sor.u32 s3, s0;
	s1 =	sshll.u32 s1, $0x11  }
0xc4: {  	s0 =	sor.u32 s1, s0  }
0xc5: {  	s0 =	sadd.s32 $0x8F2B, s0  }
0xc6: {  	[sflag:s0] =	ssyncadd.remote.s32 $0x1  }
0xc7: {  	_ =	sfence.sel $0xFFFF  }
0xc8: {  	[dreg:$0x0] =	wrdreg $0xFFFFFFFF;
	(pc) =	sbr.abs _section_cstart, $3  }
0xc9: {  	[dreg:$0x1] =	wrdreg $0xFFFFFFFF  }
0xca: {  	_ =	task.clear_ibuf [dreg:s9], $0x2FFFF;
	_ =	strace $0x9FFFFFFF  }
0xcb: {  	(tm) =	ssettm $0x7FFFFFFF  }
tec
execute0_lowered:
.L_overlay_start_1:
0x0: {  	(tag) =	ssettag $0x1  }
0x1: {  	s4 =	rddreg [dreg:$0x0]  }
0x2: {  	s0 =	rddreg [dreg:$0x1];
	s1 =	srdreg.scid;
	s2 =	simm.s32 $0x0  }
0x3: {  	s3 =	stileid.u32;
	s1 =	sand.u32 $0x1, s1;
	[smem:$0x7FF] =	sst s2  }
0x4: {  	s5 =	sadd.s32 $0xA00, s0;
	s23 =	sshll.u32 s1, $0x4;
	_ =	strace $0x80000047  }
0x5: {  	s1 =	ssub.s32 $0x2, s1;
	[smem:$0x7F7] =	sst s5;
	s2 =	sor.u32 s3, s23  }
0x6: {  	s24 =	sshrl.u32 s1, $0x1;
	s3 =	sshll.u32 s2, $0xE;
	s25 =	sshll.u32 s2, $0x5  }
0x7: {  	s0 =	ssub.s32 s1, s24;
	[smem:$0x7F6] =	sst s25;
	s28 =	sadd.s32 s5, s3  }
0x8: {  	s0 =	smax.u32 s0, $0x1;
	[smem:$0x7F8] =	sst s28  }
0x9: {  	s26 =	sadd.s32 s4, s3;
	[smem:$0x7F9] =	sst s0  }
0xa: {  	s29 =	sadd.s32 $0x80000, s26;
	[smem:$0x7FC] =	sst s26  }
0xb: {  	s30 =	sadd.s32 $0x100000, s26;
	[smem:$0x7FA] =	sst s29  }
0xc: {  	s31 =	sadd.s32 $0x180000, s26;
	[smem:$0x7FB] =	sst s30  }
0xd: {  	s1 =	simm.s32 $0x0;
	[smem:$0x7FD] =	sst s31  }
.LBB2_1:
0xe: {  	[smem:$0x7F5] =	sst s1  }
0xf: {  	_ =	strace $0x80000048  }
0x10: {  	s17 =	sld [smem:$0x7FC]  }
0x11: {  	s0 =	simm.s32 $0x0;
	s2 =	simm.s32 $0x200;
	s3 =	simm.s32 $0x400  }
0x12: {  	s19 =	simm.s32 $0x1000;
	s21 =	simm.s32 $0x2000;
	s18 =	sld [smem:$0x7FA]  }
0x13: {  	[tilespmem:s0], [sflag:$0x1] =	stream.strided.gather [hbm4b:s17+s2], $0x1000, s3, s2, $0x200038;
	[tilespmem:$0x12800] =	vst v63  }
0x14: {  	s23 =	simm.s32 $0x3000;
	s25 =	simm.s32 $0x8000;
	s20 =	sld [smem:$0x7FB]  }
0x15: {  	[tilespmem:s19], [sflag:$0x1] =	stream.strided.gather [hbm4b:s18+s2], $0x1000, s3, s2, $0x200038;
	[tilespmem:$0x12800] =	vst v63  }
0x16: {  	s30 =	simm.s32 $0x80;
	s31 =	simm.s32 $0xA000;
	s22 =	sld [smem:$0x7FD]  }
0x17: {  	[tilespmem:s21], [sflag:$0x1] =	stream.strided.gather [hbm4b:s20+s2], $0x1000, s3, s2, $0x200038;
	[tilespmem:$0x12800] =	vst v63  }
0x18: {  	s29 =	simm.s32 $0x0;
	s8 =	simm.s32 $0x0;
	s24 =	sld [smem:$0x7F8]  }
0x19: {  	[tilespmem:s23], [sflag:$0x1] =	stream.strided.gather [hbm4b:s22+s2], $0x1000, s3, s2, $0x200038;
	[tilespmem:$0x12800] =	vst v63  }
0x1a: {  	s9 =	simm.s32 $0x0;
	s10 =	simm.s32 $0x0;
	s11 =	simm.s32 $0x0  }
0x1b: {  	[tilespmem:s25], [sflag:$0x3] =	stream.strided.gather [hbm4b:s24+s2], $0x1000, s3, s2, $0x200038;
	[tilespmem:$0x12800] =	vst v63  }
0x1c: {  	s28 =	simm.s32 $0x1;
	s12 =	simm.s32 $0x0;
	s26 =	rddreg [dreg:$0x2]  }
0x1d: {  	[tilespmem:s31], [sflag:$0x5] =	stream.strided.gather [hbm4b:s26+s30], $0x400, s2, s30, $0x200038;
	[tilespmem:$0x12800] =	vst v63  }
0x1e: {  	s3 =	simm.s32 $0x0;
	s26 =	simm.s32 $0x1;
	_ =	strace $0x90000048  }
.LBB2_2:
0x1f: {  	s1 =	sadd.s32 $0x1, s29  }
0x20: {  	p0 =	seq.s32 s1, $0x20  }
0x21: {  	s0 =	sld [smem:$0x7F6];
	s1 =	simm.s32 @p0 $0x0;
	p0 =	seq.s32 s12, $0x1F  }
0x22: {  	p3 =	seq.s32 @!p0 s29, s1  }
0x23: {  	p2 =	por p3, p0  }
0x24: {  	[smem:$0x7E7] =	sst s3;
	s0 =	sadd.s32 @!p2 s0, s1  }
0x25: {  	[smem:$0x7E8] =	sst s1;
	s1 =	sshll.u32 @!p2 s1, $0x9;
	s0 =	sshll.u32 @!p2 s0, $0xC  }
0x26: {  	_ =	strace @!p2 $0x80000049;
	s1 =	sand.u32 @!p2 $0x200, s1;
	s0 =	sand.u32 @!p2 $0xFFFFE000, s0  }
0x27: {  	s2 =	sand.u32 @!p2 $0x1, s28;
	s4 =	simm.s32 @!p2 $0x200;
	s0 =	sor.u32 @!p2 s1, s0  }
0x28: {  	s5 =	simm.s32 @!p2 $0x400;
	s3 =	rddreg [dreg:$0x0];
	s0 =	sshrl.u32 @!p2 s0, $0x3  }
0x29: {  	s1 =	sadd.s32 @!p2 $0x1, s2;
	s2 =	sshll.u32 @!p2 s2, $0xE;
	s3 =	sadd.s32 @!p2 s3, s0  }
0x2a: {  	[tilespmem:s2], [sflag:s1] =	stream.strided.gather @!p2 [hbm4b:s3+s4], $0x1000, s5, s4, $0x200038;
	[tilespmem:$0x12800] =	vst v63  }
0x2b: {  	s7 =	sor.u32 @!p2 $0x1000, s2;
	s6 =	sadd.s32 @!p2 $0x80000, s3  }
0x2c: {  	[tilespmem:s7], [sflag:s1] =	stream.strided.gather @!p2 [hbm4b:s6+s4], $0x1000, s5, s4, $0x200038;
	[tilespmem:$0x12800] =	vst v63  }
0x2d: {  	s6 =	sadd.s32 @!p2 $0x100000, s3;
	s7 =	sor.u32 @!p2 $0x2000, s2  }
0x2e: {  	[tilespmem:s7], [sflag:s1] =	stream.strided.gather @!p2 [hbm4b:s6+s4], $0x1000, s5, s4, $0x200038;
	[tilespmem:$0x12800] =	vst v63  }
0x2f: {  	s3 =	sadd.s32 @!p2 $0x180000, s3;
	s2 =	sor.u32 @!p2 $0x3000, s2  }
0x30: {  	[tilespmem:s2], [sflag:s1] =	stream.strided.gather @!p2 [hbm4b:s3+s4], $0x1000, s5, s4, $0x200038;
	[tilespmem:$0x12800] =	vst v63  }
0x31: {  	_ =	strace @!p2 $0x90000049  }
0x32: {  	_ =	strace @!p2 $0x8000004A  }
0x33: {  	s3 =	sld [smem:$0x7F7]  }
0x34: {  	s1 =	sand.u32 @!p2 $0x1, s26  }
0x35: {  	s2 =	sshll.u32 @!p2 s1, $0xC  }
0x36: {  	s1 =	sadd.s32 @!p2 $0x3, s1;
	s2 =	sor.u32 @!p2 $0x8000, s2;
	s0 =	sadd.s32 @!p2 s3, s0  }
0x37: {  	[tilespmem:s2], [sflag:s1] =	stream.strided.gather @!p2 [hbm4b:s0+s4], $0x1000, s5, s4, $0x200038;
	[tilespmem:$0x12800] =	vst v63  }
0x38: {  	s6 =	sand.u32 $0x1, s11;
	_ =	strace @!p2 $0x9000004A  }
0x39: {  	s0 =	sadd.s32 $0x1, s6;
	_ =	strace $0x8000004B  }
0x3a: {  	_ =	swait.ge [sflag:s0], $0x4000  }
0x3b: {  	[sflag:s0] =	ssyncset.done $0x0  }
0x3c: {  	[sflag:s0] =	ssyncadd.s32 $0xFFFFC000  }
0x3d: {  	s7 =	sand.u32 $0x1, s10;
	_ =	strace $0x9000004B  }
0x3e: {  	s0 =	sadd.s32 $0x3, s7;
	_ =	strace $0x8000004C  }
0x3f: {  	_ =	swait.ge [sflag:s0], $0x1000  }
0x40: {  	[sflag:s0] =	ssyncset.done $0x0  }
0x41: {  	p1 =	sne.s32 s12, $0x0;
	[smem:$0x7E9] =	sst s12;
	[sflag:s0] =	ssyncadd.s32 $0xFFFFF000  }
0x42: {  	s0 =	sand.u32 @!p1 $0x1, s9;
	_ =	strace $0x9000004C  }
0x43: {  	s0 =	sadd.s32 @!p1 $0x5, s0;
	_ =	strace @!p1 $0x8000004D  }
0x44: {  	s13 =	sshll.u32 s11, $0xE;
	s14 =	simm.s32 $0x0;
	_ =	swait.ge @!p1 [sflag:s0], $0x400  }
0x45: {  	s15 =	simm.s32 $0x0;
	[smem:$0x7EA] =	sst s10;
	s10 =	sshll.u32 s10, $0xC  }
0x46: {  	s16 =	sand.u32 $0x40, s14;
	s18 =	sand.u32 $0x380, s14;
	s1 =	sand.u32 $0x1000, s10  }
0x47: {  	s12 =	sshll.u32 s9, $0xA;
	[sflag:s0] =	ssyncset.done @!p1 $0x0;
	s1 =	sor.u32 $0x8000, s1  }
0x48: {  	s19 =	sor.u32 $0x30, s16;
	[sflag:s0] =	ssyncadd.s32 @!p1 $0xFFFFFC00;
	s0 =	sand.u32 $0x400, s12;
	v2 =	vmov s1  }
0x49: {  	[smem:$0x7EB] =	sst s9;
	s20 =	sor.u32 $0xA000, s0;
	s0 =	sand.u32 $0x4000, s13  }
0x4a: {  	_ =	strace @!p1 $0x9000004D;
	[smem:$0x7EC] =	sst s11;
	v1 =	vmov s0;
	s21 =	sadd.s32 s18, s20  }
0x4b: {  	s17 =	sand.u32 $0xE00, s15;
	_ =	strace $0x8000004E;
	s1 =	sadd.s32 s19, s21  }
0x4c: {  	s0 =	sor.u32 s19, s17;
	v7 =	vld [tilespmem:s1+$0x0]  }
0x4d: {  	s22 =	sand.u32 $0x1, s8;
	v3 =	vld.idx.msk [tilespmem:v2+s0+$0x0 ss:$0x1], $0xffff;
	[smem:$0x7ED] =	sst s8  }
0x4e: {  	[smem:$0x7EE] =	sst s22  }
0x4f: {  	s1 =	sshll.u32 s22, $0xE;
	v4 =	vld.idx.msk [tilespmem:v1+s0+$0x0 ss:$0x1], $0xffff  }
0x50: {  	[smem:$0x7EF] =	sst s1;
	s1 =	sor.u32 $0xA800, s1  }
0x51: {  	v0 =	vmov s1  }
0x52: {  	s23 =	sor.u32 $0x10, s16;
	v8 =	vadd.f32 v3, v7  }
0x53: {  	s24 =	sor.u32 $0x20, s16;
	s2 =	sor.u32 s23, s17;
	[smem:$0x7F0] =	sst s1  }
0x54: {  	s1 =	sor.u32 s24, s17;
	v9 =	vld.idx.msk [tilespmem:v2+s2+$0x0 ss:$0x1], $0xffff;
	v4 =	vadd.f32 v8, v4  }
0x55: {  	s3 =	sor.u32 s16, s17;
	v10 =	vld.idx.msk [tilespmem:v2+s1+$0x0 ss:$0x1], $0xffff  }
0x56: {  	s25 =	sor.u32 $0x1000, s0;
	v11 =	vld.idx.msk [tilespmem:v2+s3+$0x0 ss:$0x1], $0xffff;
	[tilespmem:v0+s0+$0x0 ss:$0x1] =	vst.idx.msk $0xffff, v4  }
0x57: {  	s6 =	sadd.s32 s23, s21;
	v3 =	vmov s20;
	v12 =	vld.idx.msk [tilespmem:v1+s25+$0x0 ss:$0x1], $0xffff  }
0x58: {  	s5 =	sadd.s32 s24, s21;
	v6 =	vld [tilespmem:s6+$0x0]  }
0x59: {  	v5 =	vld [tilespmem:s5+$0x0]  }
0x5a: {  	v13 =	vld.idx.msk [tilespmem:v1+s2+$0x0 ss:$0x1], $0xffff  }
0x5b: {  	s8 =	simm.s32 $0x0;
	v14 =	vld.idx.msk [tilespmem:v1+s1+$0x0 ss:$0x1], $0xffff  }
0x5c: {  	v4 =	vld.idx.msk [tilespmem:v3+s8+$0x0 ss:$0x1], $0xffff;
	v12 =	vadd.f32 v12, v8  }
0x5d: {  	v9 =	vadd.f32 v9, v6  }
0x5e: {  	s9 =	sor.u32 $0x2000, s0;
	v15 =	vld.idx.msk [tilespmem:v1+s3+$0x0 ss:$0x1], $0xffff;
	[tilespmem:v0+s25+$0x0 ss:$0x1] =	vst.idx.msk $0xffff, v12  }
0x5f: {  	v10 =	vadd.f32 v10, v5;
	v12 =	vadd.f32 v9, v13;
	v13 =	vld.idx.msk [tilespmem:v1+s9+$0x0 ss:$0x1], $0xffff;
	_ =	sdelay $0x1  }
0x60: {  	s10 =	sor.u32 $0x1000, s2;
	v11 =	vadd.f32 v11, v4;
	[tilespmem:v0+s2+$0x0 ss:$0x1] =	vst.idx.msk $0xffff, v12;
	v12 =	vadd.f32 v10, v14  }
0x61: {  	v14 =	vld.idx.msk [tilespmem:v1+s10+$0x0 ss:$0x1], $0xffff  }
0x62: {  	s11 =	sor.u32 $0x1000, s1;
	v15 =	vadd.f32 v11, v15;
	[tilespmem:v0+s1+$0x0 ss:$0x1] =	vst.idx.msk $0xffff, v12  }
0x63: {  	v12 =	vld.idx.msk [tilespmem:v1+s11+$0x0 ss:$0x1], $0xffff;
	v13 =	vadd.f32 v13, v8  }
0x64: {  	s12 =	sor.u32 $0x1000, s3;
	[tilespmem:v0+s3+$0x0 ss:$0x1] =	vst.idx.msk $0xffff, v15  }
0x65: {  	s13 =	sor.u32 $0x3000, s0;
	v15 =	vld.idx.msk [tilespmem:v1+s12+$0x0 ss:$0x1], $0xffff;
	[tilespmem:v0+s9+$0x0 ss:$0x1] =	vst.idx.msk $0xffff, v13  }
0x66: {  	v13 =	vadd.f32 v14, v9;
	v14 =	vld.idx.msk [tilespmem:v1+s13+$0x0 ss:$0x1], $0xffff;
	_ =	sdelay $0x1  }
0x67: {  	s14 =	sor.u32 $0x2000, s2;
	[tilespmem:v0+s10+$0x0 ss:$0x1] =	vst.idx.msk $0xffff, v13;
	v12 =	vadd.f32 v12, v10  }
0x68: {  	v13 =	vld.idx.msk [tilespmem:v1+s14+$0x0 ss:$0x1], $0xffff  }
0x69: {  	s15 =	sor.u32 $0x2000, s1;
	v15 =	vadd.f32 v15, v11;
	[tilespmem:v0+s11+$0x0 ss:$0x1] =	vst.idx.msk $0xffff, v12  }
0x6a: {  	v12 =	vld.idx.msk [tilespmem:v1+s15+$0x0 ss:$0x1], $0xffff;
	v8 =	vadd.f32 v14, v8  }
0x6b: {  	s16 =	sor.u32 $0x2000, s3;
	[tilespmem:v0+s12+$0x0 ss:$0x1] =	vst.idx.msk $0xffff, v15  }
0x6c: {  	s17 =	sor.u32 $0x80, s0;
	v14 =	vld.idx.msk [tilespmem:v1+s16+$0x0 ss:$0x1], $0xffff;
	[tilespmem:v0+s13+$0x0 ss:$0x1] =	vst.idx.msk $0xffff, v8  }
0x6d: {  	v8 =	vadd.f32 v13, v9;
	v13 =	vld.idx.msk [tilespmem:v2+s17+$0x0 ss:$0x1], $0xffff;
	_ =	sdelay $0x1  }
0x6e: {  	s18 =	sor.u32 $0x3000, s2;
	[tilespmem:v0+s14+$0x0 ss:$0x1] =	vst.idx.msk $0xffff, v8;
	v8 =	vadd.f32 v12, v10;
	v12 =	vld.idx.msk [tilespmem:v1+s17+$0x0 ss:$0x1], $0xffff  }
0x6f: {  	v15 =	vld.idx.msk [tilespmem:v1+s18+$0x0 ss:$0x1], $0xffff  }
0x70: {  	v14 =	vadd.f32 v14, v11  }
0x71: {  	s19 =	sor.u32 $0x3000, s1;
	[tilespmem:v0+s15+$0x0 ss:$0x1] =	vst.idx.msk $0xffff, v8;
	v13 =	vadd.f32 v13, v7  }
0x72: {  	s21 =	sor.u32 $0x3000, s3;
	[tilespmem:v0+s16+$0x0 ss:$0x1] =	vst.idx.msk $0xffff, v14;
	v8 =	vld.idx.msk [tilespmem:v1+s19+$0x0 ss:$0x1], $0xffff  }
0x73: {  	v14 =	vld.idx.msk [tilespmem:v1+s21+$0x0 ss:$0x1], $0xffff;
	v12 =	vadd.f32 v13, v12  }
0x74: {  	v9 =	vadd.f32 v15, v9  }
0x75: {  	s22 =	sor.u32 $0x1080, s0;
	[tilespmem:v0+s17+$0x0 ss:$0x1] =	vst.idx.msk $0xffff, v12  }
0x76: {  	[tilespmem:v0+s18+$0x0 ss:$0x1] =	vst.idx.msk $0xffff, v9;
	v9 =	vld.idx.msk [tilespmem:v1+s22+$0x0 ss:$0x1], $0xffff  }
0x77: {  	s23 =	sor.u32 $0x80, s2;
	v8 =	vadd.f32 v8, v10  }
0x78: {  	v10 =	vld.idx.msk [tilespmem:v2+s23+$0x0 ss:$0x1], $0xffff;
	v11 =	vadd.f32 v14, v11  }
0x79: {  	s24 =	sor.u32 $0x80, s1;
	v12 =	vld.idx.msk [tilespmem:v1+s23+$0x0 ss:$0x1], $0xffff;
	[tilespmem:v0+s19+$0x0 ss:$0x1] =	vst.idx.msk $0xffff, v8  }
0x7a: {  	s25 =	sor.u32 $0x80, s3;
	[tilespmem:v0+s21+$0x0 ss:$0x1] =	vst.idx.msk $0xffff, v11;
	v8 =	vld.idx.msk [tilespmem:v2+s24+$0x0 ss:$0x1], $0xffff  }
0x7b: {  	v11 =	vld.idx.msk [tilespmem:v2+s25+$0x0 ss:$0x1], $0xffff;
	v9 =	vadd.f32 v9, v13  }
0x7c: {  	v14 =	vld.idx.msk [tilespmem:v1+s24+$0x0 ss:$0x1], $0xffff  }
0x7d: {  	s9 =	sor.u32 $0x2080, s0;
	v15 =	vld.idx.msk [tilespmem:v1+s25+$0x0 ss:$0x1], $0xffff;
	[tilespmem:v0+s22+$0x0 ss:$0x1] =	vst.idx.msk $0xffff, v9  }
0x7e: {  	v16 =	vadd.f32 v10, v6;
	v9 =	vld.idx.msk [tilespmem:v1+s9+$0x0 ss:$0x1], $0xffff  }
0x7f: {  	v8 =	vadd.f32 v8, v5  }
0x80: {  	v10 =	vadd.f32 v16, v12;
	v17 =	vadd.f32 v11, v4  }
0x81: {  	v11 =	vadd.f32 v8, v14  }
0x82: {  	[tilespmem:v0+s23+$0x0 ss:$0x1] =	vst.idx.msk $0xffff, v10;
	v10 =	vadd.f32 v17, v15  }
0x83: {  	s11 =	sor.u32 $0x1080, s1;
	[tilespmem:v0+s24+$0x0 ss:$0x1] =	vst.idx.msk $0xffff, v11;
	v9 =	vadd.f32 v9, v13  }
0x84: {  	s12 =	sor.u32 $0x1080, s3;
	[tilespmem:v0+s25+$0x0 ss:$0x1] =	vst.idx.msk $0xffff, v10;
	v10 =	vld.idx.msk [tilespmem:v1+s11+$0x0 ss:$0x1], $0xffff  }
0x85: {  	s13 =	sor.u32 $0x3080, s0;
	v11 =	vld.idx.msk [tilespmem:v1+s12+$0x0 ss:$0x1], $0xffff;
	[tilespmem:v0+s9+$0x0 ss:$0x1] =	vst.idx.msk $0xffff, v9  }
0x86: {  	s10 =	sor.u32 $0x1080, s2;
	v9 =	vld.idx.msk [tilespmem:v1+s13+$0x0 ss:$0x1], $0xffff  }
0x87: {  	p4 =	por $0x0, $0x0;
	s5 =	sor.u32 $0x3080, s3;
	v12 =	vld.idx.msk [tilespmem:v1+s10+$0x0 ss:$0x1], $0xffff  }
0x88: {  	s0 =	simm.s32 $0x1;
	s18 =	simm.s32 $0x40;
	s21 =	simm.s32 $0x100  }
0x89: {  	s0 =	simm.s32 @!p4 $0x0;
	s19 =	sand.u32 $0x40, s18;
	s22 =	sand.u32 $0xE00, s21;
	v10 =	vadd.f32 v10, v8  }
0x8a: {  	s0 =	sshll.u32 s0, $0x6;
	s16 =	sor.u32 $0x2080, s3;
	s3 =	sor.u32 s19, s22;
	v11 =	vadd.f32 v11, v17  }
0x8b: {  	s8 =	sadd.s32 $0x0, s0;
	s15 =	sor.u32 $0x2080, s1;
	v23 =	vld.idx.msk [tilespmem:v2+s3+$0x0 ss:$0x1], $0xffff;
	[tilespmem:v0+s11+$0x0 ss:$0x1] =	vst.idx.msk $0xffff, v10;
	v9 =	vadd.f32 v9, v13  }
0x8c: {  	s0 =	sadd.s32 $0x30, s8;
	v12 =	vadd.f32 v12, v16;
	[tilespmem:v0+s12+$0x0 ss:$0x1] =	vst.idx.msk $0xffff, v11;
	v10 =	vld.idx.msk [tilespmem:v1+s15+$0x0 ss:$0x1], $0xffff  }
0x8d: {  	s17 =	sor.u32 $0x100, s0;
	v11 =	vld.idx.msk [tilespmem:v1+s16+$0x0 ss:$0x1], $0xffff;
	[tilespmem:v0+s13+$0x0 ss:$0x1] =	vst.idx.msk $0xffff, v9  }
0x8e: {  	s14 =	sor.u32 $0x2080, s2;
	[tilespmem:v0+s10+$0x0 ss:$0x1] =	vst.idx.msk $0xffff, v12;
	v9 =	vld.idx.msk [tilespmem:v2+s17+$0x0 ss:$0x1], $0xffff  }
0x8f: {  	s24 =	sor.u32 $0x30, s19;
	v12 =	vld.idx.msk [tilespmem:v1+s14+$0x0 ss:$0x1], $0xffff  }
0x90: {  	s11 =	sor.u32 $0x3080, s1;
	s1 =	sor.u32 s24, s22;
	s12 =	sor.u32 $0x10, s19;
	v13 =	vld.idx.msk [tilespmem:v1+s17+$0x0 ss:$0x1], $0xffff  }
0x91: {  	v19 =	vld.idx.msk [tilespmem:v1+s1+$0x0 ss:$0x1], $0xffff;
	s4 =	sor.u32 s12, s22  }
0x92: {  	s23 =	sand.u32 $0x380, s18;
	v21 =	vld.idx.msk [tilespmem:v2+s4+$0x0 ss:$0x1], $0xffff;
	v10 =	vadd.f32 v10, v8  }
0x93: {  	s25 =	sadd.s32 s23, s20;
	v25 =	vld.idx.msk [tilespmem:v1+s4+$0x0 ss:$0x1], $0xffff;
	v11 =	vadd.f32 v11, v17;
	v9 =	vadd.f32 v9, v7  }
0x94: {  	s7 =	sor.u32 $0x3080, s2;
	s2 =	sadd.s32 s24, s25;
	v12 =	vadd.f32 v12, v16;
	s13 =	sor.u32 $0x20, s19;
	[tilespmem:v0+s15+$0x0 ss:$0x1] =	vst.idx.msk $0xffff, v10;
	v10 =	vld.idx.msk [tilespmem:v2+s1+$0x0 ss:$0x1], $0xffff  }
0x95: {  	s9 =	sadd.s32 s13, s25;
	[tilespmem:v0+s16+$0x0 ss:$0x1] =	vst.idx.msk $0xffff, v11;
	v11 =	vadd.f32 v9, v13;
	v13 =	vld [tilespmem:s2+$0x0]  }
0x96: {  	[tilespmem:v0+s14+$0x0 ss:$0x1] =	vst.idx.msk $0xffff, v12;
	v12 =	vld [tilespmem:s9+$0x0]  }
0x97: {  	s14 =	sor.u32 $0x1100, s0;
	v14 =	vld.idx.msk [tilespmem:v1+s7+$0x0 ss:$0x1], $0xffff;
	[tilespmem:v0+s17+$0x0 ss:$0x1] =	vst.idx.msk $0xffff, v11  }
0x98: {  	v20 =	vld.idx.msk [tilespmem:v1+s14+$0x0 ss:$0x1], $0xffff  }
0x99: {  	v15 =	vld.idx.msk [tilespmem:v1+s11+$0x0 ss:$0x1], $0xffff  }
0x9a: {  	s15 =	sadd.s32 s12, s25;
	v18 =	vld.idx.msk [tilespmem:v1+s5+$0x0 ss:$0x1], $0xffff;
	v24 =	vadd.f32 v10, v13  }
0x9b: {  	s2 =	sor.u32 s13, s22;
	v10 =	vld [tilespmem:s15+$0x0]  }
0x9c: {  	s16 =	simm.s32 $0x40;
	v22 =	vld.idx.msk [tilespmem:v2+s2+$0x0 ss:$0x1], $0xffff;
	v19 =	vadd.f32 v24, v19  }
0x9d: {  	v11 =	vld.idx.msk [tilespmem:v3+s16+$0x0 ss:$0x1], $0xffff;
	v20 =	vadd.f32 v20, v9  }
0x9e: {  	v14 =	vadd.f32 v14, v16;
	s17 =	sor.u32 $0x1000, s1;
	v8 =	vadd.f32 v15, v8;
	v15 =	vld.idx.msk [tilespmem:v1+s2+$0x0 ss:$0x1], $0xffff;
	[tilespmem:v0+s1+$0x0 ss:$0x1] =	vst.idx.msk $0xffff, v19  }
0x9f: {  	s18 =	sor.u32 $0x2100, s0;
	v19 =	vld.idx.msk [tilespmem:v1+s17+$0x0 ss:$0x1], $0xffff;
	[tilespmem:v0+s14+$0x0 ss:$0x1] =	vst.idx.msk $0xffff, v20  }
0xa0: {  	s10 =	sadd.s32 $0x10, s8;
	[tilespmem:v0+s7+$0x0 ss:$0x1] =	vst.idx.msk $0xffff, v14;
	v14 =	vadd.f32 v18, v17;
	v17 =	vadd.f32 v21, v10;
	v16 =	vld.idx.msk [tilespmem:v1+s18+$0x0 ss:$0x1], $0xffff  }
0xa1: {  	s9 =	sadd.s32 $0x20, s8;
	v18 =	vld.idx.msk [tilespmem:v1+s3+$0x0 ss:$0x1], $0xffff;
	[tilespmem:v0+s11+$0x0 ss:$0x1] =	vst.idx.msk $0xffff, v8;
	s14 =	sor.u32 $0x100, s10  }
0xa2: {  	s19 =	sor.u32 $0x100, s9;
	[tilespmem:v0+s5+$0x0 ss:$0x1] =	vst.idx.msk $0xffff, v14;
	v8 =	vld.idx.msk [tilespmem:v2+s14+$0x0 ss:$0x1], $0xffff;
	v14 =	vadd.f32 v17, v25  }
0xa3: {  	v26 =	vld.idx.msk [tilespmem:v1+s19+$0x0 ss:$0x1], $0xffff  }
0xa4: {  	v21 =	vadd.f32 v22, v12;
	[tilespmem:v0+s4+$0x0 ss:$0x1] =	vst.idx.msk $0xffff, v14;
	v14 =	vld.idx.msk [tilespmem:v1+s14+$0x0 ss:$0x1], $0xffff;
	v19 =	vadd.f32 v19, v24  }
0xa5: {  	s21 =	sor.u32 $0x1000, s4;
	v23 =	vadd.f32 v23, v11;
	v20 =	vld.idx.msk [tilespmem:v2+s19+$0x0 ss:$0x1], $0xffff;
	v16 =	vadd.f32 v16, v9  }
0xa6: {  	s22 =	sor.u32 $0x2000, s1;
	v15 =	vadd.f32 v21, v15;
	v29 =	vld.idx.msk [tilespmem:v1+s21+$0x0 ss:$0x1], $0xffff;
	[tilespmem:v0+s17+$0x0 ss:$0x1] =	vst.idx.msk $0xffff, v19  }
0xa7: {  	s23 =	sor.u32 $0x3100, s0;
	v18 =	vadd.f32 v23, v18;
	v8 =	vadd.f32 v8, v6;
	v19 =	vld.idx.msk [tilespmem:v1+s22+$0x0 ss:$0x1], $0xffff;
	[tilespmem:v0+s18+$0x0 ss:$0x1] =	vst.idx.msk $0xffff, v16  }
0xa8: {  	s24 =	sor.u32 $0x1000, s2;
	[tilespmem:v0+s2+$0x0 ss:$0x1] =	vst.idx.msk $0xffff, v15;
	v15 =	vld.idx.msk [tilespmem:v1+s23+$0x0 ss:$0x1], $0xffff  }
0xa9: {  	s15 =	sor.u32 $0x1000, s3;
	[tilespmem:v0+s3+$0x0 ss:$0x1] =	vst.idx.msk $0xffff, v18;
	v16 =	vld.idx.msk [tilespmem:v1+s24+$0x0 ss:$0x1], $0xffff;
	v14 =	vadd.f32 v8, v14  }
0xaa: {  	s6 =	sor.u32 $0x100, s8;
	v18 =	vld.idx.msk [tilespmem:v1+s15+$0x0 ss:$0x1], $0xffff  }
0xab: {  	s16 =	sor.u32 $0x1100, s10;
	v22 =	vld.idx.msk [tilespmem:v2+s6+$0x0 ss:$0x1], $0xffff;
	v25 =	vadd.f32 v29, v17;
	[tilespmem:v0+s14+$0x0 ss:$0x1] =	vst.idx.msk $0xffff, v14  }
0xac: {  	v14 =	vld.idx.msk [tilespmem:v1+s16+$0x0 ss:$0x1], $0xffff;
	v19 =	vadd.f32 v19, v24  }
0xad: {  	s25 =	sor.u32 $0x2000, s4;
	v27 =	vld.idx.msk [tilespmem:v1+s6+$0x0 ss:$0x1], $0xffff;
	[tilespmem:v0+s21+$0x0 ss:$0x1] =	vst.idx.msk $0xffff, v25;
	v9 =	vadd.f32 v15, v9  }
0xae: {  	s17 =	sor.u32 $0x3000, s1;
	v16 =	vadd.f32 v16, v21;
	v15 =	vld.idx.msk [tilespmem:v1+s25+$0x0 ss:$0x1], $0xffff;
	[tilespmem:v0+s22+$0x0 ss:$0x1] =	vst.idx.msk $0xffff, v19;
	v19 =	vadd.f32 v20, v5  }
0xaf: {  	v18 =	vadd.f32 v18, v23;
	s21 =	sor.u32 $0x180, s0;
	v20 =	vld.idx.msk [tilespmem:v1+s17+$0x0 ss:$0x1], $0xffff;
	[tilespmem:v0+s23+$0x0 ss:$0x1] =	vst.idx.msk $0xffff, v9  }
0xb0: {  	s22 =	sor.u32 $0x2000, s2;
	[tilespmem:v0+s24+$0x0 ss:$0x1] =	vst.idx.msk $0xffff, v16;
	v9 =	vadd.f32 v22, v4;
	v16 =	vld.idx.msk [tilespmem:v2+s21+$0x0 ss:$0x1], $0xffff;
	v22 =	vadd.f32 v19, v26  }
0xb1: {  	[tilespmem:v0+s15+$0x0 ss:$0x1] =	vst.idx.msk $0xffff, v18;
	v30 =	vld.idx.msk [tilespmem:v1+s22+$0x0 ss:$0x1], $0xffff;
	v14 =	vadd.f32 v14, v8  }
0xb2: {  	s23 =	sor.u32 $0x2000, s3;
	v31 =	vld.idx.msk [tilespmem:v1+s21+$0x0 ss:$0x1], $0xffff;
	v18 =	vadd.f32 v9, v27;
	[tilespmem:v0+s19+$0x0 ss:$0x1] =	vst.idx.msk $0xffff, v22  }
0xb3: {  	s18 =	sor.u32 $0x1100, s9;
	v22 =	vld.idx.msk [tilespmem:v1+s23+$0x0 ss:$0x1], $0xffff;
	v15 =	vadd.f32 v15, v17;
	[tilespmem:v0+s16+$0x0 ss:$0x1] =	vst.idx.msk $0xffff, v14  }
0xb4: {  	s19 =	sor.u32 $0x1100, s8;
	[tilespmem:v0+s6+$0x0 ss:$0x1] =	vst.idx.msk $0xffff, v18;
	v18 =	vld.idx.msk [tilespmem:v1+s18+$0x0 ss:$0x1], $0xffff;
	v20 =	vadd.f32 v20, v24  }
0xb5: {  	s6 =	sor.u32 $0x2100, s10;
	v32 =	vld.idx.msk [tilespmem:v1+s19+$0x0 ss:$0x1], $0xffff;
	[tilespmem:v0+s25+$0x0 ss:$0x1] =	vst.idx.msk $0xffff, v15;
	v14 =	vadd.f32 v16, v7  }
0xb6: {  	s24 =	sor.u32 $0x3000, s4;
	v7 =	vld.idx.msk [tilespmem:v1+s6+$0x0 ss:$0x1], $0xffff;
	[tilespmem:v0+s17+$0x0 ss:$0x1] =	vst.idx.msk $0xffff, v20;
	v20 =	vadd.f32 v30, v21  }
0xb7: {  	s25 =	sor.u32 $0x80, s1;
	v15 =	vld.idx.msk [tilespmem:v1+s24+$0x0 ss:$0x1], $0xffff;
	v16 =	vadd.f32 v14, v31  }
0xb8: {  	v33 =	vld.idx.msk [tilespmem:v2+s25+$0x0 ss:$0x1], $0xffff;
	v22 =	vadd.f32 v22, v23;
	[tilespmem:v0+s22+$0x0 ss:$0x1] =	vst.idx.msk $0xffff, v20  }
0xb9: {  	s17 =	sor.u32 $0x3000, s2;
	v34 =	vld.idx.msk [tilespmem:v1+s25+$0x0 ss:$0x1], $0xffff;
	[tilespmem:v0+s21+$0x0 ss:$0x1] =	vst.idx.msk $0xffff, v16  }
0xba: {  	s14 =	sor.u32 $0x1180, s0;
	v16 =	vadd.f32 v18, v19;
	[tilespmem:v0+s23+$0x0 ss:$0x1] =	vst.idx.msk $0xffff, v22;
	v22 =	vld.idx.msk [tilespmem:v1+s17+$0x0 ss:$0x1], $0xffff  }
0xbb: {  	s21 =	sor.u32 $0x3000, s3;
	v20 =	vadd.f32 v32, v9;
	v18 =	vld.idx.msk [tilespmem:v1+s14+$0x0 ss:$0x1], $0xffff  }
0xbc: {  	s22 =	sor.u32 $0x2100, s9;
	v15 =	vadd.f32 v15, v17;
	[tilespmem:v0+s18+$0x0 ss:$0x1] =	vst.idx.msk $0xffff, v16;
	v16 =	vld.idx.msk [tilespmem:v1+s21+$0x0 ss:$0x1], $0xffff  }
0xbd: {  	s23 =	sor.u32 $0x2100, s8;
	[tilespmem:v0+s19+$0x0 ss:$0x1] =	vst.idx.msk $0xffff, v20;
	v17 =	vadd.f32 v33, v13;
	v20 =	vld.idx.msk [tilespmem:v1+s22+$0x0 ss:$0x1], $0xffff  }
0xbe: {  	v7 =	vadd.f32 v7, v8;
	s18 =	sor.u32 $0x80, s4;
	[tilespmem:v0+s24+$0x0 ss:$0x1] =	vst.idx.msk $0xffff, v15;
	v15 =	vld.idx.msk [tilespmem:v1+s23+$0x0 ss:$0x1], $0xffff  }
0xbf: {  	v35 =	vld.idx.msk [tilespmem:v2+s18+$0x0 ss:$0x1], $0xffff;
	v25 =	vadd.f32 v17, v34  }
0xc0: {  	s19 =	sor.u32 $0x3100, s10;
	[tilespmem:v0+s6+$0x0 ss:$0x1] =	vst.idx.msk $0xffff, v7;
	v7 =	vld.idx.msk [tilespmem:v1+s18+$0x0 ss:$0x1], $0xffff;
	v21 =	vadd.f32 v22, v21  }
0xc1: {  	s24 =	sor.u32 $0x1080, s1;
	v22 =	vld.idx.msk [tilespmem:v1+s19+$0x0 ss:$0x1], $0xffff;
	[tilespmem:v0+s25+$0x0 ss:$0x1] =	vst.idx.msk $0xffff, v25  }
0xc2: {  	v16 =	vadd.f32 v16, v23;
	s25 =	sor.u32 $0x80, s2;
	[tilespmem:v0+s17+$0x0 ss:$0x1] =	vst.idx.msk $0xffff, v21;
	v23 =	vld.idx.msk [tilespmem:v1+s24+$0x0 ss:$0x1], $0xffff  }
0xc3: {  	v18 =	vadd.f32 v18, v14;
	v21 =	vld.idx.msk [tilespmem:v2+s25+$0x0 ss:$0x1], $0xffff  }
0xc4: {  	s17 =	sor.u32 $0x80, s3;
	v37 =	vld.idx.msk [tilespmem:v1+s25+$0x0 ss:$0x1], $0xffff;
	[tilespmem:v0+s21+$0x0 ss:$0x1] =	vst.idx.msk $0xffff, v16  }
0xc5: {  	s6 =	sor.u32 $0x2180, s0;
	[tilespmem:v0+s14+$0x0 ss:$0x1] =	vst.idx.msk $0xffff, v18;
	v20 =	vadd.f32 v20, v19;
	v16 =	vadd.f32 v35, v10;
	v36 =	vld.idx.msk [tilespmem:v2+s17+$0x0 ss:$0x1], $0xffff  }
0xc6: {  	v15 =	vadd.f32 v15, v9;
	v18 =	vld.idx.msk [tilespmem:v1+s6+$0x0 ss:$0x1], $0xffff  }
0xc7: {  	s21 =	sor.u32 $0x3100, s9;
	[tilespmem:v0+s22+$0x0 ss:$0x1] =	vst.idx.msk $0xffff, v20;
	v38 =	vld.idx.msk [tilespmem:v1+s17+$0x0 ss:$0x1], $0xffff;
	v7 =	vadd.f32 v16, v7  }
0xc8: {  	s22 =	sor.u32 $0x3100, s8;
	[tilespmem:v0+s23+$0x0 ss:$0x1] =	vst.idx.msk $0xffff, v15;
	v15 =	vadd.f32 v23, v17;
	v23 =	vld.idx.msk [tilespmem:v1+s21+$0x0 ss:$0x1], $0xffff  }
0xc9: {  	s23 =	sor.u32 $0x1080, s4;
	v8 =	vadd.f32 v22, v8;
	[tilespmem:v0+s18+$0x0 ss:$0x1] =	vst.idx.msk $0xffff, v7;
	v7 =	vld.idx.msk [tilespmem:v1+s22+$0x0 ss:$0x1], $0xffff;
	v20 =	vadd.f32 v21, v12  }
0xca: {  	s18 =	sor.u32 $0x2080, s1;
	v22 =	vld.idx.msk [tilespmem:v1+s23+$0x0 ss:$0x1], $0xffff;
	[tilespmem:v0+s24+$0x0 ss:$0x1] =	vst.idx.msk $0xffff, v15;
	v21 =	vadd.f32 v36, v11  }
0xcb: {  	s7 =	sor.u32 $0x180, s10;
	[tilespmem:v0+s19+$0x0 ss:$0x1] =	vst.idx.msk $0xffff, v8;
	v24 =	vadd.f32 v20, v37;
	v15 =	vld.idx.msk [tilespmem:v1+s18+$0x0 ss:$0x1], $0xffff  }
0xcc: {  	v39 =	vld.idx.msk [tilespmem:v2+s7+$0x0 ss:$0x1], $0xffff;
	v8 =	vadd.f32 v21, v38  }
0xcd: {  	s19 =	sor.u32 $0x1080, s2;
	v40 =	vld.idx.msk [tilespmem:v1+s7+$0x0 ss:$0x1], $0xffff;
	[tilespmem:v0+s25+$0x0 ss:$0x1] =	vst.idx.msk $0xffff, v24;
	v19 =	vadd.f32 v23, v19  }
0xce: {  	s24 =	sor.u32 $0x1080, s3;
	v7 =	vadd.f32 v7, v9;
	[tilespmem:v0+s17+$0x0 ss:$0x1] =	vst.idx.msk $0xffff, v8;
	v8 =	vld.idx.msk [tilespmem:v1+s19+$0x0 ss:$0x1], $0xffff  }
0xcf: {  	s25 =	sor.u32 $0x180, s9;
	v22 =	vadd.f32 v22, v16;
	v9 =	vld.idx.msk [tilespmem:v1+s24+$0x0 ss:$0x1], $0xffff;
	[tilespmem:v0+s21+$0x0 ss:$0x1] =	vst.idx.msk $0xffff, v19  }
0xd0: {  	s17 =	sor.u32 $0x180, s8;
	[tilespmem:v0+s22+$0x0 ss:$0x1] =	vst.idx.msk $0xffff, v7;
	v15 =	vadd.f32 v15, v17;
	v7 =	vld.idx.msk [tilespmem:v2+s25+$0x0 ss:$0x1], $0xffff  }
0xd1: {  	s21 =	sor.u32 $0x2080, s4;
	[tilespmem:v0+s23+$0x0 ss:$0x1] =	vst.idx.msk $0xffff, v22;
	v19 =	vld.idx.msk [tilespmem:v2+s17+$0x0 ss:$0x1], $0xffff  }
0xd2: {  	s22 =	sor.u32 $0x3080, s1;
	v22 =	vld.idx.msk [tilespmem:v1+s21+$0x0 ss:$0x1], $0xffff;
	[tilespmem:v0+s18+$0x0 ss:$0x1] =	vst.idx.msk $0xffff, v15  }
0xd3: {  	v15 =	vadd.f32 v39, v6;
	v23 =	vld.idx.msk [tilespmem:v1+s22+$0x0 ss:$0x1], $0xffff;
	v6 =	vadd.f32 v8, v20  }
0xd4: {  	p4 =	por !p4, !p4;
	v8 =	vld.idx.msk [tilespmem:v1+s25+$0x0 ss:$0x1], $0xffff;
	v9 =	vadd.f32 v9, v21  }
0xd5: {  	v18 =	vadd.f32 v18, v14;
	s1 =	sor.u32 $0x3180, s0;
	s0 =	simm.s32 $0x1;
	s23 =	sor.u32 $0x2080, s2;
	v41 =	vld.idx.msk [tilespmem:v1+s17+$0x0 ss:$0x1], $0xffff;
	[tilespmem:v0+s19+$0x0 ss:$0x1] =	vst.idx.msk $0xffff, v6  }
0xd6: {  	s0 =	simm.s32 @!p4 $0x0;
	s18 =	sor.u32 $0x2080, s3;
	v24 =	vadd.f32 v15, v40;
	[tilespmem:v0+s24+$0x0 ss:$0x1] =	vst.idx.msk $0xffff, v9;
	v6 =	vld.idx.msk [tilespmem:v1+s23+$0x0 ss:$0x1], $0xffff  }
0xd7: {  	[tilespmem:v0+s6+$0x0 ss:$0x1] =	vst.idx.msk $0xffff, v18;
	s0 =	sshll.u32 s0, $0x6;
	v5 =	vadd.f32 v7, v5;
	v7 =	vadd.f32 v22, v16;
	v9 =	vld.idx.msk [tilespmem:v1+s18+$0x0 ss:$0x1], $0xffff  }
0xd8: {  	v18 =	vld.idx.msk [tilespmem:v1+s1+$0x0 ss:$0x1], $0xffff;
	s0 =	sadd.s32 $0x100, s0;
	s19 =	sor.u32 $0x1180, s10;
	v4 =	vadd.f32 v19, v4;
	[tilespmem:v0+s7+$0x0 ss:$0x1] =	vst.idx.msk $0xffff, v24;
	v17 =	vadd.f32 v23, v17  }
0xd9: {  	s12 =	sor.u32 $0x3080, s4;
	s11 =	sadd.s32 $0x30, s0;
	v19 =	vld.idx.msk [tilespmem:v1+s19+$0x0 ss:$0x1], $0xffff;
	[tilespmem:v0+s21+$0x0 ss:$0x1] =	vst.idx.msk $0xffff, v7;
	v7 =	vadd.f32 v5, v8  }
0xda: {  	s7 =	sor.u32 $0x100, s11;
	v8 =	vadd.f32 v4, v41;
	v22 =	vld.idx.msk [tilespmem:v1+s12+$0x0 ss:$0x1], $0xffff;
	[tilespmem:v0+s22+$0x0 ss:$0x1] =	vst.idx.msk $0xffff, v17  }
0xdb: {  	s5 =	sor.u32 $0x1180, s9;
	[tilespmem:v0+s25+$0x0 ss:$0x1] =	vst.idx.msk $0xffff, v7;
	v23 =	vld.idx.msk [tilespmem:v2+s7+$0x0 ss:$0x1], $0xffff;
	v6 =	vadd.f32 v6, v20  }
0xdc: {  	[tilespmem:v0+s17+$0x0 ss:$0x1] =	vst.idx.msk $0xffff, v8;
	v42 =	vld.idx.msk [tilespmem:v1+s5+$0x0 ss:$0x1], $0xffff;
	v7 =	vadd.f32 v9, v21  }
0xdd: {  	s15 =	sor.u32 $0x1180, s8;
	v8 =	vld.idx.msk [tilespmem:v1+s7+$0x0 ss:$0x1], $0xffff;
	[tilespmem:v0+s23+$0x0 ss:$0x1] =	vst.idx.msk $0xffff, v6  }
0xde: {  	s13 =	simm.s32 $0x200;
	s17 =	sor.u32 $0x3080, s2;
	s25 =	simm.s32 $0x80;
	v17 =	vld.idx.msk [tilespmem:v1+s15+$0x0 ss:$0x1], $0xffff;
	v6 =	vadd.f32 v19, v15;
	[tilespmem:v0+s18+$0x0 ss:$0x1] =	vst.idx.msk $0xffff, v7  }
0xdf: {  	s16 =	sor.u32 $0x3080, s3;
	s24 =	simm.s32 $0x80;
	v43 =	vld.idx.msk [tilespmem:v1+s17+$0x0 ss:$0x1], $0xffff;
	[dreg:$0x6] =	wrdreg s25  }
0xe0: {  	s3 =	sand.u32 $0x40, s24;
	s6 =	sand.u32 $0x380, s24;
	s2 =	sor.u32 $0x2180, s10;
	[tilespmem:v0+s19+$0x0 ss:$0x1] =	vst.idx.msk $0xffff, v6  }
0xe1: {  	s18 =	sor.u32 $0x30, s3;
	v44 =	vld.idx.msk [tilespmem:v1+s16+$0x0 ss:$0x1], $0xffff;
	s19 =	sadd.s32 s6, s20;
	[dreg:$0x5] =	wrdreg s20  }
0xe2: {  	s14 =	sand.u32 $0xE00, s13;
	s21 =	sadd.s32 s18, s19;
	v19 =	vld.idx.msk [tilespmem:v1+s2+$0x0 ss:$0x1], $0xffff  }
0xe3: {  	s4 =	sor.u32 s18, s14;
	v23 =	vadd.f32 v23, v13;
	v7 =	vld [tilespmem:s21+$0x0]  }
0xe4: {  	v9 =	vld.idx.msk [tilespmem:v2+s4+$0x0 ss:$0x1], $0xffff  }
0xe5: {  	s13 =	sor.u32 s3, s14;
	s20 =	sor.u32 $0x20, s3;
	v6 =	vadd.f32 v23, v8;
	v45 =	vld.idx.msk [tilespmem:v1+s4+$0x0 ss:$0x1], $0xffff  }
0xe6: {  	s6 =	sor.u32 s20, s14;
	v32 =	vld.idx.msk [tilespmem:v2+s13+$0x0 ss:$0x1], $0xffff  }
0xe7: {  	s24 =	sor.u32 $0x1100, s11;
	s22 =	sor.u32 $0x10, s3;
	v30 =	vld.idx.msk [tilespmem:v2+s6+$0x0 ss:$0x1], $0xffff;
	[tilespmem:v0+s7+$0x0 ss:$0x1] =	vst.idx.msk $0xffff, v6  }
0xe8: {  	s23 =	sadd.s32 s22, s19;
	s19 =	sadd.s32 s20, s19;
	v28 =	vld.idx.msk [tilespmem:v1+s24+$0x0 ss:$0x1], $0xffff  }
0xe9: {  	v8 =	vld [tilespmem:s19+$0x0]  }
0xea: {  	v46 =	vld.idx.msk [tilespmem:v1+s6+$0x0 ss:$0x1], $0xffff;
	v31 =	vadd.f32 v9, v7  }
0xeb: {  	v6 =	vld [tilespmem:s23+$0x0];
	s7 =	sor.u32 s22, s14  }
0xec: {  	v29 =	vld.idx.msk [tilespmem:v2+s7+$0x0 ss:$0x1], $0xffff;
	v27 =	vadd.f32 v31, v45  }
0xed: {  	s21 =	simm.s32 $0x80;
	v33 =	vld.idx.msk [tilespmem:v1+s7+$0x0 ss:$0x1], $0xffff;
	v28 =	vadd.f32 v28, v23  }
0xee: {  	s22 =	sor.u32 $0x1000, s4;
	v9 =	vld.idx.msk [tilespmem:v3+s21+$0x0 ss:$0x1], $0xffff;
	[tilespmem:v0+s4+$0x0 ss:$0x1] =	vst.idx.msk $0xffff, v27  }
0xef: {  	v16 =	vadd.f32 v22, v16;
	s23 =	sor.u32 $0x2100, s11;
	v27 =	vld.idx.msk [tilespmem:v1+s22+$0x0 ss:$0x1], $0xffff;
	[tilespmem:v0+s24+$0x0 ss:$0x1] =	vst.idx.msk $0xffff, v28  }
0xf0: {  	v20 =	vadd.f32 v43, v20;
	s14 =	sadd.s32 $0x10, s0;
	v49 =	vadd.f32 v30, v8;
	v22 =	vld.idx.msk [tilespmem:v1+s23+$0x0 ss:$0x1], $0xffff  }
0xf1: {  	s3 =	sadd.s32 $0x20, s0;
	[tilespmem:v0+s12+$0x0 ss:$0x1] =	vst.idx.msk $0xffff, v16;
	v16 =	vadd.f32 v44, v21;
	v21 =	vld.idx.msk [tilespmem:v1+s13+$0x0 ss:$0x1], $0xffff;
	s20 =	sor.u32 $0x100, s14;
	v47 =	vadd.f32 v29, v6  }
0xf2: {  	[tilespmem:v0+s17+$0x0 ss:$0x1] =	vst.idx.msk $0xffff, v20;
	s17 =	sor.u32 $0x100, s3;
	v20 =	vld.idx.msk [tilespmem:v2+s20+$0x0 ss:$0x1], $0xffff;
	v25 =	vadd.f32 v49, v46  }
0xf3: {  	v48 =	vld.idx.msk [tilespmem:v2+s17+$0x0 ss:$0x1], $0xffff;
	[tilespmem:v0+s16+$0x0 ss:$0x1] =	vst.idx.msk $0xffff, v16;
	s16 =	sor.u32 $0x100, s0;
	v16 =	vadd.f32 v47, v33  }
0xf4: {  	v50 =	vld.idx.msk [tilespmem:v2+s16+$0x0 ss:$0x1], $0xffff;
	v32 =	vadd.f32 v32, v9;
	[tilespmem:v0+s6+$0x0 ss:$0x1] =	vst.idx.msk $0xffff, v25;
	v27 =	vadd.f32 v27, v31  }
0xf5: {  	s21 =	sor.u32 $0x1000, s7;
	[tilespmem:v0+s7+$0x0 ss:$0x1] =	vst.idx.msk $0xffff, v16;
	v16 =	vld.idx.msk [tilespmem:v1+s20+$0x0 ss:$0x1], $0xffff;
	v22 =	vadd.f32 v22, v23  }
0xf6: {  	s24 =	sor.u32 $0x2000, s4;
	v21 =	vadd.f32 v32, v21;
	v51 =	vld.idx.msk [tilespmem:v1+s21+$0x0 ss:$0x1], $0xffff;
	[tilespmem:v0+s22+$0x0 ss:$0x1] =	vst.idx.msk $0xffff, v27  }
0xf7: {  	s22 =	sor.u32 $0x1000, s6;
	[tilespmem:v0+s23+$0x0 ss:$0x1] =	vst.idx.msk $0xffff, v22;
	v22 =	vld.idx.msk [tilespmem:v1+s24+$0x0 ss:$0x1], $0xffff  }
0xf8: {  	s18 =	sor.u32 $0x3100, s11;
	v53 =	vadd.f32 v20, v10;
	[tilespmem:v0+s13+$0x0 ss:$0x1] =	vst.idx.msk $0xffff, v21;
	v21 =	vld.idx.msk [tilespmem:v1+s22+$0x0 ss:$0x1], $0xffff  }
0xf9: {  	v20 =	vadd.f32 v42, v5;
	s23 =	sor.u32 $0x1000, s13;
	v52 =	vld.idx.msk [tilespmem:v1+s18+$0x0 ss:$0x1], $0xffff  }
0xfa: {  	v16 =	vadd.f32 v53, v16;
	v54 =	vld.idx.msk [tilespmem:v1+s23+$0x0 ss:$0x1], $0xffff  }
0xfb: {  	v34 =	vld.idx.msk [tilespmem:v1+s17+$0x0 ss:$0x1], $0xffff;
	[tilespmem:v0+s5+$0x0 ss:$0x1] =	vst.idx.msk $0xffff, v20;
	v27 =	vadd.f32 v51, v47  }
0xfc: {  	s12 =	sor.u32 $0x2180, s9;
	v35 =	vld.idx.msk [tilespmem:v1+s16+$0x0 ss:$0x1], $0xffff;
	[tilespmem:v0+s20+$0x0 ss:$0x1] =	vst.idx.msk $0xffff, v16;
	v16 =	vadd.f32 v22, v31  }
0xfd: {  	s5 =	sor.u32 $0x1100, s14;
	v20 =	vld.idx.msk [tilespmem:v1+s12+$0x0 ss:$0x1], $0xffff;
	[tilespmem:v0+s21+$0x0 ss:$0x1] =	vst.idx.msk $0xffff, v27;
	v21 =	vadd.f32 v21, v49  }
0xfe: {  	s20 =	sor.u32 $0x2000, s7;
	v22 =	vld.idx.msk [tilespmem:v1+s5+$0x0 ss:$0x1], $0xffff;
	v23 =	vadd.f32 v52, v23;
	[tilespmem:v0+s24+$0x0 ss:$0x1] =	vst.idx.msk $0xffff, v16  }
0xff: {  	v27 =	vadd.f32 v50, v11;
	v16 =	vld.idx.msk [tilespmem:v1+s20+$0x0 ss:$0x1], $0xffff;
	s24 =	sor.u32 $0x3000, s4;
	[tilespmem:v0+s22+$0x0 ss:$0x1] =	vst.idx.msk $0xffff, v21;
	v21 =	vadd.f32 v54, v32  }
0x100: {  	s21 =	sor.u32 $0x2000, s6;
	[tilespmem:v0+s18+$0x0 ss:$0x1] =	vst.idx.msk $0xffff, v23;
	v23 =	vadd.f32 v48, v12;
	v55 =	vld.idx.msk [tilespmem:v1+s24+$0x0 ss:$0x1], $0xffff  }
0x101: {  	s18 =	sor.u32 $0x180, s11;
	v57 =	vld.idx.msk [tilespmem:v1+s21+$0x0 ss:$0x1], $0xffff;
	[tilespmem:v0+s23+$0x0 ss:$0x1] =	vst.idx.msk $0xffff, v21;
	v21 =	vadd.f32 v27, v35  }
0x102: {  	v56 =	vld.idx.msk [tilespmem:v2+s18+$0x0 ss:$0x1], $0xffff;
	v28 =	vadd.f32 v23, v34  }
0x103: {  	s22 =	sor.u32 $0x2000, s13;
	v58 =	vld.idx.msk [tilespmem:v1+s18+$0x0 ss:$0x1], $0xffff;
	v22 =	vadd.f32 v22, v53;
	[tilespmem:v0+s16+$0x0 ss:$0x1] =	vst.idx.msk $0xffff, v21  }
0x104: {  	v59 =	vld.idx.msk [tilespmem:v1+s22+$0x0 ss:$0x1], $0xffff;
	s16 =	sor.u32 $0x1100, s0;
	[tilespmem:v0+s17+$0x0 ss:$0x1] =	vst.idx.msk $0xffff, v28;
	v16 =	vadd.f32 v16, v47  }
0x105: {  	s17 =	sor.u32 $0x1100, s3;
	[tilespmem:v0+s5+$0x0 ss:$0x1] =	vst.idx.msk $0xffff, v22;
	v61 =	vld.idx.msk [tilespmem:v1+s16+$0x0 ss:$0x1], $0xffff;
	v22 =	vadd.f32 v55, v31  }
0x106: {  	s5 =	sor.u32 $0x2100, s14;
	v60 =	vld.idx.msk [tilespmem:v1+s17+$0x0 ss:$0x1], $0xffff;
	v62 =	vadd.f32 v57, v49;
	[tilespmem:v0+s20+$0x0 ss:$0x1] =	vst.idx.msk $0xffff, v16  }
0x107: {  	s23 =	sor.u32 $0x3000, s7;
	v16 =	vadd.f32 v17, v4;
	v17 =	vld.idx.msk [tilespmem:v1+s5+$0x0 ss:$0x1], $0xffff;
	v21 =	vadd.f32 v56, v13;
	[tilespmem:v0+s24+$0x0 ss:$0x1] =	vst.idx.msk $0xffff, v22  }
0x108: {  	v13 =	vld.idx.msk [tilespmem:v1+s23+$0x0 ss:$0x1], $0xffff;
	s24 =	sor.u32 $0x80, s4;
	[tilespmem:v0+s21+$0x0 ss:$0x1] =	vst.idx.msk $0xffff, v62  }
0x109: {  	s21 =	sor.u32 $0x3000, s6;
	[tilespmem:v0+s15+$0x0 ss:$0x1] =	vst.idx.msk $0xffff, v16;
	v16 =	vld.idx.msk [tilespmem:v2+s24+$0x0 ss:$0x1], $0xffff;
	v22 =	vadd.f32 v21, v58  }
0x10a: {  	v39 =	vld.idx.msk [tilespmem:v1+s21+$0x0 ss:$0x1], $0xffff  }
0x10b: {  	s15 =	sor.u32 $0x2180, s8;
	v36 =	vld.idx.msk [tilespmem:v1+s24+$0x0 ss:$0x1], $0xffff;
	[tilespmem:v0+s18+$0x0 ss:$0x1] =	vst.idx.msk $0xffff, v22;
	v22 =	vadd.f32 v59, v32  }
0x10c: {  	v63 =	vld.idx.msk [tilespmem:v1+s15+$0x0 ss:$0x1], $0xffff;
	s18 =	sor.u32 $0x1180, s11;
	v37 =	vadd.f32 v60, v23  }
0x10d: {  	v38 =	vld.idx.msk [tilespmem:v1+s18+$0x0 ss:$0x1], $0xffff;
	[tilespmem:v0+s22+$0x0 ss:$0x1] =	vst.idx.msk $0xffff, v22;
	v22 =	vadd.f32 v61, v27;
	s22 =	sor.u32 $0x3000, s13  }
0x10e: {  	[tilespmem:v0+s17+$0x0 ss:$0x1] =	vst.idx.msk $0xffff, v37;
	v13 =	vadd.f32 v13, v47;
	s17 =	sor.u32 $0x2100, s3;
	v40 =	vld.idx.msk [tilespmem:v1+s22+$0x0 ss:$0x1], $0xffff  }
0x10f: {  	v25 =	vadd.f32 v39, v49;
	[tilespmem:v0+s16+$0x0 ss:$0x1] =	vst.idx.msk $0xffff, v22;
	v22 =	vadd.f32 v16, v7;
	v16 =	vld.idx.msk [tilespmem:v1+s17+$0x0 ss:$0x1], $0xffff;
	s16 =	sor.u32 $0x2100, s0  }
0x110: {  	s20 =	sor.u32 $0x80, s7;
	[tilespmem:v0+s23+$0x0 ss:$0x1] =	vst.idx.msk $0xffff, v13;
	v13 =	vadd.f32 v17, v53;
	v17 =	vld.idx.msk [tilespmem:v1+s16+$0x0 ss:$0x1], $0xffff  }
0x111: {  	v41 =	vld.idx.msk [tilespmem:v2+s20+$0x0 ss:$0x1], $0xffff;
	[tilespmem:v0+s21+$0x0 ss:$0x1] =	vst.idx.msk $0xffff, v25  }
0x112: {  	s19 =	sor.u32 $0x80, s6;
	[tilespmem:v0+s5+$0x0 ss:$0x1] =	vst.idx.msk $0xffff, v13;
	v13 =	vld.idx.msk [tilespmem:v1+s20+$0x0 ss:$0x1], $0xffff;
	v31 =	vadd.f32 v38, v21  }
0x113: {  	s23 =	sor.u32 $0x3100, s14;
	v28 =	vadd.f32 v22, v36;
	v45 =	vld.idx.msk [tilespmem:v2+s19+$0x0 ss:$0x1], $0xffff  }
0x114: {  	v42 =	vld.idx.msk [tilespmem:v1+s23+$0x0 ss:$0x1], $0xffff;
	[tilespmem:v0+s18+$0x0 ss:$0x1] =	vst.idx.msk $0xffff, v31;
	v24 =	vadd.f32 v40, v32;
	s18 =	sor.u32 $0x2180, s11  }
0x115: {  	[tilespmem:v0+s24+$0x0 ss:$0x1] =	vst.idx.msk $0xffff, v28;
	s24 =	sor.u32 $0x1080, s4;
	v44 =	vld.idx.msk [tilespmem:v1+s18+$0x0 ss:$0x1], $0xffff;
	v46 =	vadd.f32 v16, v23  }
0x116: {  	s21 =	sor.u32 $0x80, s13;
	v43 =	vld.idx.msk [tilespmem:v1+s24+$0x0 ss:$0x1], $0xffff;
	[tilespmem:v0+s22+$0x0 ss:$0x1] =	vst.idx.msk $0xffff, v24;
	v16 =	vadd.f32 v41, v6  }
0x117: {  	v17 =	vadd.f32 v17, v27;
	s22 =	sor.u32 $0x3100, s3;
	v47 =	vld.idx.msk [tilespmem:v2+s21+$0x0 ss:$0x1], $0xffff;
	[tilespmem:v0+s17+$0x0 ss:$0x1] =	vst.idx.msk $0xffff, v46  }
0x118: {  	v13 =	vadd.f32 v16, v13;
	v50 =	vld.idx.msk [tilespmem:v1+s22+$0x0 ss:$0x1], $0xffff  }
0x119: {  	v49 =	vld.idx.msk [tilespmem:v1+s21+$0x0 ss:$0x1], $0xffff;
	[tilespmem:v0+s16+$0x0 ss:$0x1] =	vst.idx.msk $0xffff, v17;
	v52 =	vadd.f32 v42, v53  }
0x11a: {  	v48 =	vld.idx.msk [tilespmem:v1+s19+$0x0 ss:$0x1], $0xffff;
	s16 =	sor.u32 $0x3100, s0;
	[tilespmem:v0+s20+$0x0 ss:$0x1] =	vst.idx.msk $0xffff, v13;
	v13 =	vadd.f32 v44, v21  }
0x11b: {  	s17 =	sor.u32 $0x1080, s7;
	v51 =	vld.idx.msk [tilespmem:v1+s16+$0x0 ss:$0x1], $0xffff;
	v17 =	vadd.f32 v43, v22;
	[tilespmem:v0+s23+$0x0 ss:$0x1] =	vst.idx.msk $0xffff, v52  }
0x11c: {  	v14 =	vadd.f32 v18, v14;
	s23 =	sor.u32 $0x180, s14;
	v53 =	vld.idx.msk [tilespmem:v1+s17+$0x0 ss:$0x1], $0xffff;
	[tilespmem:v0+s18+$0x0 ss:$0x1] =	vst.idx.msk $0xffff, v13;
	v13 =	vadd.f32 v47, v9  }
0x11d: {  	v55 =	vld.idx.msk [tilespmem:v2+s23+$0x0 ss:$0x1], $0xffff;
	[tilespmem:v0+s24+$0x0 ss:$0x1] =	vst.idx.msk $0xffff, v17;
	v17 =	vadd.f32 v45, v8;
	v23 =	vadd.f32 v50, v23  }
0x11e: {  	[tilespmem:v0+s1+$0x0 ss:$0x1] =	vst.idx.msk $0xffff, v14;
	v56 =	vld.idx.msk [tilespmem:v1+s23+$0x0 ss:$0x1], $0xffff;
	s24 =	sor.u32 $0x2080, s4;
	v14 =	vadd.f32 v13, v49  }
0x11f: {  	s31 =	smov.u32 s28;
	p3 =	por !p3, p0;
	s5 =	sor.u32 $0x3180, s11;
	v18 =	vld.idx.msk [tilespmem:v1+s24+$0x0 ss:$0x1], $0xffff;
	v24 =	vadd.f32 v17, v48;
	[tilespmem:v0+s22+$0x0 ss:$0x1] =	vst.idx.msk $0xffff, v23  }
0x120: {  	s11 =	sor.u32 $0x180, s3;
	s18 =	simm.s32 $0x0;
	v54 =	vld.idx.msk [tilespmem:v1+s5+$0x0 ss:$0x1], $0xffff;
	v27 =	vadd.f32 v51, v27;
	[tilespmem:v0+s21+$0x0 ss:$0x1] =	vst.idx.msk $0xffff, v14;
	s21 =	sadd.s32 @!p2 $0x1, s28  }
0x121: {  	s1 =	sor.u32 $0x1080, s6;
	s18 =	simm.s32 @p3 $0x1;
	[tilespmem:v0+s19+$0x0 ss:$0x1] =	vst.idx.msk $0xffff, v24;
	v57 =	vld.idx.msk [tilespmem:v2+s11+$0x0 ss:$0x1], $0xffff;
	s28 =	smov.u32 @p3 s21  }
0x122: {  	s18 =	simm.s32 @p0 $0x0;
	s19 =	sor.u32 $0x1080, s13;
	[tilespmem:v0+s16+$0x0 ss:$0x1] =	vst.idx.msk $0xffff, v27;
	v14 =	vld.idx.msk [tilespmem:v1+s1+$0x0 ss:$0x1], $0xffff;
	s28 =	smov.u32 @p0 s31  }
0x123: {  	v28 =	vadd.f32 v53, v16;
	v23 =	vld.idx.msk [tilespmem:v1+s19+$0x0 ss:$0x1], $0xffff;
	[smem:$0x7F1] =	sst s28;
	s28 =	sadd.s32 s26, s18  }
0x124: {  	v18 =	vadd.f32 v18, v22;
	[smem:$0x7F2] =	sst s28  }
0x125: {  	[tilespmem:v0+s17+$0x0 ss:$0x1] =	vst.idx.msk $0xffff, v28  }
0x126: {  	v19 =	vadd.f32 v19, v15;
	s8 =	sor.u32 $0x3180, s8;
	s21 =	sor.u32 $0x180, s0;
	[tilespmem:v0+s24+$0x0 ss:$0x1] =	vst.idx.msk $0xffff, v18  }
0x127: {  	v58 =	vld.idx.msk [tilespmem:v2+s21+$0x0 ss:$0x1], $0xffff;
	[dreg:$0x8] =	wrdreg s8  }
0x128: {  	s22 =	sor.u32 $0x2080, s13;
	s16 =	sor.u32 $0x2080, s7;
	s13 =	sor.u32 $0x3080, s13;
	v18 =	vadd.f32 v20, v5;
	[tilespmem:v0+s2+$0x0 ss:$0x1] =	vst.idx.msk $0xffff, v19  }
0x129: {  	v20 =	vld.idx.msk [tilespmem:v1+s16+$0x0 ss:$0x1], $0xffff;
	[dreg:$0xa] =	wrdreg s13  }
0x12a: {  	s18 =	sor.u32 $0x3080, s6;
	s8 =	sor.u32 $0x3080, s4;
	v19 =	vadd.f32 v63, v4;
	[tilespmem:v0+s12+$0x0 ss:$0x1] =	vst.idx.msk $0xffff, v18  }
0x12b: {  	v59 =	vld.idx.msk [tilespmem:v1+s8+$0x0 ss:$0x1], $0xffff;
	[dreg:$0xf] =	wrdreg s18  }
0x12c: {  	v14 =	vadd.f32 v14, v17;
	s12 =	sor.u32 $0x2180, s0;
	s18 =	sor.u32 $0x1180, s0;
	s0 =	sor.u32 $0x3180, s0;
	[tilespmem:v0+s15+$0x0 ss:$0x1] =	vst.idx.msk $0xffff, v19  }
0x12d: {  	v18 =	vld.idx.msk [tilespmem:v1+s11+$0x0 ss:$0x1], $0xffff;
	v19 =	vadd.f32 v23, v13;
	[dreg:$0x7] =	wrdreg s0  }
0x12e: {  	v10 =	vadd.f32 v55, v10;
	[tilespmem:v0+s1+$0x0 ss:$0x1] =	vst.idx.msk $0xffff, v14  }
0x12f: {  	s10 =	sor.u32 $0x3180, s10;
	v23 =	vld.idx.msk [tilespmem:v1+s21+$0x0 ss:$0x1], $0xffff;
	[tilespmem:v0+s19+$0x0 ss:$0x1] =	vst.idx.msk $0xffff, v19;
	s19 =	sor.u32 $0x2180, s14  }
0x130: {  	s20 =	sor.u32 $0x3180, s14;
	v14 =	vadd.f32 v10, v56;
	v60 =	vld.idx.msk [tilespmem:v1+s10+$0x0 ss:$0x1], $0xffff;
	[dreg:$0x9] =	wrdreg s19  }
0x131: {  	v19 =	vadd.f32 v54, v21;
	[dreg:$0xc] =	wrdreg s20  }
0x132: {  	[tilespmem:v0+s23+$0x0 ss:$0x1] =	vst.idx.msk $0xffff, v14  }
0x133: {  	s25 =	simm.s32 $0x200;
	p2 =	por !p4, !p4;
	[tilespmem:v0+s5+$0x0 ss:$0x1] =	vst.idx.msk $0xffff, v19  }
0x134: {  	s17 =	sor.u32 $0x2080, s6;
	s0 =	simm.s32 $0x1;
	s28 =	sld [smem:$0x7F6]  }
0x135: {  	s9 =	sor.u32 $0x3180, s9;
	s24 =	sor.u32 $0x3180, s3;
	s0 =	simm.s32 @!p2 $0x0;
	v61 =	vld.idx.msk [tilespmem:v1+s17+$0x0 ss:$0x1], $0xffff  }
0x136: {  	s6 =	sor.u32 $0x1180, s14;
	s0 =	sshll.u32 s0, $0x6;
	v62 =	vld.idx.msk [tilespmem:v1+s22+$0x0 ss:$0x1], $0xffff;
	[dreg:$0xe] =	wrdreg s24  }
0x137: {  	v12 =	vadd.f32 v57, v12;
	v14 =	vadd.f32 v20, v16;
	s30 =	sadd.s32 $0x200, s0;
	v63 =	vld.idx.msk [tilespmem:v1+s6+$0x0 ss:$0x1], $0xffff;
	[smem:$0x7F3] =	sst s29;
	s0 =	sadd.s32 s28, s29  }
0x138: {  	s26 =	sor.u32 $0x3080, s7;
	s13 =	sor.u32 $0x2180, s3;
	v19 =	vadd.f32 v59, v22;
	[smem:$0x7F4] =	sst s0  }
0x139: {  	v11 =	vadd.f32 v58, v11;
	s20 =	sor.u32 $0x1180, s3;
	s5 =	smov.u32 s9;
	v18 =	vadd.f32 v12, v18;
	s19 =	sadd.s32 $0x10, s30;
	[tilespmem:v0+s16+$0x0 ss:$0x1] =	vst.idx.msk $0xffff, v14  }
0x13a: {  	s4 =	sadd.s32 $0x20, s30;
	s23 =	sadd.s32 $0x30, s30;
	s15 =	sor.u32 $0x2100, s30;
	v14 =	vld.idx.msk [tilespmem:v1+s9+$0x0 ss:$0x1], $0xffff;
	[tilespmem:v0+s8+$0x0 ss:$0x1] =	vst.idx.msk $0xffff, v19  }
0x13b: {  	s7 =	sor.u32 $0x3100, s30;
	s1 =	sor.u32 $0x100, s23;
	s29 =	sor.u32 $0x1100, s19;
	v19 =	vadd.f32 v11, v23;
	[tilespmem:v0+s11+$0x0 ss:$0x1] =	vst.idx.msk $0xffff, v18;
	v20 =	vld.idx.msk [tilespmem:v1+s26+$0x0 ss:$0x1], $0xffff  }
0x13c: {  	s24 =	sor.u32 $0x100, s19;
	s31 =	sor.u32 $0x1100, s4;
	v18 =	vadd.f32 v60, v15;
	v21 =	vld.idx.msk [tilespmem:v2+s1+$0x0 ss:$0x1], $0xffff;
	[dreg:$0x10] =	wrdreg s29  }
0x13d: {  	s14 =	sor.u32 $0x2100, s4;
	s2 =	sor.u32 $0x180, s19;
	s3 =	sor.u32 $0x180, s4;
	[tilespmem:v0+s21+$0x0 ss:$0x1] =	vst.idx.msk $0xffff, v19;
	v19 =	vadd.f32 v61, v17;
	v15 =	vld.idx.msk [tilespmem:v1+s20+$0x0 ss:$0x1], $0xffff  }
0x13e: {  	s8 =	sor.u32 $0x100, s4;
	s9 =	sor.u32 $0x100, s30;
	s16 =	sor.u32 $0x2100, s19;
	[tilespmem:v0+s10+$0x0 ss:$0x1] =	vst.idx.msk $0xffff, v18;
	v22 =	vld.idx.msk [tilespmem:v1+s1+$0x0 ss:$0x1], $0xffff  }
0x13f: {  	s11 =	sor.u32 $0x3100, s19;
	v23 =	vadd.f32 v62, v13;
	s21 =	sor.u32 $0x1100, s30;
	s10 =	sor.u32 $0x3100, s4;
	v18 =	vld.idx.msk [tilespmem:v1+s18+$0x0 ss:$0x1], $0xffff;
	[tilespmem:v0+s17+$0x0 ss:$0x1] =	vst.idx.msk $0xffff, v19;
	v19 =	vadd.f32 v63, v10  }
.LBB2_3:
0x140: {  	[smem:$0x7E1] =	sst s13  }
0x141: {  	[smem:$0x7E3] =	sst s12  }
0x142: {  	[smem:$0x7E2] =	sst s31  }
0x143: {  	[dreg:$0x1f] =	wrdreg s16  }
0x144: {  	[dreg:$0x1d] =	wrdreg s21  }
0x145: {  	[dreg:$0x1a] =	wrdreg s14  }
0x146: {  	[dreg:$0x19] =	wrdreg s15  }
0x147: {  	[dreg:$0x17] =	wrdreg s11  }
0x148: {  	s0 =	rddreg [dreg:$0x6]  }
0x149: {  	s16 =	sor.u32 $0x180, s30;
	s28 =	rddreg [dreg:$0x5]  }
0x14a: {  	s17 =	sor.u32 $0x1180, s19;
	[dreg:$0xb] =	wrdreg s16  }
0x14b: {  	[smem:$0x7E0] =	sst s17  }
0x14c: {  	s17 =	rddreg [dreg:$0xf]  }
0x14d: {  	s0 =	sadd.s32 $0x40, s0;
	[tilespmem:v0+s22+$0x0 ss:$0x1] =	vst.idx.msk $0xffff, v23;
	s22 =	rddreg [dreg:$0xa]  }
0x14e: {  	s31 =	sadd.s32 $0x100, s25;
	[tilespmem:v0+s6+$0x0 ss:$0x1] =	vst.idx.msk $0xffff, v19;
	s16 =	rddreg [dreg:$0x9];
	v23 =	vld.idx.msk [tilespmem:v1+s17+$0x0 ss:$0x1], $0xffff;
	s21 =	sand.u32 $0x40, s0  }
0x14f: {  	s6 =	sand.u32 $0xE00, s31;
	s11 =	sand.u32 $0x380, s0;
	v19 =	vld.idx.msk [tilespmem:v1+s16+$0x0 ss:$0x1], $0xffff;
	v14 =	vadd.f32 v14, v5;
	s12 =	sor.u32 $0x30, s21  }
0x150: {  	[dreg:$0x12] =	wrdreg s7;
	v5 =	vmov v12;
	v12 =	vld.idx.msk [tilespmem:v1+s22+$0x0 ss:$0x1], $0xffff;
	s7 =	sadd.s32 s11, s28;
	v20 =	vadd.f32 v20, v16;
	s15 =	sor.u32 s12, s6  }
0x151: {  	[dreg:$0x13] =	wrdreg s10;
	v16 =	vadd.f32 v21, v7;
	s10 =	sadd.s32 s12, s7;
	v18 =	vadd.f32 v18, v11;
	[tilespmem:v0+s5+$0x0 ss:$0x1] =	vst.idx.msk $0xffff, v14;
	v21 =	vld.idx.msk [tilespmem:v2+s15+$0x0 ss:$0x1], $0xffff  }
0x152: {  	s13 =	rddreg [dreg:$0x8];
	v14 =	vadd.f32 v15, v5;
	v15 =	vld [tilespmem:s10+$0x0];
	[tilespmem:v0+s26+$0x0 ss:$0x1] =	vst.idx.msk $0xffff, v20  }
0x153: {  	[dreg:$0x11] =	wrdreg s2;
	s14 =	sor.u32 $0x10, s21;
	v20 =	vld.idx.msk [tilespmem:v1+s13+$0x0 ss:$0x1], $0xffff;
	v22 =	vadd.f32 v16, v22;
	[tilespmem:v0+s18+$0x0 ss:$0x1] =	vst.idx.msk $0xffff, v18  }
0x154: {  	[dreg:$0xd] =	wrdreg s3;
	s2 =	sor.u32 $0x1100, s23;
	s25 =	sor.u32 s14, s6;
	[tilespmem:v0+s20+$0x0 ss:$0x1] =	vst.idx.msk $0xffff, v14;
	v14 =	vld.idx.msk [tilespmem:v1+s15+$0x0 ss:$0x1], $0xffff;
	v17 =	vadd.f32 v23, v17  }
0x155: {  	[dreg:$0x6] =	wrdreg s0;
	s5 =	sor.u32 $0x20, s21;
	s21 =	sor.u32 s21, s6;
	v18 =	vld.idx.msk [tilespmem:v2+s25+$0x0 ss:$0x1], $0xffff;
	[tilespmem:v0+s1+$0x0 ss:$0x1] =	vst.idx.msk $0xffff, v22;
	v12 =	vadd.f32 v12, v13  }
0x156: {  	s3 =	sor.u32 s5, s6;
	s28 =	sadd.s32 s5, s7;
	s5 =	sor.u32 $0x3080, s21;
	v13 =	vld.idx.msk [tilespmem:v1+s2+$0x0 ss:$0x1], $0xffff;
	[tilespmem:v0+s17+$0x0 ss:$0x1] =	vst.idx.msk $0xffff, v17;
	v17 =	vadd.f32 v19, v10  }
0x157: {  	[dreg:$0xa] =	wrdreg s5;
	v19 =	vld.idx.msk [tilespmem:v2+s3+$0x0 ss:$0x1], $0xffff;
	[tilespmem:v0+s22+$0x0 ss:$0x1] =	vst.idx.msk $0xffff, v12  }
0x158: {  	s5 =	rddreg [dreg:$0x7];
	v23 =	vld.idx.msk [tilespmem:v2+s21+$0x0 ss:$0x1], $0xffff;
	[tilespmem:v0+s16+$0x0 ss:$0x1] =	vst.idx.msk $0xffff, v17;
	s16 =	sor.u32 $0x1080, s21  }
0x159: {  	s26 =	sadd.s32 s14, s7;
	v22 =	vadd.f32 v21, v15;
	v20 =	vadd.f32 v20, v4;
	v4 =	vmov v11;
	v11 =	vld [tilespmem:s28+$0x0];
	s28 =	sor.u32 $0x2080, s3;
	[dreg:$0x16] =	wrdreg s16  }
0x15a: {  	v12 =	vld [tilespmem:s26+$0x0];
	s16 =	sor.u32 $0x1080, s25;
	[dreg:$0x14] =	wrdreg s28  }
0x15b: {  	s12 =	sshra.s32 s31, $0x2;
	s26 =	sor.u32 $0x1080, s3;
	v17 =	vadd.f32 v22, v14;
	[dreg:$0x1b] =	wrdreg s16;
	[tilespmem:v0+s13+$0x0 ss:$0x1] =	vst.idx.msk $0xffff, v20;
	v20 =	vld.idx.msk [tilespmem:v1+s25+$0x0 ss:$0x1], $0xffff  }
0x15c: {  	s29 =	sor.u32 $0x1180, s4;
	[dreg:$0x18] =	wrdreg s26;
	v14 =	vld.idx.msk [tilespmem:v3+s12+$0x0 ss:$0x1], $0xffff;
	s12 =	sor.u32 $0x3080, s3  }
0x15d: {  	v26 =	vld.idx.msk [tilespmem:v2+s8+$0x0 ss:$0x1], $0xffff;
	s28 =	sor.u32 $0x2180, s30;
	v13 =	vadd.f32 v13, v16;
	[tilespmem:v0+s15+$0x0 ss:$0x1] =	vst.idx.msk $0xffff, v17;
	[dreg:$0xf] =	wrdreg s12;
	s12 =	sor.u32 $0x1000, s15  }
0x15e: {  	s10 =	sor.u32 $0x2000, s25;
	s13 =	sor.u32 $0x1180, s30;
	[smem:$0x7E6] =	sst s28;
	v24 =	vld.idx.msk [tilespmem:v1+s12+$0x0 ss:$0x1], $0xffff  }
0x15f: {  	s14 =	sor.u32 $0x1000, s25;
	s20 =	sor.u32 $0x1000, s3;
	[dreg:$0x1e] =	wrdreg s13;
	[tilespmem:v0+s2+$0x0 ss:$0x1] =	vst.idx.msk $0xffff, v13;
	v13 =	vadd.f32 v19, v11;
	v19 =	vld.idx.msk [tilespmem:v1+s3+$0x0 ss:$0x1], $0xffff;
	v21 =	vadd.f32 v18, v12  }
0x160: {  	s16 =	sor.u32 $0x2080, s21;
	s13 =	sld [smem:$0x7E0];
	v25 =	vld.idx.msk [tilespmem:v1+s21+$0x0 ss:$0x1], $0xffff;
	s2 =	sor.u32 $0x2100, s23  }
0x161: {  	s17 =	sor.u32 $0x3000, s25;
	s26 =	sor.u32 $0x2080, s25;
	[dreg:$0x1c] =	wrdreg s16;
	v18 =	vld.idx.msk [tilespmem:v1+s2+$0x0 ss:$0x1], $0xffff;
	v20 =	vadd.f32 v21, v20  }
0x162: {  	s22 =	sor.u32 $0x80, s25;
	s28 =	sor.u32 $0x3180, s30;
	[dreg:$0x15] =	wrdreg s26;
	v17 =	vadd.f32 v23, v14;
	v23 =	vld.idx.msk [tilespmem:v2+s24+$0x0 ss:$0x1], $0xffff  }
0x163: {  	s16 =	sor.u32 $0x3080, s25;
	s26 =	sor.u32 $0x2180, s19;
	v27 =	vld.idx.msk [tilespmem:v2+s9+$0x0 ss:$0x1], $0xffff;
	s30 =	smov.u32 s13;
	v24 =	vadd.f32 v24, v22;
	[tilespmem:v0+s25+$0x0 ss:$0x1] =	vst.idx.msk $0xffff, v20  }
0x164: {  	s13 =	smov.u32 s29;
	s29 =	smov.u32 s5;
	s5 =	rddreg [dreg:$0xc];
	v19 =	vadd.f32 v13, v19;
	v28 =	vld.idx.msk [tilespmem:v1+s24+$0x0 ss:$0x1], $0xffff  }
0x165: {  	s19 =	sor.u32 $0x3180, s19;
	[dreg:$0x8] =	wrdreg s29;
	s25 =	sor.u32 $0x2000, s15;
	v59 =	vadd.f32 v17, v25;
	v29 =	vld.idx.msk [tilespmem:v1+s14+$0x0 ss:$0x1], $0xffff;
	[tilespmem:v0+s12+$0x0 ss:$0x1] =	vst.idx.msk $0xffff, v24  }
0x166: {  	s29 =	smov.u32 s28;
	s28 =	smov.u32 s5;
	s5 =	rddreg [dreg:$0xe];
	v18 =	vadd.f32 v18, v16;
	[tilespmem:v0+s3+$0x0 ss:$0x1] =	vst.idx.msk $0xffff, v19;
	v60 =	vld.idx.msk [tilespmem:v1+s25+$0x0 ss:$0x1], $0xffff  }
0x167: {  	s1 =	sor.u32 $0x1000, s21;
	[dreg:$0x7] =	wrdreg s29;
	s29 =	smov.u32 s19;
	[tilespmem:v0+s21+$0x0 ss:$0x1] =	vst.idx.msk $0xffff, v59;
	v20 =	vadd.f32 v23, v6;
	v61 =	vld.idx.msk [tilespmem:v1+s20+$0x0 ss:$0x1], $0xffff  }
0x168: {  	p3 =	slt.u32 s0, $0x3C0;
	s0 =	sor.u32 $0x3100, s23;
	[dreg:$0xc] =	wrdreg s29;
	[tilespmem:v0+s2+$0x0 ss:$0x1] =	vst.idx.msk $0xffff, v18;
	v62 =	vld.idx.msk [tilespmem:v1+s1+$0x0 ss:$0x1], $0xffff  }
0x169: {  	s29 =	smov.u32 s5;
	s5 =	sld [smem:$0x7E1];
	v23 =	vld.idx.msk [tilespmem:v1+s0+$0x0 ss:$0x1], $0xffff;
	v63 =	vadd.f32 v20, v28  }
0x16a: {  	v33 =	vld.idx.msk [tilespmem:v1+s8+$0x0 ss:$0x1], $0xffff;
	v29 =	vadd.f32 v29, v21  }
0x16b: {  	[dreg:$0x9] =	wrdreg s26;
	v30 =	vld.idx.msk [tilespmem:v1+s9+$0x0 ss:$0x1], $0xffff;
	[tilespmem:v0+s24+$0x0 ss:$0x1] =	vst.idx.msk $0xffff, v63  }
0x16c: {  	s26 =	sor.u32 $0x2180, s4;
	s4 =	sor.u32 $0x3180, s4;
	v34 =	vld.idx.msk [tilespmem:v1+s5+$0x0 ss:$0x1], $0xffff;
	v25 =	vadd.f32 v60, v22;
	[tilespmem:v0+s14+$0x0 ss:$0x1] =	vst.idx.msk $0xffff, v29;
	s14 =	rddreg [dreg:$0x10]  }
0x16d: {  	s19 =	smov.u32 s4;
	v18 =	vadd.f32 v27, v9;
	v24 =	vadd.f32 v61, v13;
	v29 =	vld.idx.msk [tilespmem:v1+s14+$0x0 ss:$0x1], $0xffff  }
0x16e: {  	[dreg:$0xe] =	wrdreg s19;
	s19 =	sor.u32 $0x3000, s15;
	v35 =	vadd.f32 v62, v17;
	v16 =	vadd.f32 v23, v16;
	v23 =	vld.idx.msk [tilespmem:v1+s10+$0x0 ss:$0x1], $0xffff;
	[tilespmem:v0+s25+$0x0 ss:$0x1] =	vst.idx.msk $0xffff, v25  }
0x16f: {  	s18 =	sor.u32 $0x2000, s3;
	s7 =	sor.u32 $0x3000, s3;
	[tilespmem:v0+s20+$0x0 ss:$0x1] =	vst.idx.msk $0xffff, v24;
	v36 =	vld.idx.msk [tilespmem:v1+s19+$0x0 ss:$0x1], $0xffff  }
0x170: {  	s11 =	sor.u32 $0x2000, s21;
	s6 =	sor.u32 $0x3000, s21;
	[smem:$0x7E4] =	sst s7;
	v19 =	vadd.f32 v26, v8;
	v39 =	vadd.f32 v18, v30;
	[tilespmem:v0+s1+$0x0 ss:$0x1] =	vst.idx.msk $0xffff, v35;
	v38 =	vld.idx.msk [tilespmem:v1+s18+$0x0 ss:$0x1], $0xffff  }
0x171: {  	s7 =	sor.u32 $0x80, s21;
	s21 =	sor.u32 $0x180, s23;
	s24 =	sld [smem:$0x7E2];
	[tilespmem:v0+s0+$0x0 ss:$0x1] =	vst.idx.msk $0xffff, v16;
	v40 =	vld.idx.msk [tilespmem:v1+s11+$0x0 ss:$0x1], $0xffff  }
0x172: {  	s25 =	rddreg [dreg:$0x1d];
	v16 =	vadd.f32 v19, v33;
	[tilespmem:v0+s9+$0x0 ss:$0x1] =	vst.idx.msk $0xffff, v39;
	v37 =	vld.idx.msk [tilespmem:v2+s21+$0x0 ss:$0x1], $0xffff  }
0x173: {  	s9 =	sld [smem:$0x7E3];
	v43 =	vld.idx.msk [tilespmem:v1+s25+$0x0 ss:$0x1], $0xffff;
	v41 =	vadd.f32 v29, v20  }
0x174: {  	[tilespmem:v0+s8+$0x0 ss:$0x1] =	vst.idx.msk $0xffff, v16;
	v16 =	vld.idx.msk [tilespmem:v1+s21+$0x0 ss:$0x1], $0xffff;
	v23 =	vadd.f32 v23, v21  }
0x175: {  	v42 =	vld.idx.msk [tilespmem:v1+s24+$0x0 ss:$0x1], $0xffff;
	[tilespmem:v0+s14+$0x0 ss:$0x1] =	vst.idx.msk $0xffff, v41  }
0x176: {  	s1 =	rddreg [dreg:$0x1f];
	v45 =	vld.idx.msk [tilespmem:v1+s9+$0x0 ss:$0x1], $0xffff;
	v22 =	vadd.f32 v36, v22;
	[tilespmem:v0+s10+$0x0 ss:$0x1] =	vst.idx.msk $0xffff, v23  }
0x177: {  	v27 =	vadd.f32 v34, v5;
	v44 =	vadd.f32 v40, v17;
	v23 =	vld.idx.msk [tilespmem:v1+s1+$0x0 ss:$0x1], $0xffff  }
0x178: {  	[smem:$0x7E5] =	sst s6;
	s6 =	sor.u32 $0x80, s3;
	s3 =	sor.u32 $0x80, s15;
	v24 =	vadd.f32 v37, v7;
	v7 =	vmov v15;
	[tilespmem:v0+s19+$0x0 ss:$0x1] =	vst.idx.msk $0xffff, v22;
	v15 =	vld.idx.msk [tilespmem:v1+s17+$0x0 ss:$0x1], $0xffff  }
0x179: {  	v25 =	vadd.f32 v38, v13;
	[tilespmem:v0+s11+$0x0 ss:$0x1] =	vst.idx.msk $0xffff, v44;
	s11 =	sld [smem:$0x7E4];
	v22 =	vld.idx.msk [tilespmem:v2+s3+$0x0 ss:$0x1], $0xffff  }
0x17a: {  	[tilespmem:v0+s5+$0x0 ss:$0x1] =	vst.idx.msk $0xffff, v27;
	s14 =	sld [smem:$0x7E5];
	v16 =	vadd.f32 v24, v16  }
0x17b: {  	[tilespmem:v0+s18+$0x0 ss:$0x1] =	vst.idx.msk $0xffff, v25;
	v46 =	vld.idx.msk [tilespmem:v1+s3+$0x0 ss:$0x1], $0xffff;
	v29 =	vadd.f32 v42, v19  }
0x17c: {  	[tilespmem:v0+s21+$0x0 ss:$0x1] =	vst.idx.msk $0xffff, v16;
	v16 =	vadd.f32 v43, v18;
	v48 =	vld.idx.msk [tilespmem:v1+s11+$0x0 ss:$0x1], $0xffff  }
0x17d: {  	s10 =	sor.u32 $0x1180, s23;
	v49 =	vld.idx.msk [tilespmem:v1+s14+$0x0 ss:$0x1], $0xffff;
	[tilespmem:v0+s24+$0x0 ss:$0x1] =	vst.idx.msk $0xffff, v29;
	v23 =	vadd.f32 v23, v20  }
0x17e: {  	s18 =	rddreg [dreg:$0x1a];
	v47 =	vld.idx.msk [tilespmem:v1+s10+$0x0 ss:$0x1], $0xffff;
	[tilespmem:v0+s25+$0x0 ss:$0x1] =	vst.idx.msk $0xffff, v16;
	v15 =	vadd.f32 v15, v21;
	v21 =	vadd.f32 v22, v7  }
0x17f: {  	s19 =	rddreg [dreg:$0x19];
	v16 =	vld.idx.msk [tilespmem:v1+s18+$0x0 ss:$0x1], $0xffff;
	v22 =	vadd.f32 v45, v4;
	[tilespmem:v0+s1+$0x0 ss:$0x1] =	vst.idx.msk $0xffff, v23  }
0x180: {  	v50 =	vadd.f32 v21, v46;
	[tilespmem:v0+s17+$0x0 ss:$0x1] =	vst.idx.msk $0xffff, v15;
	v15 =	vld.idx.msk [tilespmem:v1+s19+$0x0 ss:$0x1], $0xffff  }
0x181: {  	v13 =	vadd.f32 v48, v13;
	[tilespmem:v0+s9+$0x0 ss:$0x1] =	vst.idx.msk $0xffff, v22;
	v23 =	vld.idx.msk [tilespmem:v2+s22+$0x0 ss:$0x1], $0xffff  }
0x182: {  	s25 =	rddreg [dreg:$0x17];
	v17 =	vadd.f32 v49, v17;
	v51 =	vld.idx.msk [tilespmem:v1+s22+$0x0 ss:$0x1], $0xffff;
	[tilespmem:v0+s3+$0x0 ss:$0x1] =	vst.idx.msk $0xffff, v50  }
0x183: {  	s24 =	sor.u32 $0x1080, s15;
	v26 =	vadd.f32 v47, v24;
	v22 =	vld.idx.msk [tilespmem:v1+s25+$0x0 ss:$0x1], $0xffff;
	[tilespmem:v0+s11+$0x0 ss:$0x1] =	vst.idx.msk $0xffff, v13  }
0x184: {  	[tilespmem:v0+s14+$0x0 ss:$0x1] =	vst.idx.msk $0xffff, v17;
	v25 =	vld.idx.msk [tilespmem:v1+s24+$0x0 ss:$0x1], $0xffff  }
0x185: {  	s8 =	sor.u32 $0x2180, s23;
	v13 =	vadd.f32 v16, v19;
	[tilespmem:v0+s10+$0x0 ss:$0x1] =	vst.idx.msk $0xffff, v26;
	v17 =	vld.idx.msk [tilespmem:v2+s6+$0x0 ss:$0x1], $0xffff  }
0x186: {  	v26 =	vld.idx.msk [tilespmem:v1+s8+$0x0 ss:$0x1], $0xffff;
	v15 =	vadd.f32 v15, v18  }
0x187: {  	v52 =	vld.idx.msk [tilespmem:v2+s7+$0x0 ss:$0x1], $0xffff;
	[tilespmem:v0+s18+$0x0 ss:$0x1] =	vst.idx.msk $0xffff, v13  }
0x188: {  	v16 =	vadd.f32 v23, v12;
	v23 =	vld.idx.msk [tilespmem:v1+s6+$0x0 ss:$0x1], $0xffff;
	[tilespmem:v0+s19+$0x0 ss:$0x1] =	vst.idx.msk $0xffff, v15  }
0x189: {  	s9 =	rddreg [dreg:$0x13];
	v20 =	vadd.f32 v22, v20;
	v22 =	vadd.f32 v25, v21;
	v15 =	vld.idx.msk [tilespmem:v1+s7+$0x0 ss:$0x1], $0xffff  }
0x18a: {  	s10 =	rddreg [dreg:$0x12];
	v53 =	vld.idx.msk [tilespmem:v1+s9+$0x0 ss:$0x1], $0xffff;
	v13 =	vadd.f32 v16, v51  }
0x18b: {  	s14 =	sor.u32 $0x2080, s15;
	v17 =	vadd.f32 v17, v11;
	v54 =	vld.idx.msk [tilespmem:v1+s10+$0x0 ss:$0x1], $0xffff;
	v26 =	vadd.f32 v26, v24;
	[tilespmem:v0+s24+$0x0 ss:$0x1] =	vst.idx.msk $0xffff, v22  }
0x18c: {  	s11 =	rddreg [dreg:$0x1b];
	[tilespmem:v0+s22+$0x0 ss:$0x1] =	vst.idx.msk $0xffff, v13;
	v13 =	vadd.f32 v52, v14;
	v22 =	vld.idx.msk [tilespmem:v1+s14+$0x0 ss:$0x1], $0xffff  }
0x18d: {  	s17 =	sor.u32 $0x3180, s23;
	[tilespmem:v0+s8+$0x0 ss:$0x1] =	vst.idx.msk $0xffff, v26;
	v55 =	vld.idx.msk [tilespmem:v1+s11+$0x0 ss:$0x1], $0xffff;
	v23 =	vadd.f32 v17, v23  }
0x18e: {  	s23 =	rddreg [dreg:$0x11];
	[tilespmem:v0+s25+$0x0 ss:$0x1] =	vst.idx.msk $0xffff, v20;
	v20 =	vld.idx.msk [tilespmem:v1+s17+$0x0 ss:$0x1], $0xffff;
	v15 =	vadd.f32 v13, v15  }
0x18f: {  	s21 =	sld [smem:$0x7E6];
	v19 =	vadd.f32 v53, v19;
	v56 =	vld.idx.msk [tilespmem:v2+s23+$0x0 ss:$0x1], $0xffff;
	[tilespmem:v0+s6+$0x0 ss:$0x1] =	vst.idx.msk $0xffff, v23  }
0x190: {  	s25 =	rddreg [dreg:$0x18];
	v23 =	vld.idx.msk [tilespmem:v1+s23+$0x0 ss:$0x1], $0xffff;
	v18 =	vadd.f32 v54, v18;
	[tilespmem:v0+s7+$0x0 ss:$0x1] =	vst.idx.msk $0xffff, v15  }
0x191: {  	s2 =	rddreg [dreg:$0x16];
	v15 =	vld.idx.msk [tilespmem:v1+s25+$0x0 ss:$0x1], $0xffff;
	[tilespmem:v0+s9+$0x0 ss:$0x1] =	vst.idx.msk $0xffff, v19;
	v19 =	vadd.f32 v22, v21  }
0x192: {  	v57 =	vld.idx.msk [tilespmem:v1+s2+$0x0 ss:$0x1], $0xffff;
	v58 =	vadd.f32 v55, v16;
	[tilespmem:v0+s10+$0x0 ss:$0x1] =	vst.idx.msk $0xffff, v18;
	s10 =	rddreg [dreg:$0xd]  }
0x193: {  	s12 =	smov.u32 s21;
	s21 =	sor.u32 $0x3080, s15;
	v18 =	vld.idx.msk [tilespmem:v2+s10+$0x0 ss:$0x1], $0xffff;
	[tilespmem:v0+s14+$0x0 ss:$0x1] =	vst.idx.msk $0xffff, v19  }
0x194: {  	[tilespmem:v0+s11+$0x0 ss:$0x1] =	vst.idx.msk $0xffff, v58;
	s11 =	rddreg [dreg:$0xb];
	v60 =	vld.idx.msk [tilespmem:v1+s21+$0x0 ss:$0x1], $0xffff  }
0x195: {  	s19 =	rddreg [dreg:$0x15];
	v20 =	vadd.f32 v20, v24;
	v19 =	vadd.f32 v56, v6;
	v22 =	vld.idx.msk [tilespmem:v2+s11+$0x0 ss:$0x1], $0xffff  }
0x196: {  	v6 =	vmov v12;
	v59 =	vld.idx.msk [tilespmem:v1+s19+$0x0 ss:$0x1], $0xffff;
	v12 =	vadd.f32 v15, v17  }
0x197: {  	p2 =	por !p2, !p2;
	s20 =	smov.u32 s13;
	s13 =	smov.u32 s26;
	[tilespmem:v0+s17+$0x0 ss:$0x1] =	vst.idx.msk $0xffff, v20;
	v20 =	vld.idx.msk [tilespmem:v1+s10+$0x0 ss:$0x1], $0xffff;
	v15 =	vadd.f32 v19, v23  }
0x198: {  	s26 =	smov.u32 s16;
	s1 =	simm.s32 $0x1;
	s24 =	smov.u32 s23;
	v61 =	vld.idx.msk [tilespmem:v1+s11+$0x0 ss:$0x1], $0xffff;
	v23 =	vadd.f32 v57, v13;
	[tilespmem:v0+s25+$0x0 ss:$0x1] =	vst.idx.msk $0xffff, v12  }
0x199: {  	s1 =	simm.s32 @!p2 $0x0;
	s17 =	smov.u32 s28;
	v12 =	vadd.f32 v18, v8;
	v18 =	vld.idx.msk [tilespmem:v1+s28+$0x0 ss:$0x1], $0xffff;
	s28 =	rddreg [dreg:$0x14];
	[tilespmem:v0+s24+$0x0 ss:$0x1] =	vst.idx.msk $0xffff, v15  }
0x19a: {  	s1 =	sshll.u32 s1, $0x6;
	s18 =	rddreg [dreg:$0x1e];
	s6 =	smov.u32 s30;
	[tilespmem:v0+s2+$0x0 ss:$0x1] =	vst.idx.msk $0xffff, v23;
	v23 =	vld.idx.msk [tilespmem:v1+s28+$0x0 ss:$0x1], $0xffff;
	v15 =	vadd.f32 v60, v21  }
0x19b: {  	s5 =	smov.u32 s29;
	s22 =	rddreg [dreg:$0x1c];
	s30 =	sadd.s32 s1, s31;
	v8 =	vmovc v11;
	v62 =	vld.idx.msk [tilespmem:v1+s6+$0x0 ss:$0x1], $0xffff;
	v11 =	vadd.f32 v22, v9;
	v9 =	vmov v14;
	v14 =	vadd.f32 v59, v16  }
0x19c: {  	s4 =	sadd.s32 $0x20, s30;
	s23 =	sadd.s32 $0x30, s30;
	s15 =	sor.u32 $0x2100, s30;
	v22 =	vld.idx.msk [tilespmem:v1+s22+$0x0 ss:$0x1], $0xffff;
	[tilespmem:v0+s21+$0x0 ss:$0x1] =	vst.idx.msk $0xffff, v15  }
0x19d: {  	s8 =	sor.u32 $0x100, s4;
	s1 =	sor.u32 $0x100, s23;
	s9 =	sor.u32 $0x100, s30;
	v63 =	vadd.f32 v12, v20;
	[tilespmem:v0+s19+$0x0 ss:$0x1] =	vst.idx.msk $0xffff, v14;
	v14 =	vld.idx.msk [tilespmem:v1+s29+$0x0 ss:$0x1], $0xffff  }
.Ltmp0:
0x19e: {  	s7 =	sor.u32 $0x3100, s30;
	s3 =	sor.u32 $0x180, s4;
	v15 =	vadd.f32 v11, v61;
	v21 =	vld.idx.msk [tilespmem:v2+s1+$0x0 ss:$0x1], $0xffff;
	(pc) =	sbr.rel @p3 .LBB2_3-.Ltmp0, $4  }
0x19f: {  	s14 =	sor.u32 $0x2100, s4;
	s25 =	smov.u32 s31;
	s31 =	sor.u32 $0x1100, s4;
	[tilespmem:v0+s10+$0x0 ss:$0x1] =	vst.idx.msk $0xffff, v63;
	v20 =	vld.idx.msk [tilespmem:v1+s16+$0x0 ss:$0x1], $0xffff;
	v18 =	vadd.f32 v18, v10  }
0x1a0: {  	s21 =	sor.u32 $0x1100, s30;
	s19 =	sadd.s32 $0x10, s30;
	s10 =	sor.u32 $0x3100, s4;
	v10 =	vmov v19;
	v19 =	vadd.f32 v23, v17;
	[tilespmem:v0+s11+$0x0 ss:$0x1] =	vst.idx.msk $0xffff, v15;
	v15 =	vld.idx.msk [tilespmem:v1+s20+$0x0 ss:$0x1], $0xffff  }
0x1a1: {  	s24 =	sor.u32 $0x100, s19;
	s29 =	sor.u32 $0x1100, s19;
	s16 =	sor.u32 $0x2100, s19;
	v23 =	vadd.f32 v22, v13;
	v22 =	vld.idx.msk [tilespmem:v1+s1+$0x0 ss:$0x1], $0xffff;
	[tilespmem:v0+s17+$0x0 ss:$0x1] =	vst.idx.msk $0xffff, v18  }
0x1a2: {  	s2 =	sor.u32 $0x180, s19;
	[dreg:$0x10] =	wrdreg s29;
	s11 =	sor.u32 $0x3100, s19;
	v18 =	vld.idx.msk [tilespmem:v1+s18+$0x0 ss:$0x1], $0xffff;
	[tilespmem:v0+s28+$0x0 ss:$0x1] =	vst.idx.msk $0xffff, v19;
	v19 =	vadd.f32 v62, v10  }
0x1a3: {  	_ =	sdelay $0x2  }
0x1a4: {  	s17 =	rddreg [dreg:$0xf]  }
0x1a5: {  	[tilespmem:v0+s22+$0x0 ss:$0x1] =	vst.idx.msk $0xffff, v23;
	v3 =	vld.idx.msk [tilespmem:v1+s17+$0x0 ss:$0x1], $0xffff  }
0x1a6: {  	s0 =	rddreg [dreg:$0xa]  }
0x1a7: {  	v16 =	vadd.f32 v20, v16;
	v23 =	vld.idx.msk [tilespmem:v1+s0+$0x0 ss:$0x1], $0xffff;
	_ =	sdelay $0x1  }
0x1a8: {  	[tilespmem:v0+s26+$0x0 ss:$0x1] =	vst.idx.msk $0xffff, v16  }
0x1a9: {  	v52 =	vld.idx.msk [tilespmem:v2+s24+$0x0 ss:$0x1], $0xffff;
	v3 =	vadd.f32 v3, v17  }
0x1aa: {  	v54 =	vadd.f32 v21, v7  }
0x1ab: {  	v55 =	vld.idx.msk [tilespmem:v1+s24+$0x0 ss:$0x1], $0xffff;
	v51 =	vadd.f32 v23, v13;
	[tilespmem:v0+s17+$0x0 ss:$0x1] =	vst.idx.msk $0xffff, v3  }
0x1ac: {  	v21 =	vadd.f32 v54, v22;
	v53 =	vld.idx.msk [tilespmem:v2+s8+$0x0 ss:$0x1], $0xffff  }
0x1ad: {  	[tilespmem:v0+s0+$0x0 ss:$0x1] =	vst.idx.msk $0xffff, v51;
	v57 =	vld.idx.msk [tilespmem:v1+s8+$0x0 ss:$0x1], $0xffff  }
0x1ae: {  	s25 =	sor.u32 $0x1100, s23;
	[tilespmem:v0+s1+$0x0 ss:$0x1] =	vst.idx.msk $0xffff, v21;
	v13 =	vadd.f32 v52, v6;
	v56 =	vld.idx.msk [tilespmem:v2+s9+$0x0 ss:$0x1], $0xffff  }
0x1af: {  	v21 =	vld.idx.msk [tilespmem:v1+s25+$0x0 ss:$0x1], $0xffff  }
0x1b0: {  	v58 =	vld.idx.msk [tilespmem:v1+s9+$0x0 ss:$0x1], $0xffff;
	v17 =	vadd.f32 v13, v55  }
0x1b1: {  	v16 =	vadd.f32 v53, v8  }
0x1b2: {  	[tilespmem:v0+s24+$0x0 ss:$0x1] =	vst.idx.msk $0xffff, v17  }
0x1b3: {  	s0 =	rddreg [dreg:$0x10];
	v20 =	vadd.f32 v56, v9;
	v59 =	vadd.f32 v16, v57  }
0x1b4: {  	v61 =	vadd.f32 v21, v54;
	v60 =	vld.idx.msk [tilespmem:v1+s0+$0x0 ss:$0x1], $0xffff  }
0x1b5: {  	v23 =	vadd.f32 v20, v58;
	[tilespmem:v0+s8+$0x0 ss:$0x1] =	vst.idx.msk $0xffff, v59  }
0x1b6: {  	s26 =	sor.u32 $0x2100, s23;
	[tilespmem:v0+s25+$0x0 ss:$0x1] =	vst.idx.msk $0xffff, v61;
	v62 =	vld.idx.msk [tilespmem:v1+s31+$0x0 ss:$0x1], $0xffff  }
0x1b7: {  	v17 =	vld.idx.msk [tilespmem:v1+s26+$0x0 ss:$0x1], $0xffff;
	[tilespmem:v0+s9+$0x0 ss:$0x1] =	vst.idx.msk $0xffff, v23  }
0x1b8: {  	v23 =	vld.idx.msk [tilespmem:v1+s21+$0x0 ss:$0x1], $0xffff  }
0x1b9: {  	v22 =	vadd.f32 v60, v13;
	_ =	sdelay $0x1  }
0x1ba: {  	[tilespmem:v0+s0+$0x0 ss:$0x1] =	vst.idx.msk $0xffff, v22;
	v21 =	vadd.f32 v62, v16  }
0x1bb: {  	v17 =	vadd.f32 v17, v54;
	v22 =	vld.idx.msk [tilespmem:v1+s16+$0x0 ss:$0x1], $0xffff  }
0x1bc: {  	v23 =	vadd.f32 v23, v20;
	[tilespmem:v0+s31+$0x0 ss:$0x1] =	vst.idx.msk $0xffff, v21  }
0x1bd: {  	[tilespmem:v0+s26+$0x0 ss:$0x1] =	vst.idx.msk $0xffff, v17;
	s31 =	sor.u32 $0x3100, s23;
	v21 =	vld.idx.msk [tilespmem:v1+s14+$0x0 ss:$0x1], $0xffff  }
0x1be: {  	[tilespmem:v0+s21+$0x0 ss:$0x1] =	vst.idx.msk $0xffff, v23;
	v17 =	vld.idx.msk [tilespmem:v1+s31+$0x0 ss:$0x1], $0xffff  }
0x1bf: {  	v23 =	vld.idx.msk [tilespmem:v1+s15+$0x0 ss:$0x1], $0xffff  }
0x1c0: {  	v22 =	vadd.f32 v22, v13;
	_ =	sdelay $0x1  }
0x1c1: {  	[tilespmem:v0+s16+$0x0 ss:$0x1] =	vst.idx.msk $0xffff, v22;
	v21 =	vadd.f32 v21, v16  }
0x1c2: {  	v22 =	vld.idx.msk [tilespmem:v1+s11+$0x0 ss:$0x1], $0xffff;
	v3 =	vadd.f32 v17, v54  }
0x1c3: {  	v23 =	vadd.f32 v23, v20;
	[tilespmem:v0+s14+$0x0 ss:$0x1] =	vst.idx.msk $0xffff, v21  }
0x1c4: {  	s1 =	sor.u32 $0x180, s23;
	[tilespmem:v0+s31+$0x0 ss:$0x1] =	vst.idx.msk $0xffff, v3;
	v63 =	vld.idx.msk [tilespmem:v1+s10+$0x0 ss:$0x1], $0xffff  }
0x1c5: {  	[tilespmem:v0+s15+$0x0 ss:$0x1] =	vst.idx.msk $0xffff, v23;
	v3 =	vld.idx.msk [tilespmem:v2+s1+$0x0 ss:$0x1], $0xffff  }
0x1c6: {  	v24 =	vld.idx.msk [tilespmem:v1+s7+$0x0 ss:$0x1], $0xffff  }
0x1c7: {  	v25 =	vld.idx.msk [tilespmem:v1+s1+$0x0 ss:$0x1], $0xffff;
	v13 =	vadd.f32 v22, v13;
	_ =	sdelay $0x1  }
0x1c8: {  	[tilespmem:v0+s11+$0x0 ss:$0x1] =	vst.idx.msk $0xffff, v13;
	v16 =	vadd.f32 v63, v16  }
0x1c9: {  	v26 =	vld.idx.msk [tilespmem:v2+s2+$0x0 ss:$0x1], $0xffff;
	v3 =	vadd.f32 v3, v7  }
0x1ca: {  	v27 =	vld.idx.msk [tilespmem:v1+s2+$0x0 ss:$0x1], $0xffff;
	v20 =	vadd.f32 v24, v20;
	[tilespmem:v0+s10+$0x0 ss:$0x1] =	vst.idx.msk $0xffff, v16  }
0x1cb: {  	v13 =	vadd.f32 v3, v25;
	v28 =	vld.idx.msk [tilespmem:v2+s3+$0x0 ss:$0x1], $0xffff  }
0x1cc: {  	s8 =	sor.u32 $0x180, s30;
	[tilespmem:v0+s7+$0x0 ss:$0x1] =	vst.idx.msk $0xffff, v20;
	v30 =	vld.idx.msk [tilespmem:v1+s3+$0x0 ss:$0x1], $0xffff  }
0x1cd: {  	s9 =	sor.u32 $0x1180, s23;
	v29 =	vld.idx.msk [tilespmem:v2+s8+$0x0 ss:$0x1], $0xffff;
	[tilespmem:v0+s1+$0x0 ss:$0x1] =	vst.idx.msk $0xffff, v13  }
0x1ce: {  	v32 =	vadd.f32 v26, v6;
	v13 =	vld.idx.msk [tilespmem:v1+s9+$0x0 ss:$0x1], $0xffff  }
0x1cf: {  	v31 =	vld.idx.msk [tilespmem:v1+s8+$0x0 ss:$0x1], $0xffff  }
0x1d0: {  	v33 =	vadd.f32 v32, v27;
	v7 =	vadd.f32 v28, v8  }
0x1d1: {  	v15 =	vadd.f32 v15, v12;
	[tilespmem:v0+s6+$0x0 ss:$0x1] =	vst.idx.msk $0xffff, v19  }
0x1d2: {  	s10 =	sor.u32 $0x1180, s19;
	[tilespmem:v0+s2+$0x0 ss:$0x1] =	vst.idx.msk $0xffff, v33;
	v2 =	vadd.f32 v29, v9;
	v34 =	vadd.f32 v7, v30  }
0x1d3: {  	[tilespmem:v0+s20+$0x0 ss:$0x1] =	vst.idx.msk $0xffff, v15;
	v36 =	vld.idx.msk [tilespmem:v1+s10+$0x0 ss:$0x1], $0xffff;
	v37 =	vadd.f32 v13, v3  }
0x1d4: {  	s11 =	sor.u32 $0x1180, s4;
	v35 =	vadd.f32 v2, v31;
	[tilespmem:v0+s3+$0x0 ss:$0x1] =	vst.idx.msk $0xffff, v34  }
0x1d5: {  	s15 =	sor.u32 $0x2180, s23;
	[tilespmem:v0+s9+$0x0 ss:$0x1] =	vst.idx.msk $0xffff, v37;
	v38 =	vld.idx.msk [tilespmem:v1+s11+$0x0 ss:$0x1], $0xffff  }
0x1d6: {  	s14 =	sor.u32 $0x1180, s30;
	[tilespmem:v0+s8+$0x0 ss:$0x1] =	vst.idx.msk $0xffff, v35;
	v41 =	vld.idx.msk [tilespmem:v1+s15+$0x0 ss:$0x1], $0xffff  }
0x1d7: {  	v40 =	vadd.f32 v18, v11;
	v39 =	vld.idx.msk [tilespmem:v1+s14+$0x0 ss:$0x1], $0xffff;
	s6 =	rddreg [dreg:$0x9]  }
0x1d8: {  	v9 =	vadd.f32 v36, v32;
	v42 =	vld.idx.msk [tilespmem:v1+s6+$0x0 ss:$0x1], $0xffff  }
0x1d9: {  	v5 =	vadd.f32 v14, v5;
	v43 =	vld.idx.msk [tilespmem:v1+s13+$0x0 ss:$0x1], $0xffff;
	[tilespmem:v0+s18+$0x0 ss:$0x1] =	vst.idx.msk $0xffff, v40  }
0x1da: {  	s16 =	sor.u32 $0x2180, s19;
	v44 =	vld.idx.msk [tilespmem:v1+s12+$0x0 ss:$0x1], $0xffff;
	[tilespmem:v0+s10+$0x0 ss:$0x1] =	vst.idx.msk $0xffff, v9;
	v13 =	vadd.f32 v38, v7  }
0x1db: {  	[tilespmem:v0+s5+$0x0 ss:$0x1] =	vst.idx.msk $0xffff, v5;
	v45 =	vld.idx.msk [tilespmem:v1+s16+$0x0 ss:$0x1], $0xffff;
	v46 =	vadd.f32 v41, v3  }
0x1dc: {  	v16 =	vadd.f32 v39, v2;
	[tilespmem:v0+s11+$0x0 ss:$0x1] =	vst.idx.msk $0xffff, v13  }
0x1dd: {  	s17 =	sor.u32 $0x2180, s4;
	v48 =	vadd.f32 v42, v10;
	[tilespmem:v0+s15+$0x0 ss:$0x1] =	vst.idx.msk $0xffff, v46  }
0x1de: {  	s20 =	sor.u32 $0x3180, s23;
	v8 =	vadd.f32 v43, v12;
	[tilespmem:v0+s14+$0x0 ss:$0x1] =	vst.idx.msk $0xffff, v16;
	v47 =	vld.idx.msk [tilespmem:v1+s17+$0x0 ss:$0x1], $0xffff  }
0x1df: {  	s18 =	sor.u32 $0x2180, s30;
	v51 =	vadd.f32 v44, v11;
	v52 =	vld.idx.msk [tilespmem:v1+s20+$0x0 ss:$0x1], $0xffff;
	s7 =	rddreg [dreg:$0x8];
	[tilespmem:v0+s6+$0x0 ss:$0x1] =	vst.idx.msk $0xffff, v48  }
0x1e0: {  	v49 =	vld.idx.msk [tilespmem:v1+s18+$0x0 ss:$0x1], $0xffff;
	[tilespmem:v0+s13+$0x0 ss:$0x1] =	vst.idx.msk $0xffff, v8;
	v13 =	vadd.f32 v45, v32  }
0x1e1: {  	v50 =	vld.idx.msk [tilespmem:v1+s7+$0x0 ss:$0x1], $0xffff;
	s8 =	rddreg [dreg:$0xc];
	[tilespmem:v0+s12+$0x0 ss:$0x1] =	vst.idx.msk $0xffff, v51  }
0x1e2: {  	v53 =	vld.idx.msk [tilespmem:v1+s8+$0x0 ss:$0x1], $0xffff;
	s6 =	rddreg [dreg:$0xe];
	[tilespmem:v0+s16+$0x0 ss:$0x1] =	vst.idx.msk $0xffff, v13  }
0x1e3: {  	v54 =	vld.idx.msk [tilespmem:v1+s6+$0x0 ss:$0x1], $0xffff;
	s5 =	rddreg [dreg:$0x7];
	v16 =	vadd.f32 v47, v7  }
0x1e4: {  	v55 =	vld.idx.msk [tilespmem:v1+s5+$0x0 ss:$0x1], $0xffff;
	v3 =	vadd.f32 v52, v3  }
0x1e5: {  	s21 =	sor.u32 $0x3180, s19;
	v15 =	vadd.f32 v49, v2;
	[tilespmem:v0+s17+$0x0 ss:$0x1] =	vst.idx.msk $0xffff, v16  }
0x1e6: {  	s22 =	sor.u32 $0x3180, s4;
	v56 =	vld.idx.msk [tilespmem:v1+s21+$0x0 ss:$0x1], $0xffff;
	v4 =	vadd.f32 v50, v4;
	[tilespmem:v0+s20+$0x0 ss:$0x1] =	vst.idx.msk $0xffff, v3  }
0x1e7: {  	[tilespmem:v0+s18+$0x0 ss:$0x1] =	vst.idx.msk $0xffff, v15;
	v57 =	vld.idx.msk [tilespmem:v1+s22+$0x0 ss:$0x1], $0xffff;
	v58 =	vadd.f32 v53, v10  }
0x1e8: {  	s23 =	sor.u32 $0x3180, s30;
	[tilespmem:v0+s7+$0x0 ss:$0x1] =	vst.idx.msk $0xffff, v4;
	v60 =	vadd.f32 v54, v12  }
0x1e9: {  	v59 =	vld.idx.msk [tilespmem:v1+s23+$0x0 ss:$0x1], $0xffff;
	[tilespmem:v0+s8+$0x0 ss:$0x1] =	vst.idx.msk $0xffff, v58;
	v61 =	vadd.f32 v55, v11  }
0x1ea: {  	[tilespmem:v0+s6+$0x0 ss:$0x1] =	vst.idx.msk $0xffff, v60  }
0x1eb: {  	v62 =	vadd.f32 v56, v32;
	[tilespmem:v0+s5+$0x0 ss:$0x1] =	vst.idx.msk $0xffff, v61  }
0x1ec: {  	v63 =	vadd.f32 v57, v7;
	s29 =	sld [smem:$0x7E8]  }
0x1ed: {  	s4 =	sld [smem:$0x7F3];
	[tilespmem:v0+s21+$0x0 ss:$0x1] =	vst.idx.msk $0xffff, v62  }
0x1ee: {  	v1 =	vadd.f32 v59, v2;
	[tilespmem:v0+s22+$0x0 ss:$0x1] =	vst.idx.msk $0xffff, v63  }
0x1ef: {  	s0 =	sld [smem:$0x7F4]  }
0x1f0: {  	p2 =	sne.s32 s4, s29;
	[tilespmem:v0+s23+$0x0 ss:$0x1] =	vst.idx.msk $0xffff, v1  }
0x1f1: {  	p2 =	por p0, p2;
	_ =	strace $0x9000004E  }
0x1f2: {  	s2 =	sshll.u32 @p2 s4, $0x9;
	_ =	strace @p2 $0x8000004F;
	s0 =	sshll.u32 @p2 s0, $0xC  }
0x1f3: {  	s1 =	sand.u32 @p2 $0x200, s2;
	s2 =	rddreg [dreg:$0x3];
	s0 =	sand.u32 @p2 $0xFFFFE000, s0  }
0x1f4: {  	s0 =	sor.u32 @p2 s1, s0;
	s1 =	sld [smem:$0x7EE]  }
0x1f5: {  	s4 =	sld [smem:$0x7F0]  }
0x1f6: {  	s3 =	simm.s32 @p2 $0x400;
	s7 =	sld [smem:$0x7EF];
	s0 =	sshrl.u32 @p2 s0, $0x3  }
0x1f7: {  	s0 =	sadd.s32 @p2 s2, s0;
	s2 =	simm.s32 @p2 $0x200;
	s1 =	sadd.s32 @p2 $0x7, s1  }
0x1f8: {  	[hbm4b:s0+s2] =	stream.strided.scatter @p2 [tilespmem:s4], [sflag:s1], $0x1000, s3, s2, $0x200038;
	[tilespmem:$0x12800] =	vst v63  }
0x1f9: {  	s5 =	sadd.s32 @p2 $0x80000, s0;
	s4 =	sadd.s32 @p2 $0xB800, s7  }
0x1fa: {  	[hbm4b:s5+s2] =	stream.strided.scatter @p2 [tilespmem:s4], [sflag:s1], $0x1000, s3, s2, $0x200038;
	[tilespmem:$0x12800] =	vst v63  }
0x1fb: {  	s4 =	sadd.s32 @p2 $0xC800, s7;
	s5 =	sadd.s32 @p2 $0x100000, s0  }
0x1fc: {  	[hbm4b:s5+s2] =	stream.strided.scatter @p2 [tilespmem:s4], [sflag:s1], $0x1000, s3, s2, $0x200038;
	[tilespmem:$0x12800] =	vst v63  }
0x1fd: {  	s0 =	sadd.s32 @p2 $0x180000, s0;
	s4 =	sadd.s32 @p2 $0xD800, s7  }
0x1fe: {  	[hbm4b:s0+s2] =	stream.strided.scatter @p2 [tilespmem:s4], [sflag:s1], $0x1000, s3, s2, $0x200038;
	[tilespmem:$0x12800] =	vst v63  }
0x1ff: {  	s24 =	sld [smem:$0x7E9];
	_ =	strace @p2 $0x9000004F  }
0x200: {  	s3 =	sld [smem:$0x7E7];
	_ =	sdelay $0x1  }
0x201: {  	p3 =	seq.s32 s24, $0x0  }
0x202: {  	s0 =	sand.u32 @!p3 $0x1, s3  }
0x203: {  	_ =	strace @!p3 $0x80000050;
	s0 =	sadd.s32 @!p3 $0x7, s0  }
0x204: {  	_ =	swait.ge @!p3 [sflag:s0], $0x4000  }
0x205: {  	s12 =	sadd.s32 $0x1, s24;
	[sflag:s0] =	ssyncset.done @!p3 $0x0  }
0x206: {  	s25 =	sld [smem:$0x7ED];
	[sflag:s0] =	ssyncadd.s32 @!p3 $0xFFFFC000;
	s0 =	simm.s32 $0x1  }
0x207: {  	s26 =	sld [smem:$0x7EC];
	s0 =	simm.s32 @!p0 $0x0;
	p0 =	sne.s32 s12, $0x20  }
.Ltmp1:
0x208: {  	s2 =	simm.s32 $0x1;
	s30 =	sld [smem:$0x7EA];
	(pc) =	sbr.rel @p0 .LBB2_2-.Ltmp1, $4  }
0x209: {  	s1 =	simm.s32 $0x1;
	s2 =	simm.s32 @!p1 $0x0;
	s31 =	sld [smem:$0x7EB]  }
0x20a: {  	s1 =	simm.s32 @!p2 $0x0;
	s3 =	sadd.s32 s2, s3;
	_ =	strace @!p3 $0x90000050  }
0x20b: {  	s8 =	sadd.s32 s1, s25;
	s11 =	sadd.s32 s1, s26;
	s26 =	sld [smem:$0x7F2]  }
0x20c: {  	s10 =	sadd.s32 s1, s30;
	s9 =	sadd.s32 s0, s31;
	s28 =	sld [smem:$0x7F1]  }
0x20d: {  	_ =	strace $0x80000051;
	s0 =	simm.s32 $0x8  }
0x20e: {  	_ =	swait.ge [sflag:s0], $0x4000  }
0x20f: {  	s1 =	sld [smem:$0x7F5]  }
0x210: {  	s31 =	sld [smem:$0x7F9];
	_ =	sdelay $0x1  }
0x211: {  	s1 =	sadd.s32 $0x1, s1  }
0x212: {  	p0 =	sne.s32 s1, s31  }
.Ltmp2:
0x213: {  	_ = 	snop;
	(pc) =	sbr.rel @p0 .LBB2_1-.Ltmp2, $4  }
0x214: {  	_ = 	snop  }
0x215: {  	[sflag:s0] =	ssyncset.done $0x0  }
0x216: {  	[sflag:s0] =	ssyncadd.s32 $0xFFFFC000  }
0x217: {  	_ =	strace $0x90000051  }
0x218: {  	_ =	sfence.sel $0x180000  }
0x219: {  	[bflag:$0x0] =	sbarrier.arrive $0xFFFF  }
0x21a: {  	_ =	strace $0x90000047  }
0x21b: {  	s0 =	stileid.u32;
	[bflag:$0x2] =	sbarrier.arrive $0xFFFF  }
0x21c: {  	p0 =	sne.s32 s0, $0x0;
	s0 =	rddreg [dreg:$0x4]  }
0x21d: {  	s0 =	sadd.s32 @!p0 $0x100000, s0  }
0x21e: {  	[sflag:s0] =	ssyncadd.tile.s32 @!p0 $0x1;
	_ =	shalt  }
.Lfunc_end2:
_tile_overlayer_lowered:
.L_overlay_start_2:
0x21f: {  	(tag) =	ssettag $0x2  }
0x220: {  	s0 =	rddreg [dreg:$0x0];
	s2 =	stileid.u32  }
0x221: {  	s1 =	rddreg [dreg:$0x1];
	p0 =	sne.s32 s2, $0x0  }
0x222: {  	s3 =	rddreg [dreg:$0x2];
	[bflag:$0x3] =	sbarrier.arrive $0xFFFF;
	s2 =	simm.s32 @!p0 $0x1C01  }
0x223: {  	[timem:s3], [sflag:s2] =	dma.local @!p0 [hbm:s0], s1  }
0x224: {  	s0 =	simm.s32 @!p0 $0x1  }
0x225: {  	_ =	swait.ge @!p0 [sflag:s0], s1  }
0x226: {  	s1 =	ssub.s32 @!p0 $0x0, s1;
	[sflag:s0] =	ssyncset.done @!p0 $0x0  }
0x227: {  	[sflag:s0] =	ssyncadd.s32 @!p0 s1  }
0x228: {  	[bflag:$0x3] =	sbarrier.arrive $0xFFFF  }
0x229: {  	_ =	shalt  }

</sc_bundles>
